<compile_context>
chip_gen: v7x
topology: tpu7x:2x2x1
jax: 0.10.2.dev20260603
libtpu: 0.0.44.dev20260713+nightly
codegen_flags: <defaults>
</compile_context>

<pallas_src>
import functools

import jax
import jax.numpy as jnp
from jax import lax
from jax.experimental import pallas as pl
from jax.experimental.pallas import tpu as pltpu
from jax.experimental.pallas import tpu_sc as plsc

N = 10000
D = 128
NPAD = 10240
K = 128
LANES = 16


def _zero_vmem_1d(ref, n):
    def body(i, _):
        ref[pl.ds(i * LANES, LANES)] = jnp.zeros((LANES,), jnp.float32)
        return 0
    lax.fori_loop(0, n // LANES, body, 0)


def _zero_vmem_2d(ref, rows):
    def body(i, _):
        for k in range(D // LANES):
            ref[i, pl.ds(k * LANES, LANES)] = jnp.zeros((LANES,), jnp.float32)
        return 0
    lax.fori_loop(0, rows, body, 0)


KD = 2000


def _make_deg_kernel(E, nc, ns):
    mesh = plsc.VectorSubcoreMesh(core_axis_name="c", subcore_axis_name="s")
    nt = nc * ns
    T = E // (KD * nt)
    slot = NPAD // ns

    @functools.partial(
        pl.kernel,
        out_type=(
            jax.ShapeDtypeStruct((nc * NPAD,), jnp.float32),
            jax.ShapeDtypeStruct((nc * NPAD,), jnp.float32),
        ),
        mesh=mesh,
        scratch_types=[
            pltpu.VMEM_SHARED((NPAD,), jnp.float32),
            pltpu.VMEM_SHARED((NPAD,), jnp.float32),
            pltpu.VMEM((KD,), jnp.int32),
            pltpu.VMEM((KD,), jnp.int32),
            pltpu.VMEM((KD,), jnp.int32),
            pltpu.VMEM((KD,), jnp.int32),
            pltpu.VMEM((KD,), jnp.float32),
            pltpu.VMEM((slot,), jnp.float32),
            pltpu.SemaphoreType.DMA,
            pltpu.SemaphoreType.DMA,
            pltpu.SemaphoreType.DMA,
            pltpu.SemaphoreType.DMA,
        ],
    )
    def deg_kernel(eflat, odeg_hbm, ideg_hbm,
                   histS_sh, histD_sh,
                   idxS0, idxS1, idxD0, idxD1, ones_v, zbuf,
                   semS0, semS1, semD0, semD1):
        c = lax.axis_index("c")
        s = lax.axis_index("s")
        w = c * ns + s
        _zero_vmem_1d(zbuf, slot)
        for j in range(KD // LANES):
            ones_v[pl.ds(j * LANES, LANES)] = jnp.ones((LANES,), jnp.float32)
        pltpu.sync_copy(zbuf, histS_sh.at[pl.ds(s * slot, slot)])
        pltpu.sync_copy(zbuf, histD_sh.at[pl.ds(s * slot, slot)])
        plsc.subcore_barrier()

        def fire(t, idxS, idxD, semS, semD):
            if t >= T:
                return
            off = (w * T + t) * KD
            pltpu.async_copy(eflat.at[pl.ds(off, KD)], idxS, semS)
            pltpu.async_copy(eflat.at[pl.ds(E + off, KD)], idxD, semD)

        def drain_add(t, idxS, idxD, semS, semD):
            off = (w * T + t) * KD
            pltpu.make_async_copy(eflat.at[pl.ds(off, KD)],
                                  idxS, semS).wait()
            pltpu.make_async_copy(eflat.at[pl.ds(E + off, KD)],
                                  idxD, semD).wait()
            pltpu.sync_copy(ones_v, histS_sh.at[idxS], add=True)
            pltpu.sync_copy(ones_v, histD_sh.at[idxD], add=True)

        IDX = [(idxS0, idxD0, semS0, semD0), (idxS1, idxD1, semS1, semD1)]
        fire(0, *IDX[0])
        fire(1, *IDX[1])
        for t in range(T):
            drain_add(t, *IDX[t % 2])
            fire(t + 2, *IDX[t % 2])
        plsc.subcore_barrier()
        pltpu.sync_copy(histS_sh.at[pl.ds(s * slot, slot)],
                        odeg_hbm.at[pl.ds(c * NPAD + s * slot, slot)])
        pltpu.sync_copy(histD_sh.at[pl.ds(s * slot, slot)],
                        ideg_hbm.at[pl.ds(c * NPAD + s * slot, slot)])

    return deg_kernel


def _make_agg_kernel(E, nc, ns):
    mesh = plsc.VectorSubcoreMesh(core_axis_name="c", subcore_axis_name="s")
    nt = nc * ns
    nblk = E // K
    T = -(-nblk // nt)
    rslot = NPAD // ns

    @functools.partial(
        pl.kernel,
        out_type=jax.ShapeDtypeStruct((nc * NPAD, D), jnp.float32),
        mesh=mesh,
        scratch_types=[
            pltpu.VMEM_SHARED((NPAD, D), jnp.float32),
            pltpu.VMEM((2, K), jnp.int32),
            pltpu.VMEM((2, K), jnp.int32),
            pltpu.VMEM((2, K), jnp.int32),
            pltpu.VMEM((2, K), jnp.int32),
            pltpu.VMEM((K, D), jnp.float32),
            pltpu.VMEM((K, D), jnp.float32),
            pltpu.SemaphoreType.DMA,
            pltpu.SemaphoreType.DMA,
            pltpu.SemaphoreType.DMA,
            pltpu.SemaphoreType.DMA,
            pltpu.SemaphoreType.DMA,
            pltpu.SemaphoreType.DMA,
            pltpu.SemaphoreType.DMA,
            pltpu.SemaphoreType.DMA,
        ],
    )
    def agg_kernel(fp_hbm, eidx3, agg_hbm,
                   agg_sh, idx0, idx1, idx2, idx3, rows0, rows1,
                   isem0, isem1, isem2, isem3,
                   gsem0, gsem1, ssem0, ssem1):
        c = lax.axis_index("c")
        s = lax.axis_index("s")
        w = c * ns + s
        _zero_vmem_2d(rows0, K)
        for t in range(rslot // K):
            pltpu.sync_copy(rows0,
                            agg_sh.at[pl.ds(s * rslot + t * K, K)])
        plsc.subcore_barrier()

        def idx_fire(t, idxb, isem):
            blk = w + nt * t

            @pl.when(blk < nblk)
            def _():
                pltpu.async_copy(eidx3.at[blk], idxb, isem)

        def idx_wait(t, idxb, isem):
            blk = w + nt * t

            @pl.when(blk < nblk)
            def _():
                pltpu.make_async_copy(eidx3.at[blk], idxb, isem).wait()

        H = K // 2

        def g_fire(t, idxb, rb, gsemA, gsemB):
            blk = w + nt * t

            @pl.when(blk < nblk)
            def _():
                pltpu.async_copy(fp_hbm.at[idxb.at[0, pl.ds(0, H)]],
                                 rb.at[pl.ds(0, H)], gsemA)
                pltpu.async_copy(fp_hbm.at[idxb.at[0, pl.ds(H, H)]],
                                 rb.at[pl.ds(H, H)], gsemB)

        def g_wait_scat(t, idxb, rb, gsemA, gsemB):
            blk = w + nt * t

            @pl.when(blk < nblk)
            def _():
                pltpu.make_async_copy(fp_hbm.at[idxb.at[0, pl.ds(0, H)]],
                                      rb.at[pl.ds(0, H)], gsemA).wait()
                pltpu.make_async_copy(fp_hbm.at[idxb.at[0, pl.ds(H, H)]],
                                      rb.at[pl.ds(H, H)], gsemB).wait()
                pltpu.sync_copy(rb, agg_sh.at[idxb.at[1]], add=True)

        IDX = [(idx0, isem0), (idx1, isem1), (idx2, isem2), (idx3, isem3)]
        ROWS = [(rows0, gsem0, ssem0), (rows1, gsem1, ssem1)]
        idx_fire(0, idx0, isem0)
        idx_fire(1, idx1, isem1)
        idx_fire(2, idx2, isem2)
        idx_wait(0, idx0, isem0)
        g_fire(0, idx0, rows0, gsem0, ssem0)

        def body(i, _):
            for k in range(4):
                t = 4 * i + k
                ibt, _ist = IDX[k]
                ib1, is1 = IDX[(k + 1) % 4]
                ib3, is3 = IDX[(k + 3) % 4]
                rbt, gAt, gBt = ROWS[k % 2]
                rb1, gA1, gB1 = ROWS[(k + 1) % 2]
                idx_wait(t + 1, ib1, is1)
                g_fire(t + 1, ib1, rb1, gA1, gB1)
                g_wait_scat(t, ibt, rbt, gAt, gBt)
                idx_fire(t + 3, ib3, is3)
            return 0

        nloop = -(-T // 4)
        lax.fori_loop(0, nloop, body, 0)
        plsc.subcore_barrier()
        pltpu.sync_copy(agg_sh.at[pl.ds(s * rslot, rslot)],
                        agg_hbm.at[pl.ds(c * NPAD + s * rslot, rslot)])

    return agg_kernel


def _prescale(feats, odp):
    blk = 1000
    grid = N // blk
    nc = odp.shape[0]

    def body(f_ref, d_ref, o_ref):
        deg = d_ref[0]
        for c in range(1, nc):
            deg = deg + d_ref[c]
        norm = lax.rsqrt(jnp.maximum(deg, 1.0))
        o_ref[...] = f_ref[...] * norm

    return pl.pallas_call(
        body,
        grid=(grid,),
        in_specs=[
            pl.BlockSpec((blk, D), lambda i: (i, 0)),
            pl.BlockSpec((nc, blk, 1), lambda i: (0, i, 0)),
        ],
        out_specs=pl.BlockSpec((blk, D), lambda i: (i, 0)),
        out_shape=jax.ShapeDtypeStruct((N, D), jnp.float32),
    )(feats, odp)


def _project(aggp, W, b2, idp, alpha2):
    blk = 1000
    grid = N // blk
    nc = aggp.shape[0]

    def body(a_ref, w_ref, b_ref, d_ref, al_ref, o_ref):
        agg = a_ref[0]
        deg = d_ref[0]
        for c in range(1, nc):
            agg = agg + a_ref[c]
            deg = deg + d_ref[c]
        h = jnp.dot(agg, w_ref[...], preferred_element_type=jnp.float32)
        h = h * lax.rsqrt(jnp.maximum(deg, 1.0)) + b_ref[...]
        a = al_ref[0, 0]
        o_ref[...] = jnp.where(h > 0, h, a * h)

    return pl.pallas_call(
        body,
        grid=(grid,),
        in_specs=[
            pl.BlockSpec((nc, blk, D), lambda i: (0, i, 0)),
            pl.BlockSpec((D, D), lambda i: (0, 0)),
            pl.BlockSpec((1, D), lambda i: (0, 0)),
            pl.BlockSpec((nc, blk, 1), lambda i: (0, i, 0)),
            pl.BlockSpec((1, 1), lambda i: (0, 0)),
        ],
        out_specs=pl.BlockSpec((blk, D), lambda i: (i, 0)),
        out_shape=jax.ShapeDtypeStruct((N, D), jnp.float32),
    )(aggp, W, b2, idp, alpha2)


def kernel(feats, edge_index, W, b, alpha):
    E = edge_index.shape[1]
    assert E % K == 0
    eidx3 = jnp.stack(
        [edge_index[0].reshape(E // K, K), edge_index[1].reshape(E // K, K)],
        axis=1)
    info = plsc.get_sparse_core_info()
    nc, ns = info.num_cores, info.num_subcores

    odp, idp = _make_deg_kernel(E, nc, ns)(edge_index.reshape(2 * E))
    fp = _prescale(feats, odp.reshape(nc, NPAD, 1))
    aggp = _make_agg_kernel(E, nc, ns)(fp, eidx3)
    out = _project(
        aggp.reshape(nc, NPAD, D), W, b.reshape(1, D),
        idp.reshape(nc, NPAD, 1), alpha.reshape(1, 1),
    )
    return out

# --- scband reference (transcript-rebuilt; emitter-appended) ---
"""Pipeline reference for scband-bi-graph-encoder-31353261260879 (READ-ONLY COPY).

The authoritative reference and input builder live on the scoring server;
editing this copy changes nothing except your own understanding.
"""

import jax, jax.numpy as jnp
import numpy as np

N = 10000
E = 320000
D_IN = 128
D_HID = 128

def setup_inputs(seed: int = 0) -> dict:
    key = jax.random.key(seed)
    k1, k2, k3 = jax.random.split(key, 3)
    feats = jax.random.normal(k1, (N, D_IN), dtype=jnp.float32)
    edge_index = jax.random.randint(k2, (2, E), 0, N, dtype=jnp.int32)
    # GraphConv weight (glorot-ish) and bias
    scale = np.sqrt(6.0 / (D_IN + D_HID)).astype(np.float32)
    W = jax.random.uniform(k3, (D_IN, D_HID), dtype=jnp.float32, minval=-scale, maxval=scale)
    b = jnp.zeros((D_HID,), dtype=jnp.float32)
    alpha = jnp.array(0.25, dtype=jnp.float32)  # PReLU parameter
    return {"feats": feats, "edge_index": edge_index, "W": W, "b": b, "alpha": alpha}

def reference(feats, edge_index, W, b, alpha):
    # DGL GraphConv with norm='both', followed by PReLU activation
    src = edge_index[0]
    dst = edge_index[1]
    ones = jnp.ones((E,), dtype=jnp.float32)
    out_deg = jnp.maximum(jax.ops.segment_sum(ones, src, num_segments=N), 1.0)
    in_deg = jnp.maximum(jax.ops.segment_sum(ones, dst, num_segments=N), 1.0)
    norm_src = out_deg ** -0.5
    norm_dst = in_deg ** -0.5
    # in_dim == out_dim: project first, then aggregate (either order is mathematically identical)
    h = feats * norm_src[:, None]
    h = h @ W
    msg = jnp.take(h, src, axis=0)          # gather over edges
    agg = jax.ops.segment_sum(msg, dst, num_segments=N)  # scatter-add
    agg = agg * norm_dst[:, None]
    h = agg + b
    # PReLU with single shared parameter
    return jnp.where(h > 0, h, alpha * h)

if __name__ == "__main__":
    import jax
    _d = setup_inputs()
    print(jax.jit(kernel)(*tuple(_d.values())))

</pallas_src>

<mosaic_0001>
#map = affine_map<(d0, d1) -> (0)>
module attributes {stable_mosaic.version = 14 : i64} {
  func.func @deg_kernel(%arg0: i32, %arg1: i32, %arg2: memref<640000xi32, #tpu.memory_space<hbm>>, %arg3: memref<20480xf32, #tpu.memory_space<hbm>>, %arg4: memref<20480xf32, #tpu.memory_space<hbm>>, %arg5: memref<10240xf32, #tpu.memory_space<vmem_shared>>, %arg6: memref<10240xf32, #tpu.memory_space<vmem_shared>>, %arg7: memref<2000xi32, #tpu.memory_space<vmem>>, %arg8: memref<2000xi32, #tpu.memory_space<vmem>>, %arg9: memref<2000xi32, #tpu.memory_space<vmem>>, %arg10: memref<2000xi32, #tpu.memory_space<vmem>>, %arg11: memref<2000xf32, #tpu.memory_space<vmem>>, %arg12: memref<640xf32, #tpu.memory_space<vmem>>, %arg13: memref<!tpu.dma_semaphore, #tpu.memory_space<semaphore_mem>>, %arg14: memref<!tpu.dma_semaphore, #tpu.memory_space<semaphore_mem>>, %arg15: memref<!tpu.dma_semaphore, #tpu.memory_space<semaphore_mem>>, %arg16: memref<!tpu.dma_semaphore, #tpu.memory_space<semaphore_mem>>) attributes {dimension_semantics = [#tpu.dimension_semantics<core_parallel>, #tpu.dimension_semantics<subcore_parallel>], iteration_bounds = array<i64: 2, 16>, scalar_prefetch = 0 : i64, scratch_operands = 12 : i64, tpu.core_type = #tpu.core_type<sc_vector_subcore>, window_params = [{transform_indices = #map}, {transform_indices = #map}, {transform_indices = #map}]} {
    %mul3A = arith.constant 16 : i32
    %mul3A_0 = arith.muli %arg0, %mul3A : i32
    %add3A = arith.addi %mul3A_0, %arg1 : i32
    %scan3A = arith.constant 0 : i32
    %scan3A_1 = arith.constant 0 : i32
    %scan3A_2 = arith.constant 40 : i32
    %scan3A_3 = arith.addi %scan3A_1, %scan3A_2 : i32
    %scan3A_4 = arith.constant 1 : i32
    %scan3A_5 = scf.for %scan3A_892 = %scan3A_1 to %scan3A_3 step %scan3A_4 iter_args(%scan3A_893 = %scan3A) -> (i32)  : i32 {
      %broadcast_in_dim3A_894 = arith.constant 0.000000e+00 : f32
      %broadcast_in_dim3A_895 = vector.broadcast %broadcast_in_dim3A_894 : f32 to vector<16xf32>
      %mul3A_896 = arith.constant 16 : i32
      %mul3A_897 = arith.muli %scan3A_892, %mul3A_896 : i32
      %swap3A_898 = arith.index_cast %mul3A_897 : i32 to index
      %swap3A_899 = tpu.vector_load %arg12[%swap3A_898] {strides = array<i32>} : memref<640xf32, #tpu.memory_space<vmem>>, vector<16xf32>,
      %swap3A_900 = vector.shape_cast %swap3A_899 : vector<16xf32> to vector<16xf32>
      %swap3A_901 = vector.shape_cast %broadcast_in_dim3A_895 : vector<16xf32> to vector<16xf32>
      tpu.vector_store %arg12[%swap3A_898], %swap3A_901 {strides = array<i32>} : memref<640xf32, #tpu.memory_space<vmem>>, vector<16xf32>,
      %scan3A_902 = arith.constant 0 : i32
      scf.yield %scan3A_902 : i32
    }
    %scan3A_6 = arith.constant 40 : i32
    %broadcast_in_dim3A = arith.constant 1.000000e+00 : f32
    %broadcast_in_dim3A_7 = vector.broadcast %broadcast_in_dim3A : f32 to vector<16xf32>
    %swap3A = arith.constant 0 : index
    %swap3A_8 = tpu.vector_load %arg11[%swap3A] {strides = array<i32>} : memref<2000xf32, #tpu.memory_space<vmem>>, vector<16xf32>,
    %swap3A_9 = vector.shape_cast %swap3A_8 : vector<16xf32> to vector<16xf32>
    %swap3A_10 = vector.shape_cast %broadcast_in_dim3A_7 : vector<16xf32> to vector<16xf32>
    tpu.vector_store %arg11[%swap3A], %swap3A_10 {strides = array<i32>} : memref<2000xf32, #tpu.memory_space<vmem>>, vector<16xf32>,
    %broadcast_in_dim3A_11 = arith.constant 1.000000e+00 : f32
    %broadcast_in_dim3A_12 = vector.broadcast %broadcast_in_dim3A_11 : f32 to vector<16xf32>
    %swap3A_13 = arith.constant 16 : index
    %swap3A_14 = tpu.vector_load %arg11[%swap3A_13] {strides = array<i32>} : memref<2000xf32, #tpu.memory_space<vmem>>, vector<16xf32>,
    %swap3A_15 = vector.shape_cast %swap3A_14 : vector<16xf32> to vector<16xf32>
    %swap3A_16 = vector.shape_cast %broadcast_in_dim3A_12 : vector<16xf32> to vector<16xf32>
    tpu.vector_store %arg11[%swap3A_13], %swap3A_16 {strides = array<i32>} : memref<2000xf32, #tpu.memory_space<vmem>>, vector<16xf32>,
    %broadcast_in_dim3A_17 = arith.constant 1.000000e+00 : f32
    %broadcast_in_dim3A_18 = vector.broadcast %broadcast_in_dim3A_17 : f32 to vector<16xf32>
    %swap3A_19 = arith.constant 32 : index
    %swap3A_20 = tpu.vector_load %arg11[%swap3A_19] {strides = array<i32>} : memref<2000xf32, #tpu.memory_space<vmem>>, vector<16xf32>,
    %swap3A_21 = vector.shape_cast %swap3A_20 : vector<16xf32> to vector<16xf32>
    %swap3A_22 = vector.shape_cast %broadcast_in_dim3A_18 : vector<16xf32> to vector<16xf32>
    tpu.vector_store %arg11[%swap3A_19], %swap3A_22 {strides = array<i32>} : memref<2000xf32, #tpu.memory_space<vmem>>, vector<16xf32>,
    %broadcast_in_dim3A_23 = arith.constant 1.000000e+00 : f32
    %broadcast_in_dim3A_24 = vector.broadcast %broadcast_in_dim3A_23 : f32 to vector<16xf32>
    %swap3A_25 = arith.constant 48 : index
    %swap3A_26 = tpu.vector_load %arg11[%swap3A_25] {strides = array<i32>} : memref<2000xf32, #tpu.memory_space<vmem>>, vector<16xf32>,
    %swap3A_27 = vector.shape_cast %swap3A_26 : vector<16xf32> to vector<16xf32>
    %swap3A_28 = vector.shape_cast %broadcast_in_dim3A_24 : vector<16xf32> to vector<16xf32>
    tpu.vector_store %arg11[%swap3A_25], %swap3A_28 {strides = array<i32>} : memref<2000xf32, #tpu.memory_space<vmem>>, vector<16xf32>,
    %broadcast_in_dim3A_29 = arith.constant 1.000000e+00 : f32
    %broadcast_in_dim3A_30 = vector.broadcast %broadcast_in_dim3A_29 : f32 to vector<16xf32>
    %swap3A_31 = arith.constant 64 : index
    %swap3A_32 = tpu.vector_load %arg11[%swap3A_31] {strides = array<i32>} : memref<2000xf32, #tpu.memory_space<vmem>>, vector<16xf32>,
    %swap3A_33 = vector.shape_cast %swap3A_32 : vector<16xf32> to vector<16xf32>
    %swap3A_34 = vector.shape_cast %broadcast_in_dim3A_30 : vector<16xf32> to vector<16xf32>
    tpu.vector_store %arg11[%swap3A_31], %swap3A_34 {strides = array<i32>} : memref<2000xf32, #tpu.memory_space<vmem>>, vector<16xf32>,
    %broadcast_in_dim3A_35 = arith.constant 1.000000e+00 : f32
    %broadcast_in_dim3A_36 = vector.broadcast %broadcast_in_dim3A_35 : f32 to vector<16xf32>
    %swap3A_37 = arith.constant 80 : index
    %swap3A_38 = tpu.vector_load %arg11[%swap3A_37] {strides = array<i32>} : memref<2000xf32, #tpu.memory_space<vmem>>, vector<16xf32>,
    %swap3A_39 = vector.shape_cast %swap3A_38 : vector<16xf32> to vector<16xf32>
    %swap3A_40 = vector.shape_cast %broadcast_in_dim3A_36 : vector<16xf32> to vector<16xf32>
    tpu.vector_store %arg11[%swap3A_37], %swap3A_40 {strides = array<i32>} : memref<2000xf32, #tpu.memory_space<vmem>>, vector<16xf32>,
    %broadcast_in_dim3A_41 = arith.constant 1.000000e+00 : f32
    %broadcast_in_dim3A_42 = vector.broadcast %broadcast_in_dim3A_41 : f32 to vector<16xf32>
    %swap3A_43 = arith.constant 96 : index
    %swap3A_44 = tpu.vector_load %arg11[%swap3A_43] {strides = array<i32>} : memref<2000xf32, #tpu.memory_space<vmem>>, vector<16xf32>,
    %swap3A_45 = vector.shape_cast %swap3A_44 : vector<16xf32> to vector<16xf32>
    %swap3A_46 = vector.shape_cast %broadcast_in_dim3A_42 : vector<16xf32> to vector<16xf32>
    tpu.vector_store %arg11[%swap3A_43], %swap3A_46 {strides = array<i32>} : memref<2000xf32, #tpu.memory_space<vmem>>, vector<16xf32>,
    %broadcast_in_dim3A_47 = arith.constant 1.000000e+00 : f32
    %broadcast_in_dim3A_48 = vector.broadcast %broadcast_in_dim3A_47 : f32 to vector<16xf32>
    %swap3A_49 = arith.constant 112 : index
    %swap3A_50 = tpu.vector_load %arg11[%swap3A_49] {strides = array<i32>} : memref<2000xf32, #tpu.memory_space<vmem>>, vector<16xf32>,
    %swap3A_51 = vector.shape_cast %swap3A_50 : vector<16xf32> to vector<16xf32>
    %swap3A_52 = vector.shape_cast %broadcast_in_dim3A_48 : vector<16xf32> to vector<16xf32>
    tpu.vector_store %arg11[%swap3A_49], %swap3A_52 {strides = array<i32>} : memref<2000xf32, #tpu.memory_space<vmem>>, vector<16xf32>,
    %broadcast_in_dim3A_53 = arith.constant 1.000000e+00 : f32
    %broadcast_in_dim3A_54 = vector.broadcast %broadcast_in_dim3A_53 : f32 to vector<16xf32>
    %swap3A_55 = arith.constant 128 : index
    %swap3A_56 = tpu.vector_load %arg11[%swap3A_55] {strides = array<i32>} : memref<2000xf32, #tpu.memory_space<vmem>>, vector<16xf32>,
    %swap3A_57 = vector.shape_cast %swap3A_56 : vector<16xf32> to vector<16xf32>
    %swap3A_58 = vector.shape_cast %broadcast_in_dim3A_54 : vector<16xf32> to vector<16xf32>
    tpu.vector_store %arg11[%swap3A_55], %swap3A_58 {strides = array<i32>} : memref<2000xf32, #tpu.memory_space<vmem>>, vector<16xf32>,
    %broadcast_in_dim3A_59 = arith.constant 1.000000e+00 : f32
    %broadcast_in_dim3A_60 = vector.broadcast %broadcast_in_dim3A_59 : f32 to vector<16xf32>
    %swap3A_61 = arith.constant 144 : index
    %swap3A_62 = tpu.vector_load %arg11[%swap3A_61] {strides = array<i32>} : memref<2000xf32, #tpu.memory_space<vmem>>, vector<16xf32>,
    %swap3A_63 = vector.shape_cast %swap3A_62 : vector<16xf32> to vector<16xf32>
    %swap3A_64 = vector.shape_cast %broadcast_in_dim3A_60 : vector<16xf32> to vector<16xf32>
    tpu.vector_store %arg11[%swap3A_61], %swap3A_64 {strides = array<i32>} : memref<2000xf32, #tpu.memory_space<vmem>>, vector<16xf32>,
    %broadcast_in_dim3A_65 = arith.constant 1.000000e+00 : f32
    %broadcast_in_dim3A_66 = vector.broadcast %broadcast_in_dim3A_65 : f32 to vector<16xf32>
    %swap3A_67 = arith.constant 160 : index
    %swap3A_68 = tpu.vector_load %arg11[%swap3A_67] {strides = array<i32>} : memref<2000xf32, #tpu.memory_space<vmem>>, vector<16xf32>,
    %swap3A_69 = vector.shape_cast %swap3A_68 : vector<16xf32> to vector<16xf32>
    %swap3A_70 = vector.shape_cast %broadcast_in_dim3A_66 : vector<16xf32> to vector<16xf32>
    tpu.vector_store %arg11[%swap3A_67], %swap3A_70 {strides = array<i32>} : memref<2000xf32, #tpu.memory_space<vmem>>, vector<16xf32>,
    %broadcast_in_dim3A_71 = arith.constant 1.000000e+00 : f32
    %broadcast_in_dim3A_72 = vector.broadcast %broadcast_in_dim3A_71 : f32 to vector<16xf32>
    %swap3A_73 = arith.constant 176 : index
    %swap3A_74 = tpu.vector_load %arg11[%swap3A_73] {strides = array<i32>} : memref<2000xf32, #tpu.memory_space<vmem>>, vector<16xf32>,
    %swap3A_75 = vector.shape_cast %swap3A_74 : vector<16xf32> to vector<16xf32>
    %swap3A_76 = vector.shape_cast %broadcast_in_dim3A_72 : vector<16xf32> to vector<16xf32>
    tpu.vector_store %arg11[%swap3A_73], %swap3A_76 {strides = array<i32>} : memref<2000xf32, #tpu.memory_space<vmem>>, vector<16xf32>,
    %broadcast_in_dim3A_77 = arith.constant 1.000000e+00 : f32
    %broadcast_in_dim3A_78 = vector.broadcast %broadcast_in_dim3A_77 : f32 to vector<16xf32>
    %swap3A_79 = arith.constant 192 : index
    %swap3A_80 = tpu.vector_load %arg11[%swap3A_79] {strides = array<i32>} : memref<2000xf32, #tpu.memory_space<vmem>>, vector<16xf32>,
    %swap3A_81 = vector.shape_cast %swap3A_80 : vector<16xf32> to vector<16xf32>
    %swap3A_82 = vector.shape_cast %broadcast_in_dim3A_78 : vector<16xf32> to vector<16xf32>
    tpu.vector_store %arg11[%swap3A_79], %swap3A_82 {strides = array<i32>} : memref<2000xf32, #tpu.memory_space<vmem>>, vector<16xf32>,
    %broadcast_in_dim3A_83 = arith.constant 1.000000e+00 : f32
    %broadcast_in_dim3A_84 = vector.broadcast %broadcast_in_dim3A_83 : f32 to vector<16xf32>
    %swap3A_85 = arith.constant 208 : index
    %swap3A_86 = tpu.vector_load %arg11[%swap3A_85] {strides = array<i32>} : memref<2000xf32, #tpu.memory_space<vmem>>, vector<16xf32>,
    %swap3A_87 = vector.shape_cast %swap3A_86 : vector<16xf32> to vector<16xf32>
    %swap3A_88 = vector.shape_cast %broadcast_in_dim3A_84 : vector<16xf32> to vector<16xf32>
    tpu.vector_store %arg11[%swap3A_85], %swap3A_88 {strides = array<i32>} : memref<2000xf32, #tpu.memory_space<vmem>>, vector<16xf32>,
    %broadcast_in_dim3A_89 = arith.constant 1.000000e+00 : f32
    %broadcast_in_dim3A_90 = vector.broadcast %broadcast_in_dim3A_89 : f32 to vector<16xf32>
    %swap3A_91 = arith.constant 224 : index
    %swap3A_92 = tpu.vector_load %arg11[%swap3A_91] {strides = array<i32>} : memref<2000xf32, #tpu.memory_space<vmem>>, vector<16xf32>,
    %swap3A_93 = vector.shape_cast %swap3A_92 : vector<16xf32> to vector<16xf32>
    %swap3A_94 = vector.shape_cast %broadcast_in_dim3A_90 : vector<16xf32> to vector<16xf32>
    tpu.vector_store %arg11[%swap3A_91], %swap3A_94 {strides = array<i32>} : memref<2000xf32, #tpu.memory_space<vmem>>, vector<16xf32>,
    %broadcast_in_dim3A_95 = arith.constant 1.000000e+00 : f32
    %broadcast_in_dim3A_96 = vector.broadcast %broadcast_in_dim3A_95 : f32 to vector<16xf32>
    %swap3A_97 = arith.constant 240 : index
    %swap3A_98 = tpu.vector_load %arg11[%swap3A_97] {strides = array<i32>} : memref<2000xf32, #tpu.memory_space<vmem>>, vector<16xf32>,
    %swap3A_99 = vector.shape_cast %swap3A_98 : vector<16xf32> to vector<16xf32>
    %swap3A_100 = vector.shape_cast %broadcast_in_dim3A_96 : vector<16xf32> to vector<16xf32>
    tpu.vector_store %arg11[%swap3A_97], %swap3A_100 {strides = array<i32>} : memref<2000xf32, #tpu.memory_space<vmem>>, vector<16xf32>,
    %broadcast_in_dim3A_101 = arith.constant 1.000000e+00 : f32
    %broadcast_in_dim3A_102 = vector.broadcast %broadcast_in_dim3A_101 : f32 to vector<16xf32>
    %swap3A_103 = arith.constant 256 : index
    %swap3A_104 = tpu.vector_load %arg11[%swap3A_103] {strides = array<i32>} : memref<2000xf32, #tpu.memory_space<vmem>>, vector<16xf32>,
    %swap3A_105 = vector.shape_cast %swap3A_104 : vector<16xf32> to vector<16xf32>
    %swap3A_106 = vector.shape_cast %broadcast_in_dim3A_102 : vector<16xf32> to vector<16xf32>
    tpu.vector_store %arg11[%swap3A_103], %swap3A_106 {strides = array<i32>} : memref<2000xf32, #tpu.memory_space<vmem>>, vector<16xf32>,
    %broadcast_in_dim3A_107 = arith.constant 1.000000e+00 : f32
    %broadcast_in_dim3A_108 = vector.broadcast %broadcast_in_dim3A_107 : f32 to vector<16xf32>
    %swap3A_109 = arith.constant 272 : index
    %swap3A_110 = tpu.vector_load %arg11[%swap3A_109] {strides = array<i32>} : memref<2000xf32, #tpu.memory_space<vmem>>, vector<16xf32>,
    %swap3A_111 = vector.shape_cast %swap3A_110 : vector<16xf32> to vector<16xf32>
    %swap3A_112 = vector.shape_cast %broadcast_in_dim3A_108 : vector<16xf32> to vector<16xf32>
    tpu.vector_store %arg11[%swap3A_109], %swap3A_112 {strides = array<i32>} : memref<2000xf32, #tpu.memory_space<vmem>>, vector<16xf32>,
    %broadcast_in_dim3A_113 = arith.constant 1.000000e+00 : f32
    %broadcast_in_dim3A_114 = vector.broadcast %broadcast_in_dim3A_113 : f32 to vector<16xf32>
    %swap3A_115 = arith.constant 288 : index
    %swap3A_116 = tpu.vector_load %arg11[%swap3A_115] {strides = array<i32>} : memref<2000xf32, #tpu.memory_space<vmem>>, vector<16xf32>,
    %swap3A_117 = vector.shape_cast %swap3A_116 : vector<16xf32> to vector<16xf32>
    %swap3A_118 = vector.shape_cast %broadcast_in_dim3A_114 : vector<16xf32> to vector<16xf32>
    tpu.vector_store %arg11[%swap3A_115], %swap3A_118 {strides = array<i32>} : memref<2000xf32, #tpu.memory_space<vmem>>, vector<16xf32>,
    %broadcast_in_dim3A_119 = arith.constant 1.000000e+00 : f32
    %broadcast_in_dim3A_120 = vector.broadcast %broadcast_in_dim3A_119 : f32 to vector<16xf32>
    %swap3A_121 = arith.constant 304 : index
    %swap3A_122 = tpu.vector_load %arg11[%swap3A_121] {strides = array<i32>} : memref<2000xf32, #tpu.memory_space<vmem>>, vector<16xf32>,
    %swap3A_123 = vector.shape_cast %swap3A_122 : vector<16xf32> to vector<16xf32>
    %swap3A_124 = vector.shape_cast %broadcast_in_dim3A_120 : vector<16xf32> to vector<16xf32>
    tpu.vector_store %arg11[%swap3A_121], %swap3A_124 {strides = array<i32>} : memref<2000xf32, #tpu.memory_space<vmem>>, vector<16xf32>,
    %broadcast_in_dim3A_125 = arith.constant 1.000000e+00 : f32
    %broadcast_in_dim3A_126 = vector.broadcast %broadcast_in_dim3A_125 : f32 to vector<16xf32>
    %swap3A_127 = arith.constant 320 : index
    %swap3A_128 = tpu.vector_load %arg11[%swap3A_127] {strides = array<i32>} : memref<2000xf32, #tpu.memory_space<vmem>>, vector<16xf32>,
    %swap3A_129 = vector.shape_cast %swap3A_128 : vector<16xf32> to vector<16xf32>
    %swap3A_130 = vector.shape_cast %broadcast_in_dim3A_126 : vector<16xf32> to vector<16xf32>
    tpu.vector_store %arg11[%swap3A_127], %swap3A_130 {strides = array<i32>} : memref<2000xf32, #tpu.memory_space<vmem>>, vector<16xf32>,
    %broadcast_in_dim3A_131 = arith.constant 1.000000e+00 : f32
    %broadcast_in_dim3A_132 = vector.broadcast %broadcast_in_dim3A_131 : f32 to vector<16xf32>
    %swap3A_133 = arith.constant 336 : index
    %swap3A_134 = tpu.vector_load %arg11[%swap3A_133] {strides = array<i32>} : memref<2000xf32, #tpu.memory_space<vmem>>, vector<16xf32>,
    %swap3A_135 = vector.shape_cast %swap3A_134 : vector<16xf32> to vector<16xf32>
    %swap3A_136 = vector.shape_cast %broadcast_in_dim3A_132 : vector<16xf32> to vector<16xf32>
    tpu.vector_store %arg11[%swap3A_133], %swap3A_136 {strides = array<i32>} : memref<2000xf32, #tpu.memory_space<vmem>>, vector<16xf32>,
    %broadcast_in_dim3A_137 = arith.constant 1.000000e+00 : f32
    %broadcast_in_dim3A_138 = vector.broadcast %broadcast_in_dim3A_137 : f32 to vector<16xf32>
    %swap3A_139 = arith.constant 352 : index
    %swap3A_140 = tpu.vector_load %arg11[%swap3A_139] {strides = array<i32>} : memref<2000xf32, #tpu.memory_space<vmem>>, vector<16xf32>,
    %swap3A_141 = vector.shape_cast %swap3A_140 : vector<16xf32> to vector<16xf32>
    %swap3A_142 = vector.shape_cast %broadcast_in_dim3A_138 : vector<16xf32> to vector<16xf32>
    tpu.vector_store %arg11[%swap3A_139], %swap3A_142 {strides = array<i32>} : memref<2000xf32, #tpu.memory_space<vmem>>, vector<16xf32>,
    %broadcast_in_dim3A_143 = arith.constant 1.000000e+00 : f32
    %broadcast_in_dim3A_144 = vector.broadcast %broadcast_in_dim3A_143 : f32 to vector<16xf32>
    %swap3A_145 = arith.constant 368 : index
    %swap3A_146 = tpu.vector_load %arg11[%swap3A_145] {strides = array<i32>} : memref<2000xf32, #tpu.memory_space<vmem>>, vector<16xf32>,
    %swap3A_147 = vector.shape_cast %swap3A_146 : vector<16xf32> to vector<16xf32>
    %swap3A_148 = vector.shape_cast %broadcast_in_dim3A_144 : vector<16xf32> to vector<16xf32>
    tpu.vector_store %arg11[%swap3A_145], %swap3A_148 {strides = array<i32>} : memref<2000xf32, #tpu.memory_space<vmem>>, vector<16xf32>,
    %broadcast_in_dim3A_149 = arith.constant 1.000000e+00 : f32
    %broadcast_in_dim3A_150 = vector.broadcast %broadcast_in_dim3A_149 : f32 to vector<16xf32>
    %swap3A_151 = arith.constant 384 : index
    %swap3A_152 = tpu.vector_load %arg11[%swap3A_151] {strides = array<i32>} : memref<2000xf32, #tpu.memory_space<vmem>>, vector<16xf32>,
    %swap3A_153 = vector.shape_cast %swap3A_152 : vector<16xf32> to vector<16xf32>
    %swap3A_154 = vector.shape_cast %broadcast_in_dim3A_150 : vector<16xf32> to vector<16xf32>
    tpu.vector_store %arg11[%swap3A_151], %swap3A_154 {strides = array<i32>} : memref<2000xf32, #tpu.memory_space<vmem>>, vector<16xf32>,
    %broadcast_in_dim3A_155 = arith.constant 1.000000e+00 : f32
    %broadcast_in_dim3A_156 = vector.broadcast %broadcast_in_dim3A_155 : f32 to vector<16xf32>
    %swap3A_157 = arith.constant 400 : index
    %swap3A_158 = tpu.vector_load %arg11[%swap3A_157] {strides = array<i32>} : memref<2000xf32, #tpu.memory_space<vmem>>, vector<16xf32>,
    %swap3A_159 = vector.shape_cast %swap3A_158 : vector<16xf32> to vector<16xf32>
    %swap3A_160 = vector.shape_cast %broadcast_in_dim3A_156 : vector<16xf32> to vector<16xf32>
    tpu.vector_store %arg11[%swap3A_157], %swap3A_160 {strides = array<i32>} : memref<2000xf32, #tpu.memory_space<vmem>>, vector<16xf32>,
    %broadcast_in_dim3A_161 = arith.constant 1.000000e+00 : f32
    %broadcast_in_dim3A_162 = vector.broadcast %broadcast_in_dim3A_161 : f32 to vector<16xf32>
    %swap3A_163 = arith.constant 416 : index
    %swap3A_164 = tpu.vector_load %arg11[%swap3A_163] {strides = array<i32>} : memref<2000xf32, #tpu.memory_space<vmem>>, vector<16xf32>,
    %swap3A_165 = vector.shape_cast %swap3A_164 : vector<16xf32> to vector<16xf32>
    %swap3A_166 = vector.shape_cast %broadcast_in_dim3A_162 : vector<16xf32> to vector<16xf32>
    tpu.vector_store %arg11[%swap3A_163], %swap3A_166 {strides = array<i32>} : memref<2000xf32, #tpu.memory_space<vmem>>, vector<16xf32>,
    %broadcast_in_dim3A_167 = arith.constant 1.000000e+00 : f32
    %broadcast_in_dim3A_168 = vector.broadcast %broadcast_in_dim3A_167 : f32 to vector<16xf32>
    %swap3A_169 = arith.constant 432 : index
    %swap3A_170 = tpu.vector_load %arg11[%swap3A_169] {strides = array<i32>} : memref<2000xf32, #tpu.memory_space<vmem>>, vector<16xf32>,
    %swap3A_171 = vector.shape_cast %swap3A_170 : vector<16xf32> to vector<16xf32>
    %swap3A_172 = vector.shape_cast %broadcast_in_dim3A_168 : vector<16xf32> to vector<16xf32>
    tpu.vector_store %arg11[%swap3A_169], %swap3A_172 {strides = array<i32>} : memref<2000xf32, #tpu.memory_space<vmem>>, vector<16xf32>,
    %broadcast_in_dim3A_173 = arith.constant 1.000000e+00 : f32
    %broadcast_in_dim3A_174 = vector.broadcast %broadcast_in_dim3A_173 : f32 to vector<16xf32>
    %swap3A_175 = arith.constant 448 : index
    %swap3A_176 = tpu.vector_load %arg11[%swap3A_175] {strides = array<i32>} : memref<2000xf32, #tpu.memory_space<vmem>>, vector<16xf32>,
    %swap3A_177 = vector.shape_cast %swap3A_176 : vector<16xf32> to vector<16xf32>
    %swap3A_178 = vector.shape_cast %broadcast_in_dim3A_174 : vector<16xf32> to vector<16xf32>
    tpu.vector_store %arg11[%swap3A_175], %swap3A_178 {strides = array<i32>} : memref<2000xf32, #tpu.memory_space<vmem>>, vector<16xf32>,
    %broadcast_in_dim3A_179 = arith.constant 1.000000e+00 : f32
    %broadcast_in_dim3A_180 = vector.broadcast %broadcast_in_dim3A_179 : f32 to vector<16xf32>
    %swap3A_181 = arith.constant 464 : index
    %swap3A_182 = tpu.vector_load %arg11[%swap3A_181] {strides = array<i32>} : memref<2000xf32, #tpu.memory_space<vmem>>, vector<16xf32>,
    %swap3A_183 = vector.shape_cast %swap3A_182 : vector<16xf32> to vector<16xf32>
    %swap3A_184 = vector.shape_cast %broadcast_in_dim3A_180 : vector<16xf32> to vector<16xf32>
    tpu.vector_store %arg11[%swap3A_181], %swap3A_184 {strides = array<i32>} : memref<2000xf32, #tpu.memory_space<vmem>>, vector<16xf32>,
    %broadcast_in_dim3A_185 = arith.constant 1.000000e+00 : f32
    %broadcast_in_dim3A_186 = vector.broadcast %broadcast_in_dim3A_185 : f32 to vector<16xf32>
    %swap3A_187 = arith.constant 480 : index
    %swap3A_188 = tpu.vector_load %arg11[%swap3A_187] {strides = array<i32>} : memref<2000xf32, #tpu.memory_space<vmem>>, vector<16xf32>,
    %swap3A_189 = vector.shape_cast %swap3A_188 : vector<16xf32> to vector<16xf32>
    %swap3A_190 = vector.shape_cast %broadcast_in_dim3A_186 : vector<16xf32> to vector<16xf32>
    tpu.vector_store %arg11[%swap3A_187], %swap3A_190 {strides = array<i32>} : memref<2000xf32, #tpu.memory_space<vmem>>, vector<16xf32>,
    %broadcast_in_dim3A_191 = arith.constant 1.000000e+00 : f32
    %broadcast_in_dim3A_192 = vector.broadcast %broadcast_in_dim3A_191 : f32 to vector<16xf32>
    %swap3A_193 = arith.constant 496 : index
    %swap3A_194 = tpu.vector_load %arg11[%swap3A_193] {strides = array<i32>} : memref<2000xf32, #tpu.memory_space<vmem>>, vector<16xf32>,
    %swap3A_195 = vector.shape_cast %swap3A_194 : vector<16xf32> to vector<16xf32>
    %swap3A_196 = vector.shape_cast %broadcast_in_dim3A_192 : vector<16xf32> to vector<16xf32>
    tpu.vector_store %arg11[%swap3A_193], %swap3A_196 {strides = array<i32>} : memref<2000xf32, #tpu.memory_space<vmem>>, vector<16xf32>,
    %broadcast_in_dim3A_197 = arith.constant 1.000000e+00 : f32
    %broadcast_in_dim3A_198 = vector.broadcast %broadcast_in_dim3A_197 : f32 to vector<16xf32>
    %swap3A_199 = arith.constant 512 : index
    %swap3A_200 = tpu.vector_load %arg11[%swap3A_199] {strides = array<i32>} : memref<2000xf32, #tpu.memory_space<vmem>>, vector<16xf32>,
    %swap3A_201 = vector.shape_cast %swap3A_200 : vector<16xf32> to vector<16xf32>
    %swap3A_202 = vector.shape_cast %broadcast_in_dim3A_198 : vector<16xf32> to vector<16xf32>
    tpu.vector_store %arg11[%swap3A_199], %swap3A_202 {strides = array<i32>} : memref<2000xf32, #tpu.memory_space<vmem>>, vector<16xf32>,
    %broadcast_in_dim3A_203 = arith.constant 1.000000e+00 : f32
    %broadcast_in_dim3A_204 = vector.broadcast %broadcast_in_dim3A_203 : f32 to vector<16xf32>
    %swap3A_205 = arith.constant 528 : index
    %swap3A_206 = tpu.vector_load %arg11[%swap3A_205] {strides = array<i32>} : memref<2000xf32, #tpu.memory_space<vmem>>, vector<16xf32>,
    %swap3A_207 = vector.shape_cast %swap3A_206 : vector<16xf32> to vector<16xf32>
    %swap3A_208 = vector.shape_cast %broadcast_in_dim3A_204 : vector<16xf32> to vector<16xf32>
    tpu.vector_store %arg11[%swap3A_205], %swap3A_208 {strides = array<i32>} : memref<2000xf32, #tpu.memory_space<vmem>>, vector<16xf32>,
    %broadcast_in_dim3A_209 = arith.constant 1.000000e+00 : f32
    %broadcast_in_dim3A_210 = vector.broadcast %broadcast_in_dim3A_209 : f32 to vector<16xf32>
    %swap3A_211 = arith.constant 544 : index
    %swap3A_212 = tpu.vector_load %arg11[%swap3A_211] {strides = array<i32>} : memref<2000xf32, #tpu.memory_space<vmem>>, vector<16xf32>,
    %swap3A_213 = vector.shape_cast %swap3A_212 : vector<16xf32> to vector<16xf32>
    %swap3A_214 = vector.shape_cast %broadcast_in_dim3A_210 : vector<16xf32> to vector<16xf32>
    tpu.vector_store %arg11[%swap3A_211], %swap3A_214 {strides = array<i32>} : memref<2000xf32, #tpu.memory_space<vmem>>, vector<16xf32>,
    %broadcast_in_dim3A_215 = arith.constant 1.000000e+00 : f32
    %broadcast_in_dim3A_216 = vector.broadcast %broadcast_in_dim3A_215 : f32 to vector<16xf32>
    %swap3A_217 = arith.constant 560 : index
    %swap3A_218 = tpu.vector_load %arg11[%swap3A_217] {strides = array<i32>} : memref<2000xf32, #tpu.memory_space<vmem>>, vector<16xf32>,
    %swap3A_219 = vector.shape_cast %swap3A_218 : vector<16xf32> to vector<16xf32>
    %swap3A_220 = vector.shape_cast %broadcast_in_dim3A_216 : vector<16xf32> to vector<16xf32>
    tpu.vector_store %arg11[%swap3A_217], %swap3A_220 {strides = array<i32>} : memref<2000xf32, #tpu.memory_space<vmem>>, vector<16xf32>,
    %broadcast_in_dim3A_221 = arith.constant 1.000000e+00 : f32
    %broadcast_in_dim3A_222 = vector.broadcast %broadcast_in_dim3A_221 : f32 to vector<16xf32>
    %swap3A_223 = arith.constant 576 : index
    %swap3A_224 = tpu.vector_load %arg11[%swap3A_223] {strides = array<i32>} : memref<2000xf32, #tpu.memory_space<vmem>>, vector<16xf32>,
    %swap3A_225 = vector.shape_cast %swap3A_224 : vector<16xf32> to vector<16xf32>
    %swap3A_226 = vector.shape_cast %broadcast_in_dim3A_222 : vector<16xf32> to vector<16xf32>
    tpu.vector_store %arg11[%swap3A_223], %swap3A_226 {strides = array<i32>} : memref<2000xf32, #tpu.memory_space<vmem>>, vector<16xf32>,
    %broadcast_in_dim3A_227 = arith.constant 1.000000e+00 : f32
    %broadcast_in_dim3A_228 = vector.broadcast %broadcast_in_dim3A_227 : f32 to vector<16xf32>
    %swap3A_229 = arith.constant 592 : index
    %swap3A_230 = tpu.vector_load %arg11[%swap3A_229] {strides = array<i32>} : memref<2000xf32, #tpu.memory_space<vmem>>, vector<16xf32>,
    %swap3A_231 = vector.shape_cast %swap3A_230 : vector<16xf32> to vector<16xf32>
    %swap3A_232 = vector.shape_cast %broadcast_in_dim3A_228 : vector<16xf32> to vector<16xf32>
    tpu.vector_store %arg11[%swap3A_229], %swap3A_232 {strides = array<i32>} : memref<2000xf32, #tpu.memory_space<vmem>>, vector<16xf32>,
    %broadcast_in_dim3A_233 = arith.constant 1.000000e+00 : f32
    %broadcast_in_dim3A_234 = vector.broadcast %broadcast_in_dim3A_233 : f32 to vector<16xf32>
    %swap3A_235 = arith.constant 608 : index
    %swap3A_236 = tpu.vector_load %arg11[%swap3A_235] {strides = array<i32>} : memref<2000xf32, #tpu.memory_space<vmem>>, vector<16xf32>,
    %swap3A_237 = vector.shape_cast %swap3A_236 : vector<16xf32> to vector<16xf32>
    %swap3A_238 = vector.shape_cast %broadcast_in_dim3A_234 : vector<16xf32> to vector<16xf32>
    tpu.vector_store %arg11[%swap3A_235], %swap3A_238 {strides = array<i32>} : memref<2000xf32, #tpu.memory_space<vmem>>, vector<16xf32>,
    %broadcast_in_dim3A_239 = arith.constant 1.000000e+00 : f32
    %broadcast_in_dim3A_240 = vector.broadcast %broadcast_in_dim3A_239 : f32 to vector<16xf32>
    %swap3A_241 = arith.constant 624 : index
    %swap3A_242 = tpu.vector_load %arg11[%swap3A_241] {strides = array<i32>} : memref<2000xf32, #tpu.memory_space<vmem>>, vector<16xf32>,
    %swap3A_243 = vector.shape_cast %swap3A_242 : vector<16xf32> to vector<16xf32>
    %swap3A_244 = vector.shape_cast %broadcast_in_dim3A_240 : vector<16xf32> to vector<16xf32>
    tpu.vector_store %arg11[%swap3A_241], %swap3A_244 {strides = array<i32>} : memref<2000xf32, #tpu.memory_space<vmem>>, vector<16xf32>,
    %broadcast_in_dim3A_245 = arith.constant 1.000000e+00 : f32
    %broadcast_in_dim3A_246 = vector.broadcast %broadcast_in_dim3A_245 : f32 to vector<16xf32>
    %swap3A_247 = arith.constant 640 : index
    %swap3A_248 = tpu.vector_load %arg11[%swap3A_247] {strides = array<i32>} : memref<2000xf32, #tpu.memory_space<vmem>>, vector<16xf32>,
    %swap3A_249 = vector.shape_cast %swap3A_248 : vector<16xf32> to vector<16xf32>
    %swap3A_250 = vector.shape_cast %broadcast_in_dim3A_246 : vector<16xf32> to vector<16xf32>
    tpu.vector_store %arg11[%swap3A_247], %swap3A_250 {strides = array<i32>} : memref<2000xf32, #tpu.memory_space<vmem>>, vector<16xf32>,
    %broadcast_in_dim3A_251 = arith.constant 1.000000e+00 : f32
    %broadcast_in_dim3A_252 = vector.broadcast %broadcast_in_dim3A_251 : f32 to vector<16xf32>
    %swap3A_253 = arith.constant 656 : index
    %swap3A_254 = tpu.vector_load %arg11[%swap3A_253] {strides = array<i32>} : memref<2000xf32, #tpu.memory_space<vmem>>, vector<16xf32>,
    %swap3A_255 = vector.shape_cast %swap3A_254 : vector<16xf32> to vector<16xf32>
    %swap3A_256 = vector.shape_cast %broadcast_in_dim3A_252 : vector<16xf32> to vector<16xf32>
    tpu.vector_store %arg11[%swap3A_253], %swap3A_256 {strides = array<i32>} : memref<2000xf32, #tpu.memory_space<vmem>>, vector<16xf32>,
    %broadcast_in_dim3A_257 = arith.constant 1.000000e+00 : f32
    %broadcast_in_dim3A_258 = vector.broadcast %broadcast_in_dim3A_257 : f32 to vector<16xf32>
    %swap3A_259 = arith.constant 672 : index
    %swap3A_260 = tpu.vector_load %arg11[%swap3A_259] {strides = array<i32>} : memref<2000xf32, #tpu.memory_space<vmem>>, vector<16xf32>,
    %swap3A_261 = vector.shape_cast %swap3A_260 : vector<16xf32> to vector<16xf32>
    %swap3A_262 = vector.shape_cast %broadcast_in_dim3A_258 : vector<16xf32> to vector<16xf32>
    tpu.vector_store %arg11[%swap3A_259], %swap3A_262 {strides = array<i32>} : memref<2000xf32, #tpu.memory_space<vmem>>, vector<16xf32>,
    %broadcast_in_dim3A_263 = arith.constant 1.000000e+00 : f32
    %broadcast_in_dim3A_264 = vector.broadcast %broadcast_in_dim3A_263 : f32 to vector<16xf32>
    %swap3A_265 = arith.constant 688 : index
    %swap3A_266 = tpu.vector_load %arg11[%swap3A_265] {strides = array<i32>} : memref<2000xf32, #tpu.memory_space<vmem>>, vector<16xf32>,
    %swap3A_267 = vector.shape_cast %swap3A_266 : vector<16xf32> to vector<16xf32>
    %swap3A_268 = vector.shape_cast %broadcast_in_dim3A_264 : vector<16xf32> to vector<16xf32>
    tpu.vector_store %arg11[%swap3A_265], %swap3A_268 {strides = array<i32>} : memref<2000xf32, #tpu.memory_space<vmem>>, vector<16xf32>,
    %broadcast_in_dim3A_269 = arith.constant 1.000000e+00 : f32
    %broadcast_in_dim3A_270 = vector.broadcast %broadcast_in_dim3A_269 : f32 to vector<16xf32>
    %swap3A_271 = arith.constant 704 : index
    %swap3A_272 = tpu.vector_load %arg11[%swap3A_271] {strides = array<i32>} : memref<2000xf32, #tpu.memory_space<vmem>>, vector<16xf32>,
    %swap3A_273 = vector.shape_cast %swap3A_272 : vector<16xf32> to vector<16xf32>
    %swap3A_274 = vector.shape_cast %broadcast_in_dim3A_270 : vector<16xf32> to vector<16xf32>
    tpu.vector_store %arg11[%swap3A_271], %swap3A_274 {strides = array<i32>} : memref<2000xf32, #tpu.memory_space<vmem>>, vector<16xf32>,
    %broadcast_in_dim3A_275 = arith.constant 1.000000e+00 : f32
    %broadcast_in_dim3A_276 = vector.broadcast %broadcast_in_dim3A_275 : f32 to vector<16xf32>
    %swap3A_277 = arith.constant 720 : index
    %swap3A_278 = tpu.vector_load %arg11[%swap3A_277] {strides = array<i32>} : memref<2000xf32, #tpu.memory_space<vmem>>, vector<16xf32>,
    %swap3A_279 = vector.shape_cast %swap3A_278 : vector<16xf32> to vector<16xf32>
    %swap3A_280 = vector.shape_cast %broadcast_in_dim3A_276 : vector<16xf32> to vector<16xf32>
    tpu.vector_store %arg11[%swap3A_277], %swap3A_280 {strides = array<i32>} : memref<2000xf32, #tpu.memory_space<vmem>>, vector<16xf32>,
    %broadcast_in_dim3A_281 = arith.constant 1.000000e+00 : f32
    %broadcast_in_dim3A_282 = vector.broadcast %broadcast_in_dim3A_281 : f32 to vector<16xf32>
    %swap3A_283 = arith.constant 736 : index
    %swap3A_284 = tpu.vector_load %arg11[%swap3A_283] {strides = array<i32>} : memref<2000xf32, #tpu.memory_space<vmem>>, vector<16xf32>,
    %swap3A_285 = vector.shape_cast %swap3A_284 : vector<16xf32> to vector<16xf32>
    %swap3A_286 = vector.shape_cast %broadcast_in_dim3A_282 : vector<16xf32> to vector<16xf32>
    tpu.vector_store %arg11[%swap3A_283], %swap3A_286 {strides = array<i32>} : memref<2000xf32, #tpu.memory_space<vmem>>, vector<16xf32>,
    %broadcast_in_dim3A_287 = arith.constant 1.000000e+00 : f32
    %broadcast_in_dim3A_288 = vector.broadcast %broadcast_in_dim3A_287 : f32 to vector<16xf32>
    %swap3A_289 = arith.constant 752 : index
    %swap3A_290 = tpu.vector_load %arg11[%swap3A_289] {strides = array<i32>} : memref<2000xf32, #tpu.memory_space<vmem>>, vector<16xf32>,
    %swap3A_291 = vector.shape_cast %swap3A_290 : vector<16xf32> to vector<16xf32>
    %swap3A_292 = vector.shape_cast %broadcast_in_dim3A_288 : vector<16xf32> to vector<16xf32>
    tpu.vector_store %arg11[%swap3A_289], %swap3A_292 {strides = array<i32>} : memref<2000xf32, #tpu.memory_space<vmem>>, vector<16xf32>,
    %broadcast_in_dim3A_293 = arith.constant 1.000000e+00 : f32
    %broadcast_in_dim3A_294 = vector.broadcast %broadcast_in_dim3A_293 : f32 to vector<16xf32>
    %swap3A_295 = arith.constant 768 : index
    %swap3A_296 = tpu.vector_load %arg11[%swap3A_295] {strides = array<i32>} : memref<2000xf32, #tpu.memory_space<vmem>>, vector<16xf32>,
    %swap3A_297 = vector.shape_cast %swap3A_296 : vector<16xf32> to vector<16xf32>
    %swap3A_298 = vector.shape_cast %broadcast_in_dim3A_294 : vector<16xf32> to vector<16xf32>
    tpu.vector_store %arg11[%swap3A_295], %swap3A_298 {strides = array<i32>} : memref<2000xf32, #tpu.memory_space<vmem>>, vector<16xf32>,
    %broadcast_in_dim3A_299 = arith.constant 1.000000e+00 : f32
    %broadcast_in_dim3A_300 = vector.broadcast %broadcast_in_dim3A_299 : f32 to vector<16xf32>
    %swap3A_301 = arith.constant 784 : index
    %swap3A_302 = tpu.vector_load %arg11[%swap3A_301] {strides = array<i32>} : memref<2000xf32, #tpu.memory_space<vmem>>, vector<16xf32>,
    %swap3A_303 = vector.shape_cast %swap3A_302 : vector<16xf32> to vector<16xf32>
    %swap3A_304 = vector.shape_cast %broadcast_in_dim3A_300 : vector<16xf32> to vector<16xf32>
    tpu.vector_store %arg11[%swap3A_301], %swap3A_304 {strides = array<i32>} : memref<2000xf32, #tpu.memory_space<vmem>>, vector<16xf32>,
    %broadcast_in_dim3A_305 = arith.constant 1.000000e+00 : f32
    %broadcast_in_dim3A_306 = vector.broadcast %broadcast_in_dim3A_305 : f32 to vector<16xf32>
    %swap3A_307 = arith.constant 800 : index
    %swap3A_308 = tpu.vector_load %arg11[%swap3A_307] {strides = array<i32>} : memref<2000xf32, #tpu.memory_space<vmem>>, vector<16xf32>,
    %swap3A_309 = vector.shape_cast %swap3A_308 : vector<16xf32> to vector<16xf32>
    %swap3A_310 = vector.shape_cast %broadcast_in_dim3A_306 : vector<16xf32> to vector<16xf32>
    tpu.vector_store %arg11[%swap3A_307], %swap3A_310 {strides = array<i32>} : memref<2000xf32, #tpu.memory_space<vmem>>, vector<16xf32>,
    %broadcast_in_dim3A_311 = arith.constant 1.000000e+00 : f32
    %broadcast_in_dim3A_312 = vector.broadcast %broadcast_in_dim3A_311 : f32 to vector<16xf32>
    %swap3A_313 = arith.constant 816 : index
    %swap3A_314 = tpu.vector_load %arg11[%swap3A_313] {strides = array<i32>} : memref<2000xf32, #tpu.memory_space<vmem>>, vector<16xf32>,
    %swap3A_315 = vector.shape_cast %swap3A_314 : vector<16xf32> to vector<16xf32>
    %swap3A_316 = vector.shape_cast %broadcast_in_dim3A_312 : vector<16xf32> to vector<16xf32>
    tpu.vector_store %arg11[%swap3A_313], %swap3A_316 {strides = array<i32>} : memref<2000xf32, #tpu.memory_space<vmem>>, vector<16xf32>,
    %broadcast_in_dim3A_317 = arith.constant 1.000000e+00 : f32
    %broadcast_in_dim3A_318 = vector.broadcast %broadcast_in_dim3A_317 : f32 to vector<16xf32>
    %swap3A_319 = arith.constant 832 : index
    %swap3A_320 = tpu.vector_load %arg11[%swap3A_319] {strides = array<i32>} : memref<2000xf32, #tpu.memory_space<vmem>>, vector<16xf32>,
    %swap3A_321 = vector.shape_cast %swap3A_320 : vector<16xf32> to vector<16xf32>
    %swap3A_322 = vector.shape_cast %broadcast_in_dim3A_318 : vector<16xf32> to vector<16xf32>
    tpu.vector_store %arg11[%swap3A_319], %swap3A_322 {strides = array<i32>} : memref<2000xf32, #tpu.memory_space<vmem>>, vector<16xf32>,
    %broadcast_in_dim3A_323 = arith.constant 1.000000e+00 : f32
    %broadcast_in_dim3A_324 = vector.broadcast %broadcast_in_dim3A_323 : f32 to vector<16xf32>
    %swap3A_325 = arith.constant 848 : index
    %swap3A_326 = tpu.vector_load %arg11[%swap3A_325] {strides = array<i32>} : memref<2000xf32, #tpu.memory_space<vmem>>, vector<16xf32>,
    %swap3A_327 = vector.shape_cast %swap3A_326 : vector<16xf32> to vector<16xf32>
    %swap3A_328 = vector.shape_cast %broadcast_in_dim3A_324 : vector<16xf32> to vector<16xf32>
    tpu.vector_store %arg11[%swap3A_325], %swap3A_328 {strides = array<i32>} : memref<2000xf32, #tpu.memory_space<vmem>>, vector<16xf32>,
    %broadcast_in_dim3A_329 = arith.constant 1.000000e+00 : f32
    %broadcast_in_dim3A_330 = vector.broadcast %broadcast_in_dim3A_329 : f32 to vector<16xf32>
    %swap3A_331 = arith.constant 864 : index
    %swap3A_332 = tpu.vector_load %arg11[%swap3A_331] {strides = array<i32>} : memref<2000xf32, #tpu.memory_space<vmem>>, vector<16xf32>,
    %swap3A_333 = vector.shape_cast %swap3A_332 : vector<16xf32> to vector<16xf32>
    %swap3A_334 = vector.shape_cast %broadcast_in_dim3A_330 : vector<16xf32> to vector<16xf32>
    tpu.vector_store %arg11[%swap3A_331], %swap3A_334 {strides = array<i32>} : memref<2000xf32, #tpu.memory_space<vmem>>, vector<16xf32>,
    %broadcast_in_dim3A_335 = arith.constant 1.000000e+00 : f32
    %broadcast_in_dim3A_336 = vector.broadcast %broadcast_in_dim3A_335 : f32 to vector<16xf32>
    %swap3A_337 = arith.constant 880 : index
    %swap3A_338 = tpu.vector_load %arg11[%swap3A_337] {strides = array<i32>} : memref<2000xf32, #tpu.memory_space<vmem>>, vector<16xf32>,
    %swap3A_339 = vector.shape_cast %swap3A_338 : vector<16xf32> to vector<16xf32>
    %swap3A_340 = vector.shape_cast %broadcast_in_dim3A_336 : vector<16xf32> to vector<16xf32>
    tpu.vector_store %arg11[%swap3A_337], %swap3A_340 {strides = array<i32>} : memref<2000xf32, #tpu.memory_space<vmem>>, vector<16xf32>,
    %broadcast_in_dim3A_341 = arith.constant 1.000000e+00 : f32
    %broadcast_in_dim3A_342 = vector.broadcast %broadcast_in_dim3A_341 : f32 to vector<16xf32>
    %swap3A_343 = arith.constant 896 : index
    %swap3A_344 = tpu.vector_load %arg11[%swap3A_343] {strides = array<i32>} : memref<2000xf32, #tpu.memory_space<vmem>>, vector<16xf32>,
    %swap3A_345 = vector.shape_cast %swap3A_344 : vector<16xf32> to vector<16xf32>
    %swap3A_346 = vector.shape_cast %broadcast_in_dim3A_342 : vector<16xf32> to vector<16xf32>
    tpu.vector_store %arg11[%swap3A_343], %swap3A_346 {strides = array<i32>} : memref<2000xf32, #tpu.memory_space<vmem>>, vector<16xf32>,
    %broadcast_in_dim3A_347 = arith.constant 1.000000e+00 : f32
    %broadcast_in_dim3A_348 = vector.broadcast %broadcast_in_dim3A_347 : f32 to vector<16xf32>
    %swap3A_349 = arith.constant 912 : index
    %swap3A_350 = tpu.vector_load %arg11[%swap3A_349] {strides = array<i32>} : memref<2000xf32, #tpu.memory_space<vmem>>, vector<16xf32>,
    %swap3A_351 = vector.shape_cast %swap3A_350 : vector<16xf32> to vector<16xf32>
    %swap3A_352 = vector.shape_cast %broadcast_in_dim3A_348 : vector<16xf32> to vector<16xf32>
    tpu.vector_store %arg11[%swap3A_349], %swap3A_352 {strides = array<i32>} : memref<2000xf32, #tpu.memory_space<vmem>>, vector<16xf32>,
    %broadcast_in_dim3A_353 = arith.constant 1.000000e+00 : f32
    %broadcast_in_dim3A_354 = vector.broadcast %broadcast_in_dim3A_353 : f32 to vector<16xf32>
    %swap3A_355 = arith.constant 928 : index
    %swap3A_356 = tpu.vector_load %arg11[%swap3A_355] {strides = array<i32>} : memref<2000xf32, #tpu.memory_space<vmem>>, vector<16xf32>,
    %swap3A_357 = vector.shape_cast %swap3A_356 : vector<16xf32> to vector<16xf32>
    %swap3A_358 = vector.shape_cast %broadcast_in_dim3A_354 : vector<16xf32> to vector<16xf32>
    tpu.vector_store %arg11[%swap3A_355], %swap3A_358 {strides = array<i32>} : memref<2000xf32, #tpu.memory_space<vmem>>, vector<16xf32>,
    %broadcast_in_dim3A_359 = arith.constant 1.000000e+00 : f32
    %broadcast_in_dim3A_360 = vector.broadcast %broadcast_in_dim3A_359 : f32 to vector<16xf32>
    %swap3A_361 = arith.constant 944 : index
    %swap3A_362 = tpu.vector_load %arg11[%swap3A_361] {strides = array<i32>} : memref<2000xf32, #tpu.memory_space<vmem>>, vector<16xf32>,
    %swap3A_363 = vector.shape_cast %swap3A_362 : vector<16xf32> to vector<16xf32>
    %swap3A_364 = vector.shape_cast %broadcast_in_dim3A_360 : vector<16xf32> to vector<16xf32>
    tpu.vector_store %arg11[%swap3A_361], %swap3A_364 {strides = array<i32>} : memref<2000xf32, #tpu.memory_space<vmem>>, vector<16xf32>,
    %broadcast_in_dim3A_365 = arith.constant 1.000000e+00 : f32
    %broadcast_in_dim3A_366 = vector.broadcast %broadcast_in_dim3A_365 : f32 to vector<16xf32>
    %swap3A_367 = arith.constant 960 : index
    %swap3A_368 = tpu.vector_load %arg11[%swap3A_367] {strides = array<i32>} : memref<2000xf32, #tpu.memory_space<vmem>>, vector<16xf32>,
    %swap3A_369 = vector.shape_cast %swap3A_368 : vector<16xf32> to vector<16xf32>
    %swap3A_370 = vector.shape_cast %broadcast_in_dim3A_366 : vector<16xf32> to vector<16xf32>
    tpu.vector_store %arg11[%swap3A_367], %swap3A_370 {strides = array<i32>} : memref<2000xf32, #tpu.memory_space<vmem>>, vector<16xf32>,
    %broadcast_in_dim3A_371 = arith.constant 1.000000e+00 : f32
    %broadcast_in_dim3A_372 = vector.broadcast %broadcast_in_dim3A_371 : f32 to vector<16xf32>
    %swap3A_373 = arith.constant 976 : index
    %swap3A_374 = tpu.vector_load %arg11[%swap3A_373] {strides = array<i32>} : memref<2000xf32, #tpu.memory_space<vmem>>, vector<16xf32>,
    %swap3A_375 = vector.shape_cast %swap3A_374 : vector<16xf32> to vector<16xf32>
    %swap3A_376 = vector.shape_cast %broadcast_in_dim3A_372 : vector<16xf32> to vector<16xf32>
    tpu.vector_store %arg11[%swap3A_373], %swap3A_376 {strides = array<i32>} : memref<2000xf32, #tpu.memory_space<vmem>>, vector<16xf32>,
    %broadcast_in_dim3A_377 = arith.constant 1.000000e+00 : f32
    %broadcast_in_dim3A_378 = vector.broadcast %broadcast_in_dim3A_377 : f32 to vector<16xf32>
    %swap3A_379 = arith.constant 992 : index
    %swap3A_380 = tpu.vector_load %arg11[%swap3A_379] {strides = array<i32>} : memref<2000xf32, #tpu.memory_space<vmem>>, vector<16xf32>,
    %swap3A_381 = vector.shape_cast %swap3A_380 : vector<16xf32> to vector<16xf32>
    %swap3A_382 = vector.shape_cast %broadcast_in_dim3A_378 : vector<16xf32> to vector<16xf32>
    tpu.vector_store %arg11[%swap3A_379], %swap3A_382 {strides = array<i32>} : memref<2000xf32, #tpu.memory_space<vmem>>, vector<16xf32>,
    %broadcast_in_dim3A_383 = arith.constant 1.000000e+00 : f32
    %broadcast_in_dim3A_384 = vector.broadcast %broadcast_in_dim3A_383 : f32 to vector<16xf32>
    %swap3A_385 = arith.constant 1008 : index
    %swap3A_386 = tpu.vector_load %arg11[%swap3A_385] {strides = array<i32>} : memref<2000xf32, #tpu.memory_space<vmem>>, vector<16xf32>,
    %swap3A_387 = vector.shape_cast %swap3A_386 : vector<16xf32> to vector<16xf32>
    %swap3A_388 = vector.shape_cast %broadcast_in_dim3A_384 : vector<16xf32> to vector<16xf32>
    tpu.vector_store %arg11[%swap3A_385], %swap3A_388 {strides = array<i32>} : memref<2000xf32, #tpu.memory_space<vmem>>, vector<16xf32>,
    %broadcast_in_dim3A_389 = arith.constant 1.000000e+00 : f32
    %broadcast_in_dim3A_390 = vector.broadcast %broadcast_in_dim3A_389 : f32 to vector<16xf32>
    %swap3A_391 = arith.constant 1024 : index
    %swap3A_392 = tpu.vector_load %arg11[%swap3A_391] {strides = array<i32>} : memref<2000xf32, #tpu.memory_space<vmem>>, vector<16xf32>,
    %swap3A_393 = vector.shape_cast %swap3A_392 : vector<16xf32> to vector<16xf32>
    %swap3A_394 = vector.shape_cast %broadcast_in_dim3A_390 : vector<16xf32> to vector<16xf32>
    tpu.vector_store %arg11[%swap3A_391], %swap3A_394 {strides = array<i32>} : memref<2000xf32, #tpu.memory_space<vmem>>, vector<16xf32>,
    %broadcast_in_dim3A_395 = arith.constant 1.000000e+00 : f32
    %broadcast_in_dim3A_396 = vector.broadcast %broadcast_in_dim3A_395 : f32 to vector<16xf32>
    %swap3A_397 = arith.constant 1040 : index
    %swap3A_398 = tpu.vector_load %arg11[%swap3A_397] {strides = array<i32>} : memref<2000xf32, #tpu.memory_space<vmem>>, vector<16xf32>,
    %swap3A_399 = vector.shape_cast %swap3A_398 : vector<16xf32> to vector<16xf32>
    %swap3A_400 = vector.shape_cast %broadcast_in_dim3A_396 : vector<16xf32> to vector<16xf32>
    tpu.vector_store %arg11[%swap3A_397], %swap3A_400 {strides = array<i32>} : memref<2000xf32, #tpu.memory_space<vmem>>, vector<16xf32>,
    %broadcast_in_dim3A_401 = arith.constant 1.000000e+00 : f32
    %broadcast_in_dim3A_402 = vector.broadcast %broadcast_in_dim3A_401 : f32 to vector<16xf32>
    %swap3A_403 = arith.constant 1056 : index
    %swap3A_404 = tpu.vector_load %arg11[%swap3A_403] {strides = array<i32>} : memref<2000xf32, #tpu.memory_space<vmem>>, vector<16xf32>,
    %swap3A_405 = vector.shape_cast %swap3A_404 : vector<16xf32> to vector<16xf32>
    %swap3A_406 = vector.shape_cast %broadcast_in_dim3A_402 : vector<16xf32> to vector<16xf32>
    tpu.vector_store %arg11[%swap3A_403], %swap3A_406 {strides = array<i32>} : memref<2000xf32, #tpu.memory_space<vmem>>, vector<16xf32>,
    %broadcast_in_dim3A_407 = arith.constant 1.000000e+00 : f32
    %broadcast_in_dim3A_408 = vector.broadcast %broadcast_in_dim3A_407 : f32 to vector<16xf32>
    %swap3A_409 = arith.constant 1072 : index
    %swap3A_410 = tpu.vector_load %arg11[%swap3A_409] {strides = array<i32>} : memref<2000xf32, #tpu.memory_space<vmem>>, vector<16xf32>,
    %swap3A_411 = vector.shape_cast %swap3A_410 : vector<16xf32> to vector<16xf32>
    %swap3A_412 = vector.shape_cast %broadcast_in_dim3A_408 : vector<16xf32> to vector<16xf32>
    tpu.vector_store %arg11[%swap3A_409], %swap3A_412 {strides = array<i32>} : memref<2000xf32, #tpu.memory_space<vmem>>, vector<16xf32>,
    %broadcast_in_dim3A_413 = arith.constant 1.000000e+00 : f32
    %broadcast_in_dim3A_414 = vector.broadcast %broadcast_in_dim3A_413 : f32 to vector<16xf32>
    %swap3A_415 = arith.constant 1088 : index
    %swap3A_416 = tpu.vector_load %arg11[%swap3A_415] {strides = array<i32>} : memref<2000xf32, #tpu.memory_space<vmem>>, vector<16xf32>,
    %swap3A_417 = vector.shape_cast %swap3A_416 : vector<16xf32> to vector<16xf32>
    %swap3A_418 = vector.shape_cast %broadcast_in_dim3A_414 : vector<16xf32> to vector<16xf32>
    tpu.vector_store %arg11[%swap3A_415], %swap3A_418 {strides = array<i32>} : memref<2000xf32, #tpu.memory_space<vmem>>, vector<16xf32>,
    %broadcast_in_dim3A_419 = arith.constant 1.000000e+00 : f32
    %broadcast_in_dim3A_420 = vector.broadcast %broadcast_in_dim3A_419 : f32 to vector<16xf32>
    %swap3A_421 = arith.constant 1104 : index
    %swap3A_422 = tpu.vector_load %arg11[%swap3A_421] {strides = array<i32>} : memref<2000xf32, #tpu.memory_space<vmem>>, vector<16xf32>,
    %swap3A_423 = vector.shape_cast %swap3A_422 : vector<16xf32> to vector<16xf32>
    %swap3A_424 = vector.shape_cast %broadcast_in_dim3A_420 : vector<16xf32> to vector<16xf32>
    tpu.vector_store %arg11[%swap3A_421], %swap3A_424 {strides = array<i32>} : memref<2000xf32, #tpu.memory_space<vmem>>, vector<16xf32>,
    %broadcast_in_dim3A_425 = arith.constant 1.000000e+00 : f32
    %broadcast_in_dim3A_426 = vector.broadcast %broadcast_in_dim3A_425 : f32 to vector<16xf32>
    %swap3A_427 = arith.constant 1120 : index
    %swap3A_428 = tpu.vector_load %arg11[%swap3A_427] {strides = array<i32>} : memref<2000xf32, #tpu.memory_space<vmem>>, vector<16xf32>,
    %swap3A_429 = vector.shape_cast %swap3A_428 : vector<16xf32> to vector<16xf32>
    %swap3A_430 = vector.shape_cast %broadcast_in_dim3A_426 : vector<16xf32> to vector<16xf32>
    tpu.vector_store %arg11[%swap3A_427], %swap3A_430 {strides = array<i32>} : memref<2000xf32, #tpu.memory_space<vmem>>, vector<16xf32>,
    %broadcast_in_dim3A_431 = arith.constant 1.000000e+00 : f32
    %broadcast_in_dim3A_432 = vector.broadcast %broadcast_in_dim3A_431 : f32 to vector<16xf32>
    %swap3A_433 = arith.constant 1136 : index
    %swap3A_434 = tpu.vector_load %arg11[%swap3A_433] {strides = array<i32>} : memref<2000xf32, #tpu.memory_space<vmem>>, vector<16xf32>,
    %swap3A_435 = vector.shape_cast %swap3A_434 : vector<16xf32> to vector<16xf32>
    %swap3A_436 = vector.shape_cast %broadcast_in_dim3A_432 : vector<16xf32> to vector<16xf32>
    tpu.vector_store %arg11[%swap3A_433], %swap3A_436 {strides = array<i32>} : memref<2000xf32, #tpu.memory_space<vmem>>, vector<16xf32>,
    %broadcast_in_dim3A_437 = arith.constant 1.000000e+00 : f32
    %broadcast_in_dim3A_438 = vector.broadcast %broadcast_in_dim3A_437 : f32 to vector<16xf32>
    %swap3A_439 = arith.constant 1152 : index
    %swap3A_440 = tpu.vector_load %arg11[%swap3A_439] {strides = array<i32>} : memref<2000xf32, #tpu.memory_space<vmem>>, vector<16xf32>,
    %swap3A_441 = vector.shape_cast %swap3A_440 : vector<16xf32> to vector<16xf32>
    %swap3A_442 = vector.shape_cast %broadcast_in_dim3A_438 : vector<16xf32> to vector<16xf32>
    tpu.vector_store %arg11[%swap3A_439], %swap3A_442 {strides = array<i32>} : memref<2000xf32, #tpu.memory_space<vmem>>, vector<16xf32>,
    %broadcast_in_dim3A_443 = arith.constant 1.000000e+00 : f32
    %broadcast_in_dim3A_444 = vector.broadcast %broadcast_in_dim3A_443 : f32 to vector<16xf32>
    %swap3A_445 = arith.constant 1168 : index
    %swap3A_446 = tpu.vector_load %arg11[%swap3A_445] {strides = array<i32>} : memref<2000xf32, #tpu.memory_space<vmem>>, vector<16xf32>,
    %swap3A_447 = vector.shape_cast %swap3A_446 : vector<16xf32> to vector<16xf32>
    %swap3A_448 = vector.shape_cast %broadcast_in_dim3A_444 : vector<16xf32> to vector<16xf32>
    tpu.vector_store %arg11[%swap3A_445], %swap3A_448 {strides = array<i32>} : memref<2000xf32, #tpu.memory_space<vmem>>, vector<16xf32>,
    %broadcast_in_dim3A_449 = arith.constant 1.000000e+00 : f32
    %broadcast_in_dim3A_450 = vector.broadcast %broadcast_in_dim3A_449 : f32 to vector<16xf32>
    %swap3A_451 = arith.constant 1184 : index
    %swap3A_452 = tpu.vector_load %arg11[%swap3A_451] {strides = array<i32>} : memref<2000xf32, #tpu.memory_space<vmem>>, vector<16xf32>,
    %swap3A_453 = vector.shape_cast %swap3A_452 : vector<16xf32> to vector<16xf32>
    %swap3A_454 = vector.shape_cast %broadcast_in_dim3A_450 : vector<16xf32> to vector<16xf32>
    tpu.vector_store %arg11[%swap3A_451], %swap3A_454 {strides = array<i32>} : memref<2000xf32, #tpu.memory_space<vmem>>, vector<16xf32>,
    %broadcast_in_dim3A_455 = arith.constant 1.000000e+00 : f32
    %broadcast_in_dim3A_456 = vector.broadcast %broadcast_in_dim3A_455 : f32 to vector<16xf32>
    %swap3A_457 = arith.constant 1200 : index
    %swap3A_458 = tpu.vector_load %arg11[%swap3A_457] {strides = array<i32>} : memref<2000xf32, #tpu.memory_space<vmem>>, vector<16xf32>,
    %swap3A_459 = vector.shape_cast %swap3A_458 : vector<16xf32> to vector<16xf32>
    %swap3A_460 = vector.shape_cast %broadcast_in_dim3A_456 : vector<16xf32> to vector<16xf32>
    tpu.vector_store %arg11[%swap3A_457], %swap3A_460 {strides = array<i32>} : memref<2000xf32, #tpu.memory_space<vmem>>, vector<16xf32>,
    %broadcast_in_dim3A_461 = arith.constant 1.000000e+00 : f32
    %broadcast_in_dim3A_462 = vector.broadcast %broadcast_in_dim3A_461 : f32 to vector<16xf32>
    %swap3A_463 = arith.constant 1216 : index
    %swap3A_464 = tpu.vector_load %arg11[%swap3A_463] {strides = array<i32>} : memref<2000xf32, #tpu.memory_space<vmem>>, vector<16xf32>,
    %swap3A_465 = vector.shape_cast %swap3A_464 : vector<16xf32> to vector<16xf32>
    %swap3A_466 = vector.shape_cast %broadcast_in_dim3A_462 : vector<16xf32> to vector<16xf32>
    tpu.vector_store %arg11[%swap3A_463], %swap3A_466 {strides = array<i32>} : memref<2000xf32, #tpu.memory_space<vmem>>, vector<16xf32>,
    %broadcast_in_dim3A_467 = arith.constant 1.000000e+00 : f32
    %broadcast_in_dim3A_468 = vector.broadcast %broadcast_in_dim3A_467 : f32 to vector<16xf32>
    %swap3A_469 = arith.constant 1232 : index
    %swap3A_470 = tpu.vector_load %arg11[%swap3A_469] {strides = array<i32>} : memref<2000xf32, #tpu.memory_space<vmem>>, vector<16xf32>,
    %swap3A_471 = vector.shape_cast %swap3A_470 : vector<16xf32> to vector<16xf32>
    %swap3A_472 = vector.shape_cast %broadcast_in_dim3A_468 : vector<16xf32> to vector<16xf32>
    tpu.vector_store %arg11[%swap3A_469], %swap3A_472 {strides = array<i32>} : memref<2000xf32, #tpu.memory_space<vmem>>, vector<16xf32>,
    %broadcast_in_dim3A_473 = arith.constant 1.000000e+00 : f32
    %broadcast_in_dim3A_474 = vector.broadcast %broadcast_in_dim3A_473 : f32 to vector<16xf32>
    %swap3A_475 = arith.constant 1248 : index
    %swap3A_476 = tpu.vector_load %arg11[%swap3A_475] {strides = array<i32>} : memref<2000xf32, #tpu.memory_space<vmem>>, vector<16xf32>,
    %swap3A_477 = vector.shape_cast %swap3A_476 : vector<16xf32> to vector<16xf32>
    %swap3A_478 = vector.shape_cast %broadcast_in_dim3A_474 : vector<16xf32> to vector<16xf32>
    tpu.vector_store %arg11[%swap3A_475], %swap3A_478 {strides = array<i32>} : memref<2000xf32, #tpu.memory_space<vmem>>, vector<16xf32>,
    %broadcast_in_dim3A_479 = arith.constant 1.000000e+00 : f32
    %broadcast_in_dim3A_480 = vector.broadcast %broadcast_in_dim3A_479 : f32 to vector<16xf32>
    %swap3A_481 = arith.constant 1264 : index
    %swap3A_482 = tpu.vector_load %arg11[%swap3A_481] {strides = array<i32>} : memref<2000xf32, #tpu.memory_space<vmem>>, vector<16xf32>,
    %swap3A_483 = vector.shape_cast %swap3A_482 : vector<16xf32> to vector<16xf32>
    %swap3A_484 = vector.shape_cast %broadcast_in_dim3A_480 : vector<16xf32> to vector<16xf32>
    tpu.vector_store %arg11[%swap3A_481], %swap3A_484 {strides = array<i32>} : memref<2000xf32, #tpu.memory_space<vmem>>, vector<16xf32>,
    %broadcast_in_dim3A_485 = arith.constant 1.000000e+00 : f32
    %broadcast_in_dim3A_486 = vector.broadcast %broadcast_in_dim3A_485 : f32 to vector<16xf32>
    %swap3A_487 = arith.constant 1280 : index
    %swap3A_488 = tpu.vector_load %arg11[%swap3A_487] {strides = array<i32>} : memref<2000xf32, #tpu.memory_space<vmem>>, vector<16xf32>,
    %swap3A_489 = vector.shape_cast %swap3A_488 : vector<16xf32> to vector<16xf32>
    %swap3A_490 = vector.shape_cast %broadcast_in_dim3A_486 : vector<16xf32> to vector<16xf32>
    tpu.vector_store %arg11[%swap3A_487], %swap3A_490 {strides = array<i32>} : memref<2000xf32, #tpu.memory_space<vmem>>, vector<16xf32>,
    %broadcast_in_dim3A_491 = arith.constant 1.000000e+00 : f32
    %broadcast_in_dim3A_492 = vector.broadcast %broadcast_in_dim3A_491 : f32 to vector<16xf32>
    %swap3A_493 = arith.constant 1296 : index
    %swap3A_494 = tpu.vector_load %arg11[%swap3A_493] {strides = array<i32>} : memref<2000xf32, #tpu.memory_space<vmem>>, vector<16xf32>,
    %swap3A_495 = vector.shape_cast %swap3A_494 : vector<16xf32> to vector<16xf32>
    %swap3A_496 = vector.shape_cast %broadcast_in_dim3A_492 : vector<16xf32> to vector<16xf32>
    tpu.vector_store %arg11[%swap3A_493], %swap3A_496 {strides = array<i32>} : memref<2000xf32, #tpu.memory_space<vmem>>, vector<16xf32>,
    %broadcast_in_dim3A_497 = arith.constant 1.000000e+00 : f32
    %broadcast_in_dim3A_498 = vector.broadcast %broadcast_in_dim3A_497 : f32 to vector<16xf32>
    %swap3A_499 = arith.constant 1312 : index
    %swap3A_500 = tpu.vector_load %arg11[%swap3A_499] {strides = array<i32>} : memref<2000xf32, #tpu.memory_space<vmem>>, vector<16xf32>,
    %swap3A_501 = vector.shape_cast %swap3A_500 : vector<16xf32> to vector<16xf32>
    %swap3A_502 = vector.shape_cast %broadcast_in_dim3A_498 : vector<16xf32> to vector<16xf32>
    tpu.vector_store %arg11[%swap3A_499], %swap3A_502 {strides = array<i32>} : memref<2000xf32, #tpu.memory_space<vmem>>, vector<16xf32>,
    %broadcast_in_dim3A_503 = arith.constant 1.000000e+00 : f32
    %broadcast_in_dim3A_504 = vector.broadcast %broadcast_in_dim3A_503 : f32 to vector<16xf32>
    %swap3A_505 = arith.constant 1328 : index
    %swap3A_506 = tpu.vector_load %arg11[%swap3A_505] {strides = array<i32>} : memref<2000xf32, #tpu.memory_space<vmem>>, vector<16xf32>,
    %swap3A_507 = vector.shape_cast %swap3A_506 : vector<16xf32> to vector<16xf32>
    %swap3A_508 = vector.shape_cast %broadcast_in_dim3A_504 : vector<16xf32> to vector<16xf32>
    tpu.vector_store %arg11[%swap3A_505], %swap3A_508 {strides = array<i32>} : memref<2000xf32, #tpu.memory_space<vmem>>, vector<16xf32>,
    %broadcast_in_dim3A_509 = arith.constant 1.000000e+00 : f32
    %broadcast_in_dim3A_510 = vector.broadcast %broadcast_in_dim3A_509 : f32 to vector<16xf32>
    %swap3A_511 = arith.constant 1344 : index
    %swap3A_512 = tpu.vector_load %arg11[%swap3A_511] {strides = array<i32>} : memref<2000xf32, #tpu.memory_space<vmem>>, vector<16xf32>,
    %swap3A_513 = vector.shape_cast %swap3A_512 : vector<16xf32> to vector<16xf32>
    %swap3A_514 = vector.shape_cast %broadcast_in_dim3A_510 : vector<16xf32> to vector<16xf32>
    tpu.vector_store %arg11[%swap3A_511], %swap3A_514 {strides = array<i32>} : memref<2000xf32, #tpu.memory_space<vmem>>, vector<16xf32>,
    %broadcast_in_dim3A_515 = arith.constant 1.000000e+00 : f32
    %broadcast_in_dim3A_516 = vector.broadcast %broadcast_in_dim3A_515 : f32 to vector<16xf32>
    %swap3A_517 = arith.constant 1360 : index
    %swap3A_518 = tpu.vector_load %arg11[%swap3A_517] {strides = array<i32>} : memref<2000xf32, #tpu.memory_space<vmem>>, vector<16xf32>,
    %swap3A_519 = vector.shape_cast %swap3A_518 : vector<16xf32> to vector<16xf32>
    %swap3A_520 = vector.shape_cast %broadcast_in_dim3A_516 : vector<16xf32> to vector<16xf32>
    tpu.vector_store %arg11[%swap3A_517], %swap3A_520 {strides = array<i32>} : memref<2000xf32, #tpu.memory_space<vmem>>, vector<16xf32>,
    %broadcast_in_dim3A_521 = arith.constant 1.000000e+00 : f32
    %broadcast_in_dim3A_522 = vector.broadcast %broadcast_in_dim3A_521 : f32 to vector<16xf32>
    %swap3A_523 = arith.constant 1376 : index
    %swap3A_524 = tpu.vector_load %arg11[%swap3A_523] {strides = array<i32>} : memref<2000xf32, #tpu.memory_space<vmem>>, vector<16xf32>,
    %swap3A_525 = vector.shape_cast %swap3A_524 : vector<16xf32> to vector<16xf32>
    %swap3A_526 = vector.shape_cast %broadcast_in_dim3A_522 : vector<16xf32> to vector<16xf32>
    tpu.vector_store %arg11[%swap3A_523], %swap3A_526 {strides = array<i32>} : memref<2000xf32, #tpu.memory_space<vmem>>, vector<16xf32>,
    %broadcast_in_dim3A_527 = arith.constant 1.000000e+00 : f32
    %broadcast_in_dim3A_528 = vector.broadcast %broadcast_in_dim3A_527 : f32 to vector<16xf32>
    %swap3A_529 = arith.constant 1392 : index
    %swap3A_530 = tpu.vector_load %arg11[%swap3A_529] {strides = array<i32>} : memref<2000xf32, #tpu.memory_space<vmem>>, vector<16xf32>,
    %swap3A_531 = vector.shape_cast %swap3A_530 : vector<16xf32> to vector<16xf32>
    %swap3A_532 = vector.shape_cast %broadcast_in_dim3A_528 : vector<16xf32> to vector<16xf32>
    tpu.vector_store %arg11[%swap3A_529], %swap3A_532 {strides = array<i32>} : memref<2000xf32, #tpu.memory_space<vmem>>, vector<16xf32>,
    %broadcast_in_dim3A_533 = arith.constant 1.000000e+00 : f32
    %broadcast_in_dim3A_534 = vector.broadcast %broadcast_in_dim3A_533 : f32 to vector<16xf32>
    %swap3A_535 = arith.constant 1408 : index
    %swap3A_536 = tpu.vector_load %arg11[%swap3A_535] {strides = array<i32>} : memref<2000xf32, #tpu.memory_space<vmem>>, vector<16xf32>,
    %swap3A_537 = vector.shape_cast %swap3A_536 : vector<16xf32> to vector<16xf32>
    %swap3A_538 = vector.shape_cast %broadcast_in_dim3A_534 : vector<16xf32> to vector<16xf32>
    tpu.vector_store %arg11[%swap3A_535], %swap3A_538 {strides = array<i32>} : memref<2000xf32, #tpu.memory_space<vmem>>, vector<16xf32>,
    %broadcast_in_dim3A_539 = arith.constant 1.000000e+00 : f32
    %broadcast_in_dim3A_540 = vector.broadcast %broadcast_in_dim3A_539 : f32 to vector<16xf32>
    %swap3A_541 = arith.constant 1424 : index
    %swap3A_542 = tpu.vector_load %arg11[%swap3A_541] {strides = array<i32>} : memref<2000xf32, #tpu.memory_space<vmem>>, vector<16xf32>,
    %swap3A_543 = vector.shape_cast %swap3A_542 : vector<16xf32> to vector<16xf32>
    %swap3A_544 = vector.shape_cast %broadcast_in_dim3A_540 : vector<16xf32> to vector<16xf32>
    tpu.vector_store %arg11[%swap3A_541], %swap3A_544 {strides = array<i32>} : memref<2000xf32, #tpu.memory_space<vmem>>, vector<16xf32>,
    %broadcast_in_dim3A_545 = arith.constant 1.000000e+00 : f32
    %broadcast_in_dim3A_546 = vector.broadcast %broadcast_in_dim3A_545 : f32 to vector<16xf32>
    %swap3A_547 = arith.constant 1440 : index
    %swap3A_548 = tpu.vector_load %arg11[%swap3A_547] {strides = array<i32>} : memref<2000xf32, #tpu.memory_space<vmem>>, vector<16xf32>,
    %swap3A_549 = vector.shape_cast %swap3A_548 : vector<16xf32> to vector<16xf32>
    %swap3A_550 = vector.shape_cast %broadcast_in_dim3A_546 : vector<16xf32> to vector<16xf32>
    tpu.vector_store %arg11[%swap3A_547], %swap3A_550 {strides = array<i32>} : memref<2000xf32, #tpu.memory_space<vmem>>, vector<16xf32>,
    %broadcast_in_dim3A_551 = arith.constant 1.000000e+00 : f32
    %broadcast_in_dim3A_552 = vector.broadcast %broadcast_in_dim3A_551 : f32 to vector<16xf32>
    %swap3A_553 = arith.constant 1456 : index
    %swap3A_554 = tpu.vector_load %arg11[%swap3A_553] {strides = array<i32>} : memref<2000xf32, #tpu.memory_space<vmem>>, vector<16xf32>,
    %swap3A_555 = vector.shape_cast %swap3A_554 : vector<16xf32> to vector<16xf32>
    %swap3A_556 = vector.shape_cast %broadcast_in_dim3A_552 : vector<16xf32> to vector<16xf32>
    tpu.vector_store %arg11[%swap3A_553], %swap3A_556 {strides = array<i32>} : memref<2000xf32, #tpu.memory_space<vmem>>, vector<16xf32>,
    %broadcast_in_dim3A_557 = arith.constant 1.000000e+00 : f32
    %broadcast_in_dim3A_558 = vector.broadcast %broadcast_in_dim3A_557 : f32 to vector<16xf32>
    %swap3A_559 = arith.constant 1472 : index
    %swap3A_560 = tpu.vector_load %arg11[%swap3A_559] {strides = array<i32>} : memref<2000xf32, #tpu.memory_space<vmem>>, vector<16xf32>,
    %swap3A_561 = vector.shape_cast %swap3A_560 : vector<16xf32> to vector<16xf32>
    %swap3A_562 = vector.shape_cast %broadcast_in_dim3A_558 : vector<16xf32> to vector<16xf32>
    tpu.vector_store %arg11[%swap3A_559], %swap3A_562 {strides = array<i32>} : memref<2000xf32, #tpu.memory_space<vmem>>, vector<16xf32>,
    %broadcast_in_dim3A_563 = arith.constant 1.000000e+00 : f32
    %broadcast_in_dim3A_564 = vector.broadcast %broadcast_in_dim3A_563 : f32 to vector<16xf32>
    %swap3A_565 = arith.constant 1488 : index
    %swap3A_566 = tpu.vector_load %arg11[%swap3A_565] {strides = array<i32>} : memref<2000xf32, #tpu.memory_space<vmem>>, vector<16xf32>,
    %swap3A_567 = vector.shape_cast %swap3A_566 : vector<16xf32> to vector<16xf32>
    %swap3A_568 = vector.shape_cast %broadcast_in_dim3A_564 : vector<16xf32> to vector<16xf32>
    tpu.vector_store %arg11[%swap3A_565], %swap3A_568 {strides = array<i32>} : memref<2000xf32, #tpu.memory_space<vmem>>, vector<16xf32>,
    %broadcast_in_dim3A_569 = arith.constant 1.000000e+00 : f32
    %broadcast_in_dim3A_570 = vector.broadcast %broadcast_in_dim3A_569 : f32 to vector<16xf32>
    %swap3A_571 = arith.constant 1504 : index
    %swap3A_572 = tpu.vector_load %arg11[%swap3A_571] {strides = array<i32>} : memref<2000xf32, #tpu.memory_space<vmem>>, vector<16xf32>,
    %swap3A_573 = vector.shape_cast %swap3A_572 : vector<16xf32> to vector<16xf32>
    %swap3A_574 = vector.shape_cast %broadcast_in_dim3A_570 : vector<16xf32> to vector<16xf32>
    tpu.vector_store %arg11[%swap3A_571], %swap3A_574 {strides = array<i32>} : memref<2000xf32, #tpu.memory_space<vmem>>, vector<16xf32>,
    %broadcast_in_dim3A_575 = arith.constant 1.000000e+00 : f32
    %broadcast_in_dim3A_576 = vector.broadcast %broadcast_in_dim3A_575 : f32 to vector<16xf32>
    %swap3A_577 = arith.constant 1520 : index
    %swap3A_578 = tpu.vector_load %arg11[%swap3A_577] {strides = array<i32>} : memref<2000xf32, #tpu.memory_space<vmem>>, vector<16xf32>,
    %swap3A_579 = vector.shape_cast %swap3A_578 : vector<16xf32> to vector<16xf32>
    %swap3A_580 = vector.shape_cast %broadcast_in_dim3A_576 : vector<16xf32> to vector<16xf32>
    tpu.vector_store %arg11[%swap3A_577], %swap3A_580 {strides = array<i32>} : memref<2000xf32, #tpu.memory_space<vmem>>, vector<16xf32>,
    %broadcast_in_dim3A_581 = arith.constant 1.000000e+00 : f32
    %broadcast_in_dim3A_582 = vector.broadcast %broadcast_in_dim3A_581 : f32 to vector<16xf32>
    %swap3A_583 = arith.constant 1536 : index
    %swap3A_584 = tpu.vector_load %arg11[%swap3A_583] {strides = array<i32>} : memref<2000xf32, #tpu.memory_space<vmem>>, vector<16xf32>,
    %swap3A_585 = vector.shape_cast %swap3A_584 : vector<16xf32> to vector<16xf32>
    %swap3A_586 = vector.shape_cast %broadcast_in_dim3A_582 : vector<16xf32> to vector<16xf32>
    tpu.vector_store %arg11[%swap3A_583], %swap3A_586 {strides = array<i32>} : memref<2000xf32, #tpu.memory_space<vmem>>, vector<16xf32>,
    %broadcast_in_dim3A_587 = arith.constant 1.000000e+00 : f32
    %broadcast_in_dim3A_588 = vector.broadcast %broadcast_in_dim3A_587 : f32 to vector<16xf32>
    %swap3A_589 = arith.constant 1552 : index
    %swap3A_590 = tpu.vector_load %arg11[%swap3A_589] {strides = array<i32>} : memref<2000xf32, #tpu.memory_space<vmem>>, vector<16xf32>,
    %swap3A_591 = vector.shape_cast %swap3A_590 : vector<16xf32> to vector<16xf32>
    %swap3A_592 = vector.shape_cast %broadcast_in_dim3A_588 : vector<16xf32> to vector<16xf32>
    tpu.vector_store %arg11[%swap3A_589], %swap3A_592 {strides = array<i32>} : memref<2000xf32, #tpu.memory_space<vmem>>, vector<16xf32>,
    %broadcast_in_dim3A_593 = arith.constant 1.000000e+00 : f32
    %broadcast_in_dim3A_594 = vector.broadcast %broadcast_in_dim3A_593 : f32 to vector<16xf32>
    %swap3A_595 = arith.constant 1568 : index
    %swap3A_596 = tpu.vector_load %arg11[%swap3A_595] {strides = array<i32>} : memref<2000xf32, #tpu.memory_space<vmem>>, vector<16xf32>,
    %swap3A_597 = vector.shape_cast %swap3A_596 : vector<16xf32> to vector<16xf32>
    %swap3A_598 = vector.shape_cast %broadcast_in_dim3A_594 : vector<16xf32> to vector<16xf32>
    tpu.vector_store %arg11[%swap3A_595], %swap3A_598 {strides = array<i32>} : memref<2000xf32, #tpu.memory_space<vmem>>, vector<16xf32>,
    %broadcast_in_dim3A_599 = arith.constant 1.000000e+00 : f32
    %broadcast_in_dim3A_600 = vector.broadcast %broadcast_in_dim3A_599 : f32 to vector<16xf32>
    %swap3A_601 = arith.constant 1584 : index
    %swap3A_602 = tpu.vector_load %arg11[%swap3A_601] {strides = array<i32>} : memref<2000xf32, #tpu.memory_space<vmem>>, vector<16xf32>,
    %swap3A_603 = vector.shape_cast %swap3A_602 : vector<16xf32> to vector<16xf32>
    %swap3A_604 = vector.shape_cast %broadcast_in_dim3A_600 : vector<16xf32> to vector<16xf32>
    tpu.vector_store %arg11[%swap3A_601], %swap3A_604 {strides = array<i32>} : memref<2000xf32, #tpu.memory_space<vmem>>, vector<16xf32>,
    %broadcast_in_dim3A_605 = arith.constant 1.000000e+00 : f32
    %broadcast_in_dim3A_606 = vector.broadcast %broadcast_in_dim3A_605 : f32 to vector<16xf32>
    %swap3A_607 = arith.constant 1600 : index
    %swap3A_608 = tpu.vector_load %arg11[%swap3A_607] {strides = array<i32>} : memref<2000xf32, #tpu.memory_space<vmem>>, vector<16xf32>,
    %swap3A_609 = vector.shape_cast %swap3A_608 : vector<16xf32> to vector<16xf32>
    %swap3A_610 = vector.shape_cast %broadcast_in_dim3A_606 : vector<16xf32> to vector<16xf32>
    tpu.vector_store %arg11[%swap3A_607], %swap3A_610 {strides = array<i32>} : memref<2000xf32, #tpu.memory_space<vmem>>, vector<16xf32>,
    %broadcast_in_dim3A_611 = arith.constant 1.000000e+00 : f32
    %broadcast_in_dim3A_612 = vector.broadcast %broadcast_in_dim3A_611 : f32 to vector<16xf32>
    %swap3A_613 = arith.constant 1616 : index
    %swap3A_614 = tpu.vector_load %arg11[%swap3A_613] {strides = array<i32>} : memref<2000xf32, #tpu.memory_space<vmem>>, vector<16xf32>,
    %swap3A_615 = vector.shape_cast %swap3A_614 : vector<16xf32> to vector<16xf32>
    %swap3A_616 = vector.shape_cast %broadcast_in_dim3A_612 : vector<16xf32> to vector<16xf32>
    tpu.vector_store %arg11[%swap3A_613], %swap3A_616 {strides = array<i32>} : memref<2000xf32, #tpu.memory_space<vmem>>, vector<16xf32>,
    %broadcast_in_dim3A_617 = arith.constant 1.000000e+00 : f32
    %broadcast_in_dim3A_618 = vector.broadcast %broadcast_in_dim3A_617 : f32 to vector<16xf32>
    %swap3A_619 = arith.constant 1632 : index
    %swap3A_620 = tpu.vector_load %arg11[%swap3A_619] {strides = array<i32>} : memref<2000xf32, #tpu.memory_space<vmem>>, vector<16xf32>,
    %swap3A_621 = vector.shape_cast %swap3A_620 : vector<16xf32> to vector<16xf32>
    %swap3A_622 = vector.shape_cast %broadcast_in_dim3A_618 : vector<16xf32> to vector<16xf32>
    tpu.vector_store %arg11[%swap3A_619], %swap3A_622 {strides = array<i32>} : memref<2000xf32, #tpu.memory_space<vmem>>, vector<16xf32>,
    %broadcast_in_dim3A_623 = arith.constant 1.000000e+00 : f32
    %broadcast_in_dim3A_624 = vector.broadcast %broadcast_in_dim3A_623 : f32 to vector<16xf32>
    %swap3A_625 = arith.constant 1648 : index
    %swap3A_626 = tpu.vector_load %arg11[%swap3A_625] {strides = array<i32>} : memref<2000xf32, #tpu.memory_space<vmem>>, vector<16xf32>,
    %swap3A_627 = vector.shape_cast %swap3A_626 : vector<16xf32> to vector<16xf32>
    %swap3A_628 = vector.shape_cast %broadcast_in_dim3A_624 : vector<16xf32> to vector<16xf32>
    tpu.vector_store %arg11[%swap3A_625], %swap3A_628 {strides = array<i32>} : memref<2000xf32, #tpu.memory_space<vmem>>, vector<16xf32>,
    %broadcast_in_dim3A_629 = arith.constant 1.000000e+00 : f32
    %broadcast_in_dim3A_630 = vector.broadcast %broadcast_in_dim3A_629 : f32 to vector<16xf32>
    %swap3A_631 = arith.constant 1664 : index
    %swap3A_632 = tpu.vector_load %arg11[%swap3A_631] {strides = array<i32>} : memref<2000xf32, #tpu.memory_space<vmem>>, vector<16xf32>,
    %swap3A_633 = vector.shape_cast %swap3A_632 : vector<16xf32> to vector<16xf32>
    %swap3A_634 = vector.shape_cast %broadcast_in_dim3A_630 : vector<16xf32> to vector<16xf32>
    tpu.vector_store %arg11[%swap3A_631], %swap3A_634 {strides = array<i32>} : memref<2000xf32, #tpu.memory_space<vmem>>, vector<16xf32>,
    %broadcast_in_dim3A_635 = arith.constant 1.000000e+00 : f32
    %broadcast_in_dim3A_636 = vector.broadcast %broadcast_in_dim3A_635 : f32 to vector<16xf32>
    %swap3A_637 = arith.constant 1680 : index
    %swap3A_638 = tpu.vector_load %arg11[%swap3A_637] {strides = array<i32>} : memref<2000xf32, #tpu.memory_space<vmem>>, vector<16xf32>,
    %swap3A_639 = vector.shape_cast %swap3A_638 : vector<16xf32> to vector<16xf32>
    %swap3A_640 = vector.shape_cast %broadcast_in_dim3A_636 : vector<16xf32> to vector<16xf32>
    tpu.vector_store %arg11[%swap3A_637], %swap3A_640 {strides = array<i32>} : memref<2000xf32, #tpu.memory_space<vmem>>, vector<16xf32>,
    %broadcast_in_dim3A_641 = arith.constant 1.000000e+00 : f32
    %broadcast_in_dim3A_642 = vector.broadcast %broadcast_in_dim3A_641 : f32 to vector<16xf32>
    %swap3A_643 = arith.constant 1696 : index
    %swap3A_644 = tpu.vector_load %arg11[%swap3A_643] {strides = array<i32>} : memref<2000xf32, #tpu.memory_space<vmem>>, vector<16xf32>,
    %swap3A_645 = vector.shape_cast %swap3A_644 : vector<16xf32> to vector<16xf32>
    %swap3A_646 = vector.shape_cast %broadcast_in_dim3A_642 : vector<16xf32> to vector<16xf32>
    tpu.vector_store %arg11[%swap3A_643], %swap3A_646 {strides = array<i32>} : memref<2000xf32, #tpu.memory_space<vmem>>, vector<16xf32>,
    %broadcast_in_dim3A_647 = arith.constant 1.000000e+00 : f32
    %broadcast_in_dim3A_648 = vector.broadcast %broadcast_in_dim3A_647 : f32 to vector<16xf32>
    %swap3A_649 = arith.constant 1712 : index
    %swap3A_650 = tpu.vector_load %arg11[%swap3A_649] {strides = array<i32>} : memref<2000xf32, #tpu.memory_space<vmem>>, vector<16xf32>,
    %swap3A_651 = vector.shape_cast %swap3A_650 : vector<16xf32> to vector<16xf32>
    %swap3A_652 = vector.shape_cast %broadcast_in_dim3A_648 : vector<16xf32> to vector<16xf32>
    tpu.vector_store %arg11[%swap3A_649], %swap3A_652 {strides = array<i32>} : memref<2000xf32, #tpu.memory_space<vmem>>, vector<16xf32>,
    %broadcast_in_dim3A_653 = arith.constant 1.000000e+00 : f32
    %broadcast_in_dim3A_654 = vector.broadcast %broadcast_in_dim3A_653 : f32 to vector<16xf32>
    %swap3A_655 = arith.constant 1728 : index
    %swap3A_656 = tpu.vector_load %arg11[%swap3A_655] {strides = array<i32>} : memref<2000xf32, #tpu.memory_space<vmem>>, vector<16xf32>,
    %swap3A_657 = vector.shape_cast %swap3A_656 : vector<16xf32> to vector<16xf32>
    %swap3A_658 = vector.shape_cast %broadcast_in_dim3A_654 : vector<16xf32> to vector<16xf32>
    tpu.vector_store %arg11[%swap3A_655], %swap3A_658 {strides = array<i32>} : memref<2000xf32, #tpu.memory_space<vmem>>, vector<16xf32>,
    %broadcast_in_dim3A_659 = arith.constant 1.000000e+00 : f32
    %broadcast_in_dim3A_660 = vector.broadcast %broadcast_in_dim3A_659 : f32 to vector<16xf32>
    %swap3A_661 = arith.constant 1744 : index
    %swap3A_662 = tpu.vector_load %arg11[%swap3A_661] {strides = array<i32>} : memref<2000xf32, #tpu.memory_space<vmem>>, vector<16xf32>,
    %swap3A_663 = vector.shape_cast %swap3A_662 : vector<16xf32> to vector<16xf32>
    %swap3A_664 = vector.shape_cast %broadcast_in_dim3A_660 : vector<16xf32> to vector<16xf32>
    tpu.vector_store %arg11[%swap3A_661], %swap3A_664 {strides = array<i32>} : memref<2000xf32, #tpu.memory_space<vmem>>, vector<16xf32>,
    %broadcast_in_dim3A_665 = arith.constant 1.000000e+00 : f32
    %broadcast_in_dim3A_666 = vector.broadcast %broadcast_in_dim3A_665 : f32 to vector<16xf32>
    %swap3A_667 = arith.constant 1760 : index
    %swap3A_668 = tpu.vector_load %arg11[%swap3A_667] {strides = array<i32>} : memref<2000xf32, #tpu.memory_space<vmem>>, vector<16xf32>,
    %swap3A_669 = vector.shape_cast %swap3A_668 : vector<16xf32> to vector<16xf32>
    %swap3A_670 = vector.shape_cast %broadcast_in_dim3A_666 : vector<16xf32> to vector<16xf32>
    tpu.vector_store %arg11[%swap3A_667], %swap3A_670 {strides = array<i32>} : memref<2000xf32, #tpu.memory_space<vmem>>, vector<16xf32>,
    %broadcast_in_dim3A_671 = arith.constant 1.000000e+00 : f32
    %broadcast_in_dim3A_672 = vector.broadcast %broadcast_in_dim3A_671 : f32 to vector<16xf32>
    %swap3A_673 = arith.constant 1776 : index
    %swap3A_674 = tpu.vector_load %arg11[%swap3A_673] {strides = array<i32>} : memref<2000xf32, #tpu.memory_space<vmem>>, vector<16xf32>,
    %swap3A_675 = vector.shape_cast %swap3A_674 : vector<16xf32> to vector<16xf32>
    %swap3A_676 = vector.shape_cast %broadcast_in_dim3A_672 : vector<16xf32> to vector<16xf32>
    tpu.vector_store %arg11[%swap3A_673], %swap3A_676 {strides = array<i32>} : memref<2000xf32, #tpu.memory_space<vmem>>, vector<16xf32>,
    %broadcast_in_dim3A_677 = arith.constant 1.000000e+00 : f32
    %broadcast_in_dim3A_678 = vector.broadcast %broadcast_in_dim3A_677 : f32 to vector<16xf32>
    %swap3A_679 = arith.constant 1792 : index
    %swap3A_680 = tpu.vector_load %arg11[%swap3A_679] {strides = array<i32>} : memref<2000xf32, #tpu.memory_space<vmem>>, vector<16xf32>,
    %swap3A_681 = vector.shape_cast %swap3A_680 : vector<16xf32> to vector<16xf32>
    %swap3A_682 = vector.shape_cast %broadcast_in_dim3A_678 : vector<16xf32> to vector<16xf32>
    tpu.vector_store %arg11[%swap3A_679], %swap3A_682 {strides = array<i32>} : memref<2000xf32, #tpu.memory_space<vmem>>, vector<16xf32>,
    %broadcast_in_dim3A_683 = arith.constant 1.000000e+00 : f32
    %broadcast_in_dim3A_684 = vector.broadcast %broadcast_in_dim3A_683 : f32 to vector<16xf32>
    %swap3A_685 = arith.constant 1808 : index
    %swap3A_686 = tpu.vector_load %arg11[%swap3A_685] {strides = array<i32>} : memref<2000xf32, #tpu.memory_space<vmem>>, vector<16xf32>,
    %swap3A_687 = vector.shape_cast %swap3A_686 : vector<16xf32> to vector<16xf32>
    %swap3A_688 = vector.shape_cast %broadcast_in_dim3A_684 : vector<16xf32> to vector<16xf32>
    tpu.vector_store %arg11[%swap3A_685], %swap3A_688 {strides = array<i32>} : memref<2000xf32, #tpu.memory_space<vmem>>, vector<16xf32>,
    %broadcast_in_dim3A_689 = arith.constant 1.000000e+00 : f32
    %broadcast_in_dim3A_690 = vector.broadcast %broadcast_in_dim3A_689 : f32 to vector<16xf32>
    %swap3A_691 = arith.constant 1824 : index
    %swap3A_692 = tpu.vector_load %arg11[%swap3A_691] {strides = array<i32>} : memref<2000xf32, #tpu.memory_space<vmem>>, vector<16xf32>,
    %swap3A_693 = vector.shape_cast %swap3A_692 : vector<16xf32> to vector<16xf32>
    %swap3A_694 = vector.shape_cast %broadcast_in_dim3A_690 : vector<16xf32> to vector<16xf32>
    tpu.vector_store %arg11[%swap3A_691], %swap3A_694 {strides = array<i32>} : memref<2000xf32, #tpu.memory_space<vmem>>, vector<16xf32>,
    %broadcast_in_dim3A_695 = arith.constant 1.000000e+00 : f32
    %broadcast_in_dim3A_696 = vector.broadcast %broadcast_in_dim3A_695 : f32 to vector<16xf32>
    %swap3A_697 = arith.constant 1840 : index
    %swap3A_698 = tpu.vector_load %arg11[%swap3A_697] {strides = array<i32>} : memref<2000xf32, #tpu.memory_space<vmem>>, vector<16xf32>,
    %swap3A_699 = vector.shape_cast %swap3A_698 : vector<16xf32> to vector<16xf32>
    %swap3A_700 = vector.shape_cast %broadcast_in_dim3A_696 : vector<16xf32> to vector<16xf32>
    tpu.vector_store %arg11[%swap3A_697], %swap3A_700 {strides = array<i32>} : memref<2000xf32, #tpu.memory_space<vmem>>, vector<16xf32>,
    %broadcast_in_dim3A_701 = arith.constant 1.000000e+00 : f32
    %broadcast_in_dim3A_702 = vector.broadcast %broadcast_in_dim3A_701 : f32 to vector<16xf32>
    %swap3A_703 = arith.constant 1856 : index
    %swap3A_704 = tpu.vector_load %arg11[%swap3A_703] {strides = array<i32>} : memref<2000xf32, #tpu.memory_space<vmem>>, vector<16xf32>,
    %swap3A_705 = vector.shape_cast %swap3A_704 : vector<16xf32> to vector<16xf32>
    %swap3A_706 = vector.shape_cast %broadcast_in_dim3A_702 : vector<16xf32> to vector<16xf32>
    tpu.vector_store %arg11[%swap3A_703], %swap3A_706 {strides = array<i32>} : memref<2000xf32, #tpu.memory_space<vmem>>, vector<16xf32>,
    %broadcast_in_dim3A_707 = arith.constant 1.000000e+00 : f32
    %broadcast_in_dim3A_708 = vector.broadcast %broadcast_in_dim3A_707 : f32 to vector<16xf32>
    %swap3A_709 = arith.constant 1872 : index
    %swap3A_710 = tpu.vector_load %arg11[%swap3A_709] {strides = array<i32>} : memref<2000xf32, #tpu.memory_space<vmem>>, vector<16xf32>,
    %swap3A_711 = vector.shape_cast %swap3A_710 : vector<16xf32> to vector<16xf32>
    %swap3A_712 = vector.shape_cast %broadcast_in_dim3A_708 : vector<16xf32> to vector<16xf32>
    tpu.vector_store %arg11[%swap3A_709], %swap3A_712 {strides = array<i32>} : memref<2000xf32, #tpu.memory_space<vmem>>, vector<16xf32>,
    %broadcast_in_dim3A_713 = arith.constant 1.000000e+00 : f32
    %broadcast_in_dim3A_714 = vector.broadcast %broadcast_in_dim3A_713 : f32 to vector<16xf32>
    %swap3A_715 = arith.constant 1888 : index
    %swap3A_716 = tpu.vector_load %arg11[%swap3A_715] {strides = array<i32>} : memref<2000xf32, #tpu.memory_space<vmem>>, vector<16xf32>,
    %swap3A_717 = vector.shape_cast %swap3A_716 : vector<16xf32> to vector<16xf32>
    %swap3A_718 = vector.shape_cast %broadcast_in_dim3A_714 : vector<16xf32> to vector<16xf32>
    tpu.vector_store %arg11[%swap3A_715], %swap3A_718 {strides = array<i32>} : memref<2000xf32, #tpu.memory_space<vmem>>, vector<16xf32>,
    %broadcast_in_dim3A_719 = arith.constant 1.000000e+00 : f32
    %broadcast_in_dim3A_720 = vector.broadcast %broadcast_in_dim3A_719 : f32 to vector<16xf32>
    %swap3A_721 = arith.constant 1904 : index
    %swap3A_722 = tpu.vector_load %arg11[%swap3A_721] {strides = array<i32>} : memref<2000xf32, #tpu.memory_space<vmem>>, vector<16xf32>,
    %swap3A_723 = vector.shape_cast %swap3A_722 : vector<16xf32> to vector<16xf32>
    %swap3A_724 = vector.shape_cast %broadcast_in_dim3A_720 : vector<16xf32> to vector<16xf32>
    tpu.vector_store %arg11[%swap3A_721], %swap3A_724 {strides = array<i32>} : memref<2000xf32, #tpu.memory_space<vmem>>, vector<16xf32>,
    %broadcast_in_dim3A_725 = arith.constant 1.000000e+00 : f32
    %broadcast_in_dim3A_726 = vector.broadcast %broadcast_in_dim3A_725 : f32 to vector<16xf32>
    %swap3A_727 = arith.constant 1920 : index
    %swap3A_728 = tpu.vector_load %arg11[%swap3A_727] {strides = array<i32>} : memref<2000xf32, #tpu.memory_space<vmem>>, vector<16xf32>,
    %swap3A_729 = vector.shape_cast %swap3A_728 : vector<16xf32> to vector<16xf32>
    %swap3A_730 = vector.shape_cast %broadcast_in_dim3A_726 : vector<16xf32> to vector<16xf32>
    tpu.vector_store %arg11[%swap3A_727], %swap3A_730 {strides = array<i32>} : memref<2000xf32, #tpu.memory_space<vmem>>, vector<16xf32>,
    %broadcast_in_dim3A_731 = arith.constant 1.000000e+00 : f32
    %broadcast_in_dim3A_732 = vector.broadcast %broadcast_in_dim3A_731 : f32 to vector<16xf32>
    %swap3A_733 = arith.constant 1936 : index
    %swap3A_734 = tpu.vector_load %arg11[%swap3A_733] {strides = array<i32>} : memref<2000xf32, #tpu.memory_space<vmem>>, vector<16xf32>,
    %swap3A_735 = vector.shape_cast %swap3A_734 : vector<16xf32> to vector<16xf32>
    %swap3A_736 = vector.shape_cast %broadcast_in_dim3A_732 : vector<16xf32> to vector<16xf32>
    tpu.vector_store %arg11[%swap3A_733], %swap3A_736 {strides = array<i32>} : memref<2000xf32, #tpu.memory_space<vmem>>, vector<16xf32>,
    %broadcast_in_dim3A_737 = arith.constant 1.000000e+00 : f32
    %broadcast_in_dim3A_738 = vector.broadcast %broadcast_in_dim3A_737 : f32 to vector<16xf32>
    %swap3A_739 = arith.constant 1952 : index
    %swap3A_740 = tpu.vector_load %arg11[%swap3A_739] {strides = array<i32>} : memref<2000xf32, #tpu.memory_space<vmem>>, vector<16xf32>,
    %swap3A_741 = vector.shape_cast %swap3A_740 : vector<16xf32> to vector<16xf32>
    %swap3A_742 = vector.shape_cast %broadcast_in_dim3A_738 : vector<16xf32> to vector<16xf32>
    tpu.vector_store %arg11[%swap3A_739], %swap3A_742 {strides = array<i32>} : memref<2000xf32, #tpu.memory_space<vmem>>, vector<16xf32>,
    %broadcast_in_dim3A_743 = arith.constant 1.000000e+00 : f32
    %broadcast_in_dim3A_744 = vector.broadcast %broadcast_in_dim3A_743 : f32 to vector<16xf32>
    %swap3A_745 = arith.constant 1968 : index
    %swap3A_746 = tpu.vector_load %arg11[%swap3A_745] {strides = array<i32>} : memref<2000xf32, #tpu.memory_space<vmem>>, vector<16xf32>,
    %swap3A_747 = vector.shape_cast %swap3A_746 : vector<16xf32> to vector<16xf32>
    %swap3A_748 = vector.shape_cast %broadcast_in_dim3A_744 : vector<16xf32> to vector<16xf32>
    tpu.vector_store %arg11[%swap3A_745], %swap3A_748 {strides = array<i32>} : memref<2000xf32, #tpu.memory_space<vmem>>, vector<16xf32>,
    %broadcast_in_dim3A_749 = arith.constant 1.000000e+00 : f32
    %broadcast_in_dim3A_750 = vector.broadcast %broadcast_in_dim3A_749 : f32 to vector<16xf32>
    %swap3A_751 = arith.constant 1984 : index
    %swap3A_752 = tpu.vector_load %arg11[%swap3A_751] {strides = array<i32>} : memref<2000xf32, #tpu.memory_space<vmem>>, vector<16xf32>,
    %swap3A_753 = vector.shape_cast %swap3A_752 : vector<16xf32> to vector<16xf32>
    %swap3A_754 = vector.shape_cast %broadcast_in_dim3A_750 : vector<16xf32> to vector<16xf32>
    tpu.vector_store %arg11[%swap3A_751], %swap3A_754 {strides = array<i32>} : memref<2000xf32, #tpu.memory_space<vmem>>, vector<16xf32>,
    %mul3A_755 = arith.constant 640 : i32
    %mul3A_756 = arith.muli %arg1, %mul3A_755 : i32
    "tpu.region"() ({
      %run_scoped3A = tpu.sem_alloc : memref<!tpu.dma_semaphore, #tpu.memory_space<semaphore_mem>>
      %dma_start3A_892 = tpu.memref_slice %arg5[%mul3A_756] : memref<10240xf32, #tpu.memory_space<vmem_shared>> -> memref<640xf32, #tpu.memory_space<vmem_shared>>
      %dma_start3A_893 = tpu.memref_slice %arg5[%mul3A_756] : memref<10240xf32, #tpu.memory_space<vmem_shared>> -> memref<640xf32, #tpu.memory_space<vmem_shared>>
      tpu.enqueue_dma source(%arg12 : memref<640xf32, #tpu.memory_space<vmem>>) target(%dma_start3A_893 : memref<640xf32, #tpu.memory_space<vmem_shared>>) target_semaphore(%run_scoped3A : memref<!tpu.dma_semaphore, #tpu.memory_space<semaphore_mem>>)
      %dma_wait3A_894 = tpu.memref_slice %arg5[%mul3A_756] : memref<10240xf32, #tpu.memory_space<vmem_shared>> -> memref<640xf32, #tpu.memory_space<vmem_shared>>
      %dma_wait3A_895 = tpu.memref_slice %arg5[%mul3A_756] : memref<10240xf32, #tpu.memory_space<vmem_shared>> -> memref<640xf32, #tpu.memory_space<vmem_shared>>
      tpu.wait_dma2 semaphore(%run_scoped3A : memref<!tpu.dma_semaphore, #tpu.memory_space<semaphore_mem>>) src(%arg12 : memref<640xf32, #tpu.memory_space<vmem>>) dst(%dma_wait3A_895 : memref<640xf32, #tpu.memory_space<vmem_shared>>)
      tpu.yield
    }) : () -> ()
    %mul3A_757 = arith.constant 640 : i32
    %mul3A_758 = arith.muli %arg1, %mul3A_757 : i32
    "tpu.region"() ({
      %run_scoped3A = tpu.sem_alloc : memref<!tpu.dma_semaphore, #tpu.memory_space<semaphore_mem>>
      %dma_start3A_892 = tpu.memref_slice %arg6[%mul3A_758] : memref<10240xf32, #tpu.memory_space<vmem_shared>> -> memref<640xf32, #tpu.memory_space<vmem_shared>>
      %dma_start3A_893 = tpu.memref_slice %arg6[%mul3A_758] : memref<10240xf32, #tpu.memory_space<vmem_shared>> -> memref<640xf32, #tpu.memory_space<vmem_shared>>
      tpu.enqueue_dma source(%arg12 : memref<640xf32, #tpu.memory_space<vmem>>) target(%dma_start3A_893 : memref<640xf32, #tpu.memory_space<vmem_shared>>) target_semaphore(%run_scoped3A : memref<!tpu.dma_semaphore, #tpu.memory_space<semaphore_mem>>)
      %dma_wait3A_894 = tpu.memref_slice %arg6[%mul3A_758] : memref<10240xf32, #tpu.memory_space<vmem_shared>> -> memref<640xf32, #tpu.memory_space<vmem_shared>>
      %dma_wait3A_895 = tpu.memref_slice %arg6[%mul3A_758] : memref<10240xf32, #tpu.memory_space<vmem_shared>> -> memref<640xf32, #tpu.memory_space<vmem_shared>>
      tpu.wait_dma2 semaphore(%run_scoped3A : memref<!tpu.dma_semaphore, #tpu.memory_space<semaphore_mem>>) src(%arg12 : memref<640xf32, #tpu.memory_space<vmem>>) dst(%dma_wait3A_895 : memref<640xf32, #tpu.memory_space<vmem_shared>>)
      tpu.yield
    }) : () -> ()
    %barrier3A = arith.constant 0 : index
    tpu.barrier barrier_id(%barrier3A)
    %mul3A_759 = arith.constant 5 : i32
    %mul3A_760 = arith.muli %add3A, %mul3A_759 : i32
    %add3A_761 = arith.constant 0 : i32
    %add3A_762 = arith.addi %mul3A_760, %add3A_761 : i32
    %mul3A_763 = arith.constant 2000 : i32
    %mul3A_764 = arith.muli %add3A_762, %mul3A_763 : i32
    %dma_start3A = tpu.memref_slice %arg2[%mul3A_764] : memref<640000xi32, #tpu.memory_space<hbm>> -> memref<2000xi32, #tpu.memory_space<hbm>>
    %dma_start3A_765 = tpu.memref_slice %arg2[%mul3A_764] : memref<640000xi32, #tpu.memory_space<hbm>> -> memref<2000xi32, #tpu.memory_space<hbm>>
    tpu.enqueue_dma source(%dma_start3A_765 : memref<2000xi32, #tpu.memory_space<hbm>>) target(%arg7 : memref<2000xi32, #tpu.memory_space<vmem>>) target_semaphore(%arg13 : memref<!tpu.dma_semaphore, #tpu.memory_space<semaphore_mem>>)
    %add3A_766 = arith.constant 320000 : i32
    %add3A_767 = arith.addi %add3A_766, %mul3A_764 : i32
    %dma_start3A_768 = tpu.memref_slice %arg2[%add3A_767] : memref<640000xi32, #tpu.memory_space<hbm>> -> memref<2000xi32, #tpu.memory_space<hbm>>
    %dma_start3A_769 = tpu.memref_slice %arg2[%add3A_767] : memref<640000xi32, #tpu.memory_space<hbm>> -> memref<2000xi32, #tpu.memory_space<hbm>>
    tpu.enqueue_dma source(%dma_start3A_769 : memref<2000xi32, #tpu.memory_space<hbm>>) target(%arg9 : memref<2000xi32, #tpu.memory_space<vmem>>) target_semaphore(%arg15 : memref<!tpu.dma_semaphore, #tpu.memory_space<semaphore_mem>>)
    %mul3A_770 = arith.constant 5 : i32
    %mul3A_771 = arith.muli %add3A, %mul3A_770 : i32
    %add3A_772 = arith.constant 1 : i32
    %add3A_773 = arith.addi %mul3A_771, %add3A_772 : i32
    %mul3A_774 = arith.constant 2000 : i32
    %mul3A_775 = arith.muli %add3A_773, %mul3A_774 : i32
    %dma_start3A_776 = tpu.memref_slice %arg2[%mul3A_775] : memref<640000xi32, #tpu.memory_space<hbm>> -> memref<2000xi32, #tpu.memory_space<hbm>>
    %dma_start3A_777 = tpu.memref_slice %arg2[%mul3A_775] : memref<640000xi32, #tpu.memory_space<hbm>> -> memref<2000xi32, #tpu.memory_space<hbm>>
    tpu.enqueue_dma source(%dma_start3A_777 : memref<2000xi32, #tpu.memory_space<hbm>>) target(%arg8 : memref<2000xi32, #tpu.memory_space<vmem>>) target_semaphore(%arg14 : memref<!tpu.dma_semaphore, #tpu.memory_space<semaphore_mem>>)
    %add3A_778 = arith.constant 320000 : i32
    %add3A_779 = arith.addi %add3A_778, %mul3A_775 : i32
    %dma_start3A_780 = tpu.memref_slice %arg2[%add3A_779] : memref<640000xi32, #tpu.memory_space<hbm>> -> memref<2000xi32, #tpu.memory_space<hbm>>
    %dma_start3A_781 = tpu.memref_slice %arg2[%add3A_779] : memref<640000xi32, #tpu.memory_space<hbm>> -> memref<2000xi32, #tpu.memory_space<hbm>>
    tpu.enqueue_dma source(%dma_start3A_781 : memref<2000xi32, #tpu.memory_space<hbm>>) target(%arg10 : memref<2000xi32, #tpu.memory_space<vmem>>) target_semaphore(%arg16 : memref<!tpu.dma_semaphore, #tpu.memory_space<semaphore_mem>>)
    %mul3A_782 = arith.constant 5 : i32
    %mul3A_783 = arith.muli %add3A, %mul3A_782 : i32
    %add3A_784 = arith.constant 0 : i32
    %add3A_785 = arith.addi %mul3A_783, %add3A_784 : i32
    %mul3A_786 = arith.constant 2000 : i32
    %mul3A_787 = arith.muli %add3A_785, %mul3A_786 : i32
    %dma_wait3A = tpu.memref_slice %arg2[%mul3A_787] : memref<640000xi32, #tpu.memory_space<hbm>> -> memref<2000xi32, #tpu.memory_space<hbm>>
    %dma_wait3A_788 = tpu.memref_slice %arg2[%mul3A_787] : memref<640000xi32, #tpu.memory_space<hbm>> -> memref<2000xi32, #tpu.memory_space<hbm>>
    tpu.wait_dma2 semaphore(%arg13 : memref<!tpu.dma_semaphore, #tpu.memory_space<semaphore_mem>>) src(%dma_wait3A_788 : memref<2000xi32, #tpu.memory_space<hbm>>) dst(%arg7 : memref<2000xi32, #tpu.memory_space<vmem>>)
    %add3A_789 = arith.constant 320000 : i32
    %add3A_790 = arith.addi %add3A_789, %mul3A_787 : i32
    %dma_wait3A_791 = tpu.memref_slice %arg2[%add3A_790] : memref<640000xi32, #tpu.memory_space<hbm>> -> memref<2000xi32, #tpu.memory_space<hbm>>
    %dma_wait3A_792 = tpu.memref_slice %arg2[%add3A_790] : memref<640000xi32, #tpu.memory_space<hbm>> -> memref<2000xi32, #tpu.memory_space<hbm>>
    tpu.wait_dma2 semaphore(%arg15 : memref<!tpu.dma_semaphore, #tpu.memory_space<semaphore_mem>>) src(%dma_wait3A_792 : memref<2000xi32, #tpu.memory_space<hbm>>) dst(%arg9 : memref<2000xi32, #tpu.memory_space<vmem>>)
    "tpu.region"() ({
      %run_scoped3A = tpu.sem_alloc : memref<!tpu.dma_semaphore, #tpu.memory_space<semaphore_mem>>
      %dma_start3A_892 = arith.constant 0 : i32
      %dma_start3A_893 = tpu.memref_slice %arg5[%dma_start3A_892] : memref<10240xf32, #tpu.memory_space<vmem_shared>> -> memref<10240xf32, #tpu.memory_space<vmem_shared>>
      tpu.enqueue_indirect_dma source(%arg11 : memref<2000xf32, #tpu.memory_space<vmem>>) target(%dma_start3A_893 : memref<10240xf32, #tpu.memory_space<vmem_shared>>) offsets(%arg7 : memref<2000xi32, #tpu.memory_space<vmem>>) semaphore(%run_scoped3A : memref<!tpu.dma_semaphore, #tpu.memory_space<semaphore_mem>>) {add = true}
      %dma_wait3A_894 = arith.constant 0 : i32
      %dma_wait3A_895 = tpu.memref_slice %arg5[%dma_wait3A_894] : memref<10240xf32, #tpu.memory_space<vmem_shared>> -> memref<10240xf32, #tpu.memory_space<vmem_shared>>
      tpu.wait_indirect_dma semaphore(%run_scoped3A : memref<!tpu.dma_semaphore, #tpu.memory_space<semaphore_mem>>) src(%arg11 : memref<2000xf32, #tpu.memory_space<vmem>>) dst(%dma_wait3A_895 : memref<10240xf32, #tpu.memory_space<vmem_shared>>)
      tpu.yield
    }) : () -> ()
    "tpu.region"() ({
      %run_scoped3A = tpu.sem_alloc : memref<!tpu.dma_semaphore, #tpu.memory_space<semaphore_mem>>
      %dma_start3A_892 = arith.constant 0 : i32
      %dma_start3A_893 = tpu.memref_slice %arg6[%dma_start3A_892] : memref<10240xf32, #tpu.memory_space<vmem_shared>> -> memref<10240xf32, #tpu.memory_space<vmem_shared>>
      tpu.enqueue_indirect_dma source(%arg11 : memref<2000xf32, #tpu.memory_space<vmem>>) target(%dma_start3A_893 : memref<10240xf32, #tpu.memory_space<vmem_shared>>) offsets(%arg9 : memref<2000xi32, #tpu.memory_space<vmem>>) semaphore(%run_scoped3A : memref<!tpu.dma_semaphore, #tpu.memory_space<semaphore_mem>>) {add = true}
      %dma_wait3A_894 = arith.constant 0 : i32
      %dma_wait3A_895 = tpu.memref_slice %arg6[%dma_wait3A_894] : memref<10240xf32, #tpu.memory_space<vmem_shared>> -> memref<10240xf32, #tpu.memory_space<vmem_shared>>
      tpu.wait_indirect_dma semaphore(%run_scoped3A : memref<!tpu.dma_semaphore, #tpu.memory_space<semaphore_mem>>) src(%arg11 : memref<2000xf32, #tpu.memory_space<vmem>>) dst(%dma_wait3A_895 : memref<10240xf32, #tpu.memory_space<vmem_shared>>)
      tpu.yield
    }) : () -> ()
    %mul3A_793 = arith.constant 5 : i32
    %mul3A_794 = arith.muli %add3A, %mul3A_793 : i32
    %add3A_795 = arith.constant 2 : i32
    %add3A_796 = arith.addi %mul3A_794, %add3A_795 : i32
    %mul3A_797 = arith.constant 2000 : i32
    %mul3A_798 = arith.muli %add3A_796, %mul3A_797 : i32
    %dma_start3A_799 = tpu.memref_slice %arg2[%mul3A_798] : memref<640000xi32, #tpu.memory_space<hbm>> -> memref<2000xi32, #tpu.memory_space<hbm>>
    %dma_start3A_800 = tpu.memref_slice %arg2[%mul3A_798] : memref<640000xi32, #tpu.memory_space<hbm>> -> memref<2000xi32, #tpu.memory_space<hbm>>
    tpu.enqueue_dma source(%dma_start3A_800 : memref<2000xi32, #tpu.memory_space<hbm>>) target(%arg7 : memref<2000xi32, #tpu.memory_space<vmem>>) target_semaphore(%arg13 : memref<!tpu.dma_semaphore, #tpu.memory_space<semaphore_mem>>)
    %add3A_801 = arith.constant 320000 : i32
    %add3A_802 = arith.addi %add3A_801, %mul3A_798 : i32
    %dma_start3A_803 = tpu.memref_slice %arg2[%add3A_802] : memref<640000xi32, #tpu.memory_space<hbm>> -> memref<2000xi32, #tpu.memory_space<hbm>>
    %dma_start3A_804 = tpu.memref_slice %arg2[%add3A_802] : memref<640000xi32, #tpu.memory_space<hbm>> -> memref<2000xi32, #tpu.memory_space<hbm>>
    tpu.enqueue_dma source(%dma_start3A_804 : memref<2000xi32, #tpu.memory_space<hbm>>) target(%arg9 : memref<2000xi32, #tpu.memory_space<vmem>>) target_semaphore(%arg15 : memref<!tpu.dma_semaphore, #tpu.memory_space<semaphore_mem>>)
    %mul3A_805 = arith.constant 5 : i32
    %mul3A_806 = arith.muli %add3A, %mul3A_805 : i32
    %add3A_807 = arith.constant 1 : i32
    %add3A_808 = arith.addi %mul3A_806, %add3A_807 : i32
    %mul3A_809 = arith.constant 2000 : i32
    %mul3A_810 = arith.muli %add3A_808, %mul3A_809 : i32
    %dma_wait3A_811 = tpu.memref_slice %arg2[%mul3A_810] : memref<640000xi32, #tpu.memory_space<hbm>> -> memref<2000xi32, #tpu.memory_space<hbm>>
    %dma_wait3A_812 = tpu.memref_slice %arg2[%mul3A_810] : memref<640000xi32, #tpu.memory_space<hbm>> -> memref<2000xi32, #tpu.memory_space<hbm>>
    tpu.wait_dma2 semaphore(%arg14 : memref<!tpu.dma_semaphore, #tpu.memory_space<semaphore_mem>>) src(%dma_wait3A_812 : memref<2000xi32, #tpu.memory_space<hbm>>) dst(%arg8 : memref<2000xi32, #tpu.memory_space<vmem>>)
    %add3A_813 = arith.constant 320000 : i32
    %add3A_814 = arith.addi %add3A_813, %mul3A_810 : i32
    %dma_wait3A_815 = tpu.memref_slice %arg2[%add3A_814] : memref<640000xi32, #tpu.memory_space<hbm>> -> memref<2000xi32, #tpu.memory_space<hbm>>
    %dma_wait3A_816 = tpu.memref_slice %arg2[%add3A_814] : memref<640000xi32, #tpu.memory_space<hbm>> -> memref<2000xi32, #tpu.memory_space<hbm>>
    tpu.wait_dma2 semaphore(%arg16 : memref<!tpu.dma_semaphore, #tpu.memory_space<semaphore_mem>>) src(%dma_wait3A_816 : memref<2000xi32, #tpu.memory_space<hbm>>) dst(%arg10 : memref<2000xi32, #tpu.memory_space<vmem>>)
    "tpu.region"() ({
      %run_scoped3A = tpu.sem_alloc : memref<!tpu.dma_semaphore, #tpu.memory_space<semaphore_mem>>
      %dma_start3A_892 = arith.constant 0 : i32
      %dma_start3A_893 = tpu.memref_slice %arg5[%dma_start3A_892] : memref<10240xf32, #tpu.memory_space<vmem_shared>> -> memref<10240xf32, #tpu.memory_space<vmem_shared>>
      tpu.enqueue_indirect_dma source(%arg11 : memref<2000xf32, #tpu.memory_space<vmem>>) target(%dma_start3A_893 : memref<10240xf32, #tpu.memory_space<vmem_shared>>) offsets(%arg8 : memref<2000xi32, #tpu.memory_space<vmem>>) semaphore(%run_scoped3A : memref<!tpu.dma_semaphore, #tpu.memory_space<semaphore_mem>>) {add = true}
      %dma_wait3A_894 = arith.constant 0 : i32
      %dma_wait3A_895 = tpu.memref_slice %arg5[%dma_wait3A_894] : memref<10240xf32, #tpu.memory_space<vmem_shared>> -> memref<10240xf32, #tpu.memory_space<vmem_shared>>
      tpu.wait_indirect_dma semaphore(%run_scoped3A : memref<!tpu.dma_semaphore, #tpu.memory_space<semaphore_mem>>) src(%arg11 : memref<2000xf32, #tpu.memory_space<vmem>>) dst(%dma_wait3A_895 : memref<10240xf32, #tpu.memory_space<vmem_shared>>)
      tpu.yield
    }) : () -> ()
    "tpu.region"() ({
      %run_scoped3A = tpu.sem_alloc : memref<!tpu.dma_semaphore, #tpu.memory_space<semaphore_mem>>
      %dma_start3A_892 = arith.constant 0 : i32
      %dma_start3A_893 = tpu.memref_slice %arg6[%dma_start3A_892] : memref<10240xf32, #tpu.memory_space<vmem_shared>> -> memref<10240xf32, #tpu.memory_space<vmem_shared>>
      tpu.enqueue_indirect_dma source(%arg11 : memref<2000xf32, #tpu.memory_space<vmem>>) target(%dma_start3A_893 : memref<10240xf32, #tpu.memory_space<vmem_shared>>) offsets(%arg10 : memref<2000xi32, #tpu.memory_space<vmem>>) semaphore(%run_scoped3A : memref<!tpu.dma_semaphore, #tpu.memory_space<semaphore_mem>>) {add = true}
      %dma_wait3A_894 = arith.constant 0 : i32
      %dma_wait3A_895 = tpu.memref_slice %arg6[%dma_wait3A_894] : memref<10240xf32, #tpu.memory_space<vmem_shared>> -> memref<10240xf32, #tpu.memory_space<vmem_shared>>
      tpu.wait_indirect_dma semaphore(%run_scoped3A : memref<!tpu.dma_semaphore, #tpu.memory_space<semaphore_mem>>) src(%arg11 : memref<2000xf32, #tpu.memory_space<vmem>>) dst(%dma_wait3A_895 : memref<10240xf32, #tpu.memory_space<vmem_shared>>)
      tpu.yield
    }) : () -> ()
    %mul3A_817 = arith.constant 5 : i32
    %mul3A_818 = arith.muli %add3A, %mul3A_817 : i32
    %add3A_819 = arith.constant 3 : i32
    %add3A_820 = arith.addi %mul3A_818, %add3A_819 : i32
    %mul3A_821 = arith.constant 2000 : i32
    %mul3A_822 = arith.muli %add3A_820, %mul3A_821 : i32
    %dma_start3A_823 = tpu.memref_slice %arg2[%mul3A_822] : memref<640000xi32, #tpu.memory_space<hbm>> -> memref<2000xi32, #tpu.memory_space<hbm>>
    %dma_start3A_824 = tpu.memref_slice %arg2[%mul3A_822] : memref<640000xi32, #tpu.memory_space<hbm>> -> memref<2000xi32, #tpu.memory_space<hbm>>
    tpu.enqueue_dma source(%dma_start3A_824 : memref<2000xi32, #tpu.memory_space<hbm>>) target(%arg8 : memref<2000xi32, #tpu.memory_space<vmem>>) target_semaphore(%arg14 : memref<!tpu.dma_semaphore, #tpu.memory_space<semaphore_mem>>)
    %add3A_825 = arith.constant 320000 : i32
    %add3A_826 = arith.addi %add3A_825, %mul3A_822 : i32
    %dma_start3A_827 = tpu.memref_slice %arg2[%add3A_826] : memref<640000xi32, #tpu.memory_space<hbm>> -> memref<2000xi32, #tpu.memory_space<hbm>>
    %dma_start3A_828 = tpu.memref_slice %arg2[%add3A_826] : memref<640000xi32, #tpu.memory_space<hbm>> -> memref<2000xi32, #tpu.memory_space<hbm>>
    tpu.enqueue_dma source(%dma_start3A_828 : memref<2000xi32, #tpu.memory_space<hbm>>) target(%arg10 : memref<2000xi32, #tpu.memory_space<vmem>>) target_semaphore(%arg16 : memref<!tpu.dma_semaphore, #tpu.memory_space<semaphore_mem>>)
    %mul3A_829 = arith.constant 5 : i32
    %mul3A_830 = arith.muli %add3A, %mul3A_829 : i32
    %add3A_831 = arith.constant 2 : i32
    %add3A_832 = arith.addi %mul3A_830, %add3A_831 : i32
    %mul3A_833 = arith.constant 2000 : i32
    %mul3A_834 = arith.muli %add3A_832, %mul3A_833 : i32
    %dma_wait3A_835 = tpu.memref_slice %arg2[%mul3A_834] : memref<640000xi32, #tpu.memory_space<hbm>> -> memref<2000xi32, #tpu.memory_space<hbm>>
    %dma_wait3A_836 = tpu.memref_slice %arg2[%mul3A_834] : memref<640000xi32, #tpu.memory_space<hbm>> -> memref<2000xi32, #tpu.memory_space<hbm>>
    tpu.wait_dma2 semaphore(%arg13 : memref<!tpu.dma_semaphore, #tpu.memory_space<semaphore_mem>>) src(%dma_wait3A_836 : memref<2000xi32, #tpu.memory_space<hbm>>) dst(%arg7 : memref<2000xi32, #tpu.memory_space<vmem>>)
    %add3A_837 = arith.constant 320000 : i32
    %add3A_838 = arith.addi %add3A_837, %mul3A_834 : i32
    %dma_wait3A_839 = tpu.memref_slice %arg2[%add3A_838] : memref<640000xi32, #tpu.memory_space<hbm>> -> memref<2000xi32, #tpu.memory_space<hbm>>
    %dma_wait3A_840 = tpu.memref_slice %arg2[%add3A_838] : memref<640000xi32, #tpu.memory_space<hbm>> -> memref<2000xi32, #tpu.memory_space<hbm>>
    tpu.wait_dma2 semaphore(%arg15 : memref<!tpu.dma_semaphore, #tpu.memory_space<semaphore_mem>>) src(%dma_wait3A_840 : memref<2000xi32, #tpu.memory_space<hbm>>) dst(%arg9 : memref<2000xi32, #tpu.memory_space<vmem>>)
    "tpu.region"() ({
      %run_scoped3A = tpu.sem_alloc : memref<!tpu.dma_semaphore, #tpu.memory_space<semaphore_mem>>
      %dma_start3A_892 = arith.constant 0 : i32
      %dma_start3A_893 = tpu.memref_slice %arg5[%dma_start3A_892] : memref<10240xf32, #tpu.memory_space<vmem_shared>> -> memref<10240xf32, #tpu.memory_space<vmem_shared>>
      tpu.enqueue_indirect_dma source(%arg11 : memref<2000xf32, #tpu.memory_space<vmem>>) target(%dma_start3A_893 : memref<10240xf32, #tpu.memory_space<vmem_shared>>) offsets(%arg7 : memref<2000xi32, #tpu.memory_space<vmem>>) semaphore(%run_scoped3A : memref<!tpu.dma_semaphore, #tpu.memory_space<semaphore_mem>>) {add = true}
      %dma_wait3A_894 = arith.constant 0 : i32
      %dma_wait3A_895 = tpu.memref_slice %arg5[%dma_wait3A_894] : memref<10240xf32, #tpu.memory_space<vmem_shared>> -> memref<10240xf32, #tpu.memory_space<vmem_shared>>
      tpu.wait_indirect_dma semaphore(%run_scoped3A : memref<!tpu.dma_semaphore, #tpu.memory_space<semaphore_mem>>) src(%arg11 : memref<2000xf32, #tpu.memory_space<vmem>>) dst(%dma_wait3A_895 : memref<10240xf32, #tpu.memory_space<vmem_shared>>)
      tpu.yield
    }) : () -> ()
    "tpu.region"() ({
      %run_scoped3A = tpu.sem_alloc : memref<!tpu.dma_semaphore, #tpu.memory_space<semaphore_mem>>
      %dma_start3A_892 = arith.constant 0 : i32
      %dma_start3A_893 = tpu.memref_slice %arg6[%dma_start3A_892] : memref<10240xf32, #tpu.memory_space<vmem_shared>> -> memref<10240xf32, #tpu.memory_space<vmem_shared>>
      tpu.enqueue_indirect_dma source(%arg11 : memref<2000xf32, #tpu.memory_space<vmem>>) target(%dma_start3A_893 : memref<10240xf32, #tpu.memory_space<vmem_shared>>) offsets(%arg9 : memref<2000xi32, #tpu.memory_space<vmem>>) semaphore(%run_scoped3A : memref<!tpu.dma_semaphore, #tpu.memory_space<semaphore_mem>>) {add = true}
      %dma_wait3A_894 = arith.constant 0 : i32
      %dma_wait3A_895 = tpu.memref_slice %arg6[%dma_wait3A_894] : memref<10240xf32, #tpu.memory_space<vmem_shared>> -> memref<10240xf32, #tpu.memory_space<vmem_shared>>
      tpu.wait_indirect_dma semaphore(%run_scoped3A : memref<!tpu.dma_semaphore, #tpu.memory_space<semaphore_mem>>) src(%arg11 : memref<2000xf32, #tpu.memory_space<vmem>>) dst(%dma_wait3A_895 : memref<10240xf32, #tpu.memory_space<vmem_shared>>)
      tpu.yield
    }) : () -> ()
    %mul3A_841 = arith.constant 5 : i32
    %mul3A_842 = arith.muli %add3A, %mul3A_841 : i32
    %add3A_843 = arith.constant 4 : i32
    %add3A_844 = arith.addi %mul3A_842, %add3A_843 : i32
    %mul3A_845 = arith.constant 2000 : i32
    %mul3A_846 = arith.muli %add3A_844, %mul3A_845 : i32
    %dma_start3A_847 = tpu.memref_slice %arg2[%mul3A_846] : memref<640000xi32, #tpu.memory_space<hbm>> -> memref<2000xi32, #tpu.memory_space<hbm>>
    %dma_start3A_848 = tpu.memref_slice %arg2[%mul3A_846] : memref<640000xi32, #tpu.memory_space<hbm>> -> memref<2000xi32, #tpu.memory_space<hbm>>
    tpu.enqueue_dma source(%dma_start3A_848 : memref<2000xi32, #tpu.memory_space<hbm>>) target(%arg7 : memref<2000xi32, #tpu.memory_space<vmem>>) target_semaphore(%arg13 : memref<!tpu.dma_semaphore, #tpu.memory_space<semaphore_mem>>)
    %add3A_849 = arith.constant 320000 : i32
    %add3A_850 = arith.addi %add3A_849, %mul3A_846 : i32
    %dma_start3A_851 = tpu.memref_slice %arg2[%add3A_850] : memref<640000xi32, #tpu.memory_space<hbm>> -> memref<2000xi32, #tpu.memory_space<hbm>>
    %dma_start3A_852 = tpu.memref_slice %arg2[%add3A_850] : memref<640000xi32, #tpu.memory_space<hbm>> -> memref<2000xi32, #tpu.memory_space<hbm>>
    tpu.enqueue_dma source(%dma_start3A_852 : memref<2000xi32, #tpu.memory_space<hbm>>) target(%arg9 : memref<2000xi32, #tpu.memory_space<vmem>>) target_semaphore(%arg15 : memref<!tpu.dma_semaphore, #tpu.memory_space<semaphore_mem>>)
    %mul3A_853 = arith.constant 5 : i32
    %mul3A_854 = arith.muli %add3A, %mul3A_853 : i32
    %add3A_855 = arith.constant 3 : i32
    %add3A_856 = arith.addi %mul3A_854, %add3A_855 : i32
    %mul3A_857 = arith.constant 2000 : i32
    %mul3A_858 = arith.muli %add3A_856, %mul3A_857 : i32
    %dma_wait3A_859 = tpu.memref_slice %arg2[%mul3A_858] : memref<640000xi32, #tpu.memory_space<hbm>> -> memref<2000xi32, #tpu.memory_space<hbm>>
    %dma_wait3A_860 = tpu.memref_slice %arg2[%mul3A_858] : memref<640000xi32, #tpu.memory_space<hbm>> -> memref<2000xi32, #tpu.memory_space<hbm>>
    tpu.wait_dma2 semaphore(%arg14 : memref<!tpu.dma_semaphore, #tpu.memory_space<semaphore_mem>>) src(%dma_wait3A_860 : memref<2000xi32, #tpu.memory_space<hbm>>) dst(%arg8 : memref<2000xi32, #tpu.memory_space<vmem>>)
    %add3A_861 = arith.constant 320000 : i32
    %add3A_862 = arith.addi %add3A_861, %mul3A_858 : i32
    %dma_wait3A_863 = tpu.memref_slice %arg2[%add3A_862] : memref<640000xi32, #tpu.memory_space<hbm>> -> memref<2000xi32, #tpu.memory_space<hbm>>
    %dma_wait3A_864 = tpu.memref_slice %arg2[%add3A_862] : memref<640000xi32, #tpu.memory_space<hbm>> -> memref<2000xi32, #tpu.memory_space<hbm>>
    tpu.wait_dma2 semaphore(%arg16 : memref<!tpu.dma_semaphore, #tpu.memory_space<semaphore_mem>>) src(%dma_wait3A_864 : memref<2000xi32, #tpu.memory_space<hbm>>) dst(%arg10 : memref<2000xi32, #tpu.memory_space<vmem>>)
    "tpu.region"() ({
      %run_scoped3A = tpu.sem_alloc : memref<!tpu.dma_semaphore, #tpu.memory_space<semaphore_mem>>
      %dma_start3A_892 = arith.constant 0 : i32
      %dma_start3A_893 = tpu.memref_slice %arg5[%dma_start3A_892] : memref<10240xf32, #tpu.memory_space<vmem_shared>> -> memref<10240xf32, #tpu.memory_space<vmem_shared>>
      tpu.enqueue_indirect_dma source(%arg11 : memref<2000xf32, #tpu.memory_space<vmem>>) target(%dma_start3A_893 : memref<10240xf32, #tpu.memory_space<vmem_shared>>) offsets(%arg8 : memref<2000xi32, #tpu.memory_space<vmem>>) semaphore(%run_scoped3A : memref<!tpu.dma_semaphore, #tpu.memory_space<semaphore_mem>>) {add = true}
      %dma_wait3A_894 = arith.constant 0 : i32
      %dma_wait3A_895 = tpu.memref_slice %arg5[%dma_wait3A_894] : memref<10240xf32, #tpu.memory_space<vmem_shared>> -> memref<10240xf32, #tpu.memory_space<vmem_shared>>
      tpu.wait_indirect_dma semaphore(%run_scoped3A : memref<!tpu.dma_semaphore, #tpu.memory_space<semaphore_mem>>) src(%arg11 : memref<2000xf32, #tpu.memory_space<vmem>>) dst(%dma_wait3A_895 : memref<10240xf32, #tpu.memory_space<vmem_shared>>)
      tpu.yield
    }) : () -> ()
    "tpu.region"() ({
      %run_scoped3A = tpu.sem_alloc : memref<!tpu.dma_semaphore, #tpu.memory_space<semaphore_mem>>
      %dma_start3A_892 = arith.constant 0 : i32
      %dma_start3A_893 = tpu.memref_slice %arg6[%dma_start3A_892] : memref<10240xf32, #tpu.memory_space<vmem_shared>> -> memref<10240xf32, #tpu.memory_space<vmem_shared>>
      tpu.enqueue_indirect_dma source(%arg11 : memref<2000xf32, #tpu.memory_space<vmem>>) target(%dma_start3A_893 : memref<10240xf32, #tpu.memory_space<vmem_shared>>) offsets(%arg10 : memref<2000xi32, #tpu.memory_space<vmem>>) semaphore(%run_scoped3A : memref<!tpu.dma_semaphore, #tpu.memory_space<semaphore_mem>>) {add = true}
      %dma_wait3A_894 = arith.constant 0 : i32
      %dma_wait3A_895 = tpu.memref_slice %arg6[%dma_wait3A_894] : memref<10240xf32, #tpu.memory_space<vmem_shared>> -> memref<10240xf32, #tpu.memory_space<vmem_shared>>
      tpu.wait_indirect_dma semaphore(%run_scoped3A : memref<!tpu.dma_semaphore, #tpu.memory_space<semaphore_mem>>) src(%arg11 : memref<2000xf32, #tpu.memory_space<vmem>>) dst(%dma_wait3A_895 : memref<10240xf32, #tpu.memory_space<vmem_shared>>)
      tpu.yield
    }) : () -> ()
    %mul3A_865 = arith.constant 5 : i32
    %mul3A_866 = arith.muli %add3A, %mul3A_865 : i32
    %add3A_867 = arith.constant 4 : i32
    %add3A_868 = arith.addi %mul3A_866, %add3A_867 : i32
    %mul3A_869 = arith.constant 2000 : i32
    %mul3A_870 = arith.muli %add3A_868, %mul3A_869 : i32
    %dma_wait3A_871 = tpu.memref_slice %arg2[%mul3A_870] : memref<640000xi32, #tpu.memory_space<hbm>> -> memref<2000xi32, #tpu.memory_space<hbm>>
    %dma_wait3A_872 = tpu.memref_slice %arg2[%mul3A_870] : memref<640000xi32, #tpu.memory_space<hbm>> -> memref<2000xi32, #tpu.memory_space<hbm>>
    tpu.wait_dma2 semaphore(%arg13 : memref<!tpu.dma_semaphore, #tpu.memory_space<semaphore_mem>>) src(%dma_wait3A_872 : memref<2000xi32, #tpu.memory_space<hbm>>) dst(%arg7 : memref<2000xi32, #tpu.memory_space<vmem>>)
    %add3A_873 = arith.constant 320000 : i32
    %add3A_874 = arith.addi %add3A_873, %mul3A_870 : i32
    %dma_wait3A_875 = tpu.memref_slice %arg2[%add3A_874] : memref<640000xi32, #tpu.memory_space<hbm>> -> memref<2000xi32, #tpu.memory_space<hbm>>
    %dma_wait3A_876 = tpu.memref_slice %arg2[%add3A_874] : memref<640000xi32, #tpu.memory_space<hbm>> -> memref<2000xi32, #tpu.memory_space<hbm>>
    tpu.wait_dma2 semaphore(%arg15 : memref<!tpu.dma_semaphore, #tpu.memory_space<semaphore_mem>>) src(%dma_wait3A_876 : memref<2000xi32, #tpu.memory_space<hbm>>) dst(%arg9 : memref<2000xi32, #tpu.memory_space<vmem>>)
    "tpu.region"() ({
      %run_scoped3A = tpu.sem_alloc : memref<!tpu.dma_semaphore, #tpu.memory_space<semaphore_mem>>
      %dma_start3A_892 = arith.constant 0 : i32
      %dma_start3A_893 = tpu.memref_slice %arg5[%dma_start3A_892] : memref<10240xf32, #tpu.memory_space<vmem_shared>> -> memref<10240xf32, #tpu.memory_space<vmem_shared>>
      tpu.enqueue_indirect_dma source(%arg11 : memref<2000xf32, #tpu.memory_space<vmem>>) target(%dma_start3A_893 : memref<10240xf32, #tpu.memory_space<vmem_shared>>) offsets(%arg7 : memref<2000xi32, #tpu.memory_space<vmem>>) semaphore(%run_scoped3A : memref<!tpu.dma_semaphore, #tpu.memory_space<semaphore_mem>>) {add = true}
      %dma_wait3A_894 = arith.constant 0 : i32
      %dma_wait3A_895 = tpu.memref_slice %arg5[%dma_wait3A_894] : memref<10240xf32, #tpu.memory_space<vmem_shared>> -> memref<10240xf32, #tpu.memory_space<vmem_shared>>
      tpu.wait_indirect_dma semaphore(%run_scoped3A : memref<!tpu.dma_semaphore, #tpu.memory_space<semaphore_mem>>) src(%arg11 : memref<2000xf32, #tpu.memory_space<vmem>>) dst(%dma_wait3A_895 : memref<10240xf32, #tpu.memory_space<vmem_shared>>)
      tpu.yield
    }) : () -> ()
    "tpu.region"() ({
      %run_scoped3A = tpu.sem_alloc : memref<!tpu.dma_semaphore, #tpu.memory_space<semaphore_mem>>
      %dma_start3A_892 = arith.constant 0 : i32
      %dma_start3A_893 = tpu.memref_slice %arg6[%dma_start3A_892] : memref<10240xf32, #tpu.memory_space<vmem_shared>> -> memref<10240xf32, #tpu.memory_space<vmem_shared>>
      tpu.enqueue_indirect_dma source(%arg11 : memref<2000xf32, #tpu.memory_space<vmem>>) target(%dma_start3A_893 : memref<10240xf32, #tpu.memory_space<vmem_shared>>) offsets(%arg9 : memref<2000xi32, #tpu.memory_space<vmem>>) semaphore(%run_scoped3A : memref<!tpu.dma_semaphore, #tpu.memory_space<semaphore_mem>>) {add = true}
      %dma_wait3A_894 = arith.constant 0 : i32
      %dma_wait3A_895 = tpu.memref_slice %arg6[%dma_wait3A_894] : memref<10240xf32, #tpu.memory_space<vmem_shared>> -> memref<10240xf32, #tpu.memory_space<vmem_shared>>
      tpu.wait_indirect_dma semaphore(%run_scoped3A : memref<!tpu.dma_semaphore, #tpu.memory_space<semaphore_mem>>) src(%arg11 : memref<2000xf32, #tpu.memory_space<vmem>>) dst(%dma_wait3A_895 : memref<10240xf32, #tpu.memory_space<vmem_shared>>)
      tpu.yield
    }) : () -> ()
    %barrier3A_877 = arith.constant 0 : index
    tpu.barrier barrier_id(%barrier3A_877)
    %mul3A_878 = arith.constant 640 : i32
    %mul3A_879 = arith.muli %arg1, %mul3A_878 : i32
    %mul3A_880 = arith.constant 10240 : i32
    %mul3A_881 = arith.muli %arg0, %mul3A_880 : i32
    %mul3A_882 = arith.constant 640 : i32
    %mul3A_883 = arith.muli %arg1, %mul3A_882 : i32
    %add3A_884 = arith.addi %mul3A_881, %mul3A_883 : i32
    "tpu.region"() ({
      %run_scoped3A = tpu.sem_alloc : memref<!tpu.dma_semaphore, #tpu.memory_space<semaphore_mem>>
      %dma_start3A_892 = tpu.memref_slice %arg3[%add3A_884] : memref<20480xf32, #tpu.memory_space<hbm>> -> memref<640xf32, #tpu.memory_space<hbm>>
      %dma_start3A_893 = tpu.memref_slice %arg5[%mul3A_879] : memref<10240xf32, #tpu.memory_space<vmem_shared>> -> memref<640xf32, #tpu.memory_space<vmem_shared>>
      tpu.enqueue_dma source(%dma_start3A_893 : memref<640xf32, #tpu.memory_space<vmem_shared>>) target(%dma_start3A_892 : memref<640xf32, #tpu.memory_space<hbm>>) target_semaphore(%run_scoped3A : memref<!tpu.dma_semaphore, #tpu.memory_space<semaphore_mem>>)
      %dma_wait3A_894 = tpu.memref_slice %arg3[%add3A_884] : memref<20480xf32, #tpu.memory_space<hbm>> -> memref<640xf32, #tpu.memory_space<hbm>>
      %dma_wait3A_895 = tpu.memref_slice %arg5[%mul3A_879] : memref<10240xf32, #tpu.memory_space<vmem_shared>> -> memref<640xf32, #tpu.memory_space<vmem_shared>>
      tpu.wait_dma2 semaphore(%run_scoped3A : memref<!tpu.dma_semaphore, #tpu.memory_space<semaphore_mem>>) src(%dma_wait3A_895 : memref<640xf32, #tpu.memory_space<vmem_shared>>) dst(%dma_wait3A_894 : memref<640xf32, #tpu.memory_space<hbm>>)
      tpu.yield
    }) : () -> ()
    %mul3A_885 = arith.constant 640 : i32
    %mul3A_886 = arith.muli %arg1, %mul3A_885 : i32
    %mul3A_887 = arith.constant 10240 : i32
    %mul3A_888 = arith.muli %arg0, %mul3A_887 : i32
    %mul3A_889 = arith.constant 640 : i32
    %mul3A_890 = arith.muli %arg1, %mul3A_889 : i32
    %add3A_891 = arith.addi %mul3A_888, %mul3A_890 : i32
    "tpu.region"() ({
      %run_scoped3A = tpu.sem_alloc : memref<!tpu.dma_semaphore, #tpu.memory_space<semaphore_mem>>
      %dma_start3A_892 = tpu.memref_slice %arg4[%add3A_891] : memref<20480xf32, #tpu.memory_space<hbm>> -> memref<640xf32, #tpu.memory_space<hbm>>
      %dma_start3A_893 = tpu.memref_slice %arg6[%mul3A_886] : memref<10240xf32, #tpu.memory_space<vmem_shared>> -> memref<640xf32, #tpu.memory_space<vmem_shared>>
      tpu.enqueue_dma source(%dma_start3A_893 : memref<640xf32, #tpu.memory_space<vmem_shared>>) target(%dma_start3A_892 : memref<640xf32, #tpu.memory_space<hbm>>) target_semaphore(%run_scoped3A : memref<!tpu.dma_semaphore, #tpu.memory_space<semaphore_mem>>)
      %dma_wait3A_894 = tpu.memref_slice %arg4[%add3A_891] : memref<20480xf32, #tpu.memory_space<hbm>> -> memref<640xf32, #tpu.memory_space<hbm>>
      %dma_wait3A_895 = tpu.memref_slice %arg6[%mul3A_886] : memref<10240xf32, #tpu.memory_space<vmem_shared>> -> memref<640xf32, #tpu.memory_space<vmem_shared>>
      tpu.wait_dma2 semaphore(%run_scoped3A : memref<!tpu.dma_semaphore, #tpu.memory_space<semaphore_mem>>) src(%dma_wait3A_895 : memref<640xf32, #tpu.memory_space<vmem_shared>>) dst(%dma_wait3A_894 : memref<640xf32, #tpu.memory_space<hbm>>)
      tpu.yield
    }) : () -> ()
    return
  }
}

#map = affine_map<(d0, d1) -> (0, 0)>
#map1 = affine_map<(d0, d1) -> (0, 0, 0)>
module attributes {stable_mosaic.version = 14 : i64} {
  func.func @agg_kernel(%arg0: i32, %arg1: i32, %arg2: memref<10000x128xf32, #tpu.memory_space<hbm>>, %arg3: memref<2500x2x128xi32, #tpu.memory_space<hbm>>, %arg4: memref<20480x128xf32, #tpu.memory_space<hbm>>, %arg5: memref<10240x128xf32, #tpu.memory_space<vmem_shared>>, %arg6: memref<2x128xi32, #tpu.memory_space<vmem>>, %arg7: memref<2x128xi32, #tpu.memory_space<vmem>>, %arg8: memref<2x128xi32, #tpu.memory_space<vmem>>, %arg9: memref<2x128xi32, #tpu.memory_space<vmem>>, %arg10: memref<128x128xf32, #tpu.memory_space<vmem>>, %arg11: memref<128x128xf32, #tpu.memory_space<vmem>>, %arg12: memref<!tpu.dma_semaphore, #tpu.memory_space<semaphore_mem>>, %arg13: memref<!tpu.dma_semaphore, #tpu.memory_space<semaphore_mem>>, %arg14: memref<!tpu.dma_semaphore, #tpu.memory_space<semaphore_mem>>, %arg15: memref<!tpu.dma_semaphore, #tpu.memory_space<semaphore_mem>>, %arg16: memref<!tpu.dma_semaphore, #tpu.memory_space<semaphore_mem>>, %arg17: memref<!tpu.dma_semaphore, #tpu.memory_space<semaphore_mem>>, %arg18: memref<!tpu.dma_semaphore, #tpu.memory_space<semaphore_mem>>, %arg19: memref<!tpu.dma_semaphore, #tpu.memory_space<semaphore_mem>>) attributes {dimension_semantics = [#tpu.dimension_semantics<core_parallel>, #tpu.dimension_semantics<subcore_parallel>], iteration_bounds = array<i64: 2, 16>, scalar_prefetch = 0 : i64, scratch_operands = 15 : i64, tpu.core_type = #tpu.core_type<sc_vector_subcore>, window_params = [{transform_indices = #map}, {transform_indices = #map1}, {transform_indices = #map}]} {
    %mul3A = arith.constant 16 : i32
    %mul3A_0 = arith.muli %arg0, %mul3A : i32
    %add3A = arith.addi %mul3A_0, %arg1 : i32
    %scan3A = arith.constant 0 : i32
    %scan3A_1 = arith.constant 0 : i32
    %scan3A_2 = arith.constant 128 : i32
    %scan3A_3 = arith.addi %scan3A_1, %scan3A_2 : i32
    %scan3A_4 = arith.constant 1 : i32
    %scan3A_5 = scf.for %scan3A_74 = %scan3A_1 to %scan3A_3 step %scan3A_4 iter_args(%scan3A_75 = %scan3A) -> (i32)  : i32 {
      %broadcast_in_dim3A = arith.constant 0.000000e+00 : f32
      %broadcast_in_dim3A_76 = vector.broadcast %broadcast_in_dim3A : f32 to vector<16xf32>
      %swap3A = arith.index_cast %scan3A_74 : i32 to index
      %swap3A_77 = arith.constant 0 : index
      %swap3A_78 = tpu.vector_load %arg10[%swap3A, %swap3A_77] {strides = array<i32>} : memref<128x128xf32, #tpu.memory_space<vmem>>, vector<1x16xf32>,
      %swap3A_79 = vector.shape_cast %swap3A_78 : vector<1x16xf32> to vector<16xf32>
      %swap3A_80 = vector.shape_cast %broadcast_in_dim3A_76 : vector<16xf32> to vector<1x16xf32>
      tpu.vector_store %arg10[%swap3A, %swap3A_77], %swap3A_80 {strides = array<i32>} : memref<128x128xf32, #tpu.memory_space<vmem>>, vector<1x16xf32>,
      %broadcast_in_dim3A_81 = arith.constant 0.000000e+00 : f32
      %broadcast_in_dim3A_82 = vector.broadcast %broadcast_in_dim3A_81 : f32 to vector<16xf32>
      %swap3A_83 = arith.index_cast %scan3A_74 : i32 to index
      %swap3A_84 = arith.constant 16 : index
      %swap3A_85 = tpu.vector_load %arg10[%swap3A_83, %swap3A_84] {strides = array<i32>} : memref<128x128xf32, #tpu.memory_space<vmem>>, vector<1x16xf32>,
      %swap3A_86 = vector.shape_cast %swap3A_85 : vector<1x16xf32> to vector<16xf32>
      %swap3A_87 = vector.shape_cast %broadcast_in_dim3A_82 : vector<16xf32> to vector<1x16xf32>
      tpu.vector_store %arg10[%swap3A_83, %swap3A_84], %swap3A_87 {strides = array<i32>} : memref<128x128xf32, #tpu.memory_space<vmem>>, vector<1x16xf32>,
      %broadcast_in_dim3A_88 = arith.constant 0.000000e+00 : f32
      %broadcast_in_dim3A_89 = vector.broadcast %broadcast_in_dim3A_88 : f32 to vector<16xf32>
      %swap3A_90 = arith.index_cast %scan3A_74 : i32 to index
      %swap3A_91 = arith.constant 32 : index
      %swap3A_92 = tpu.vector_load %arg10[%swap3A_90, %swap3A_91] {strides = array<i32>} : memref<128x128xf32, #tpu.memory_space<vmem>>, vector<1x16xf32>,
      %swap3A_93 = vector.shape_cast %swap3A_92 : vector<1x16xf32> to vector<16xf32>
      %swap3A_94 = vector.shape_cast %broadcast_in_dim3A_89 : vector<16xf32> to vector<1x16xf32>
      tpu.vector_store %arg10[%swap3A_90, %swap3A_91], %swap3A_94 {strides = array<i32>} : memref<128x128xf32, #tpu.memory_space<vmem>>, vector<1x16xf32>,
      %broadcast_in_dim3A_95 = arith.constant 0.000000e+00 : f32
      %broadcast_in_dim3A_96 = vector.broadcast %broadcast_in_dim3A_95 : f32 to vector<16xf32>
      %swap3A_97 = arith.index_cast %scan3A_74 : i32 to index
      %swap3A_98 = arith.constant 48 : index
      %swap3A_99 = tpu.vector_load %arg10[%swap3A_97, %swap3A_98] {strides = array<i32>} : memref<128x128xf32, #tpu.memory_space<vmem>>, vector<1x16xf32>,
      %swap3A_100 = vector.shape_cast %swap3A_99 : vector<1x16xf32> to vector<16xf32>
      %swap3A_101 = vector.shape_cast %broadcast_in_dim3A_96 : vector<16xf32> to vector<1x16xf32>
      tpu.vector_store %arg10[%swap3A_97, %swap3A_98], %swap3A_101 {strides = array<i32>} : memref<128x128xf32, #tpu.memory_space<vmem>>, vector<1x16xf32>,
      %broadcast_in_dim3A_102 = arith.constant 0.000000e+00 : f32
      %broadcast_in_dim3A_103 = vector.broadcast %broadcast_in_dim3A_102 : f32 to vector<16xf32>
      %swap3A_104 = arith.index_cast %scan3A_74 : i32 to index
      %swap3A_105 = arith.constant 64 : index
      %swap3A_106 = tpu.vector_load %arg10[%swap3A_104, %swap3A_105] {strides = array<i32>} : memref<128x128xf32, #tpu.memory_space<vmem>>, vector<1x16xf32>,
      %swap3A_107 = vector.shape_cast %swap3A_106 : vector<1x16xf32> to vector<16xf32>
      %swap3A_108 = vector.shape_cast %broadcast_in_dim3A_103 : vector<16xf32> to vector<1x16xf32>
      tpu.vector_store %arg10[%swap3A_104, %swap3A_105], %swap3A_108 {strides = array<i32>} : memref<128x128xf32, #tpu.memory_space<vmem>>, vector<1x16xf32>,
      %broadcast_in_dim3A_109 = arith.constant 0.000000e+00 : f32
      %broadcast_in_dim3A_110 = vector.broadcast %broadcast_in_dim3A_109 : f32 to vector<16xf32>
      %swap3A_111 = arith.index_cast %scan3A_74 : i32 to index
      %swap3A_112 = arith.constant 80 : index
      %swap3A_113 = tpu.vector_load %arg10[%swap3A_111, %swap3A_112] {strides = array<i32>} : memref<128x128xf32, #tpu.memory_space<vmem>>, vector<1x16xf32>,
      %swap3A_114 = vector.shape_cast %swap3A_113 : vector<1x16xf32> to vector<16xf32>
      %swap3A_115 = vector.shape_cast %broadcast_in_dim3A_110 : vector<16xf32> to vector<1x16xf32>
      tpu.vector_store %arg10[%swap3A_111, %swap3A_112], %swap3A_115 {strides = array<i32>} : memref<128x128xf32, #tpu.memory_space<vmem>>, vector<1x16xf32>,
      %broadcast_in_dim3A_116 = arith.constant 0.000000e+00 : f32
      %broadcast_in_dim3A_117 = vector.broadcast %broadcast_in_dim3A_116 : f32 to vector<16xf32>
      %swap3A_118 = arith.index_cast %scan3A_74 : i32 to index
      %swap3A_119 = arith.constant 96 : index
      %swap3A_120 = tpu.vector_load %arg10[%swap3A_118, %swap3A_119] {strides = array<i32>} : memref<128x128xf32, #tpu.memory_space<vmem>>, vector<1x16xf32>,
      %swap3A_121 = vector.shape_cast %swap3A_120 : vector<1x16xf32> to vector<16xf32>
      %swap3A_122 = vector.shape_cast %broadcast_in_dim3A_117 : vector<16xf32> to vector<1x16xf32>
      tpu.vector_store %arg10[%swap3A_118, %swap3A_119], %swap3A_122 {strides = array<i32>} : memref<128x128xf32, #tpu.memory_space<vmem>>, vector<1x16xf32>,
      %broadcast_in_dim3A_123 = arith.constant 0.000000e+00 : f32
      %broadcast_in_dim3A_124 = vector.broadcast %broadcast_in_dim3A_123 : f32 to vector<16xf32>
      %swap3A_125 = arith.index_cast %scan3A_74 : i32 to index
      %swap3A_126 = arith.constant 112 : index
      %swap3A_127 = tpu.vector_load %arg10[%swap3A_125, %swap3A_126] {strides = array<i32>} : memref<128x128xf32, #tpu.memory_space<vmem>>, vector<1x16xf32>,
      %swap3A_128 = vector.shape_cast %swap3A_127 : vector<1x16xf32> to vector<16xf32>
      %swap3A_129 = vector.shape_cast %broadcast_in_dim3A_124 : vector<16xf32> to vector<1x16xf32>
      tpu.vector_store %arg10[%swap3A_125, %swap3A_126], %swap3A_129 {strides = array<i32>} : memref<128x128xf32, #tpu.memory_space<vmem>>, vector<1x16xf32>,
      %scan3A_130 = arith.constant 0 : i32
      scf.yield %scan3A_130 : i32
    }
    %scan3A_6 = arith.constant 128 : i32
    %mul3A_7 = arith.constant 640 : i32
    %mul3A_8 = arith.muli %arg1, %mul3A_7 : i32
    %add3A_9 = arith.constant 0 : i32
    %add3A_10 = arith.addi %mul3A_8, %add3A_9 : i32
    "tpu.region"() ({
      %run_scoped3A = tpu.sem_alloc : memref<!tpu.dma_semaphore, #tpu.memory_space<semaphore_mem>>
      %dma_start3A = arith.constant 0 : i32
      %dma_start3A_74 = tpu.memref_slice %arg5[%add3A_10, %dma_start3A] : memref<10240x128xf32, #tpu.memory_space<vmem_shared>> -> memref<128x128xf32, #tpu.memory_space<vmem_shared>>
      %dma_start3A_75 = arith.constant 0 : i32
      %dma_start3A_76 = tpu.memref_slice %arg5[%add3A_10, %dma_start3A_75] : memref<10240x128xf32, #tpu.memory_space<vmem_shared>> -> memref<128x128xf32, #tpu.memory_space<vmem_shared>>
      tpu.enqueue_dma source(%arg10 : memref<128x128xf32, #tpu.memory_space<vmem>>) target(%dma_start3A_76 : memref<128x128xf32, #tpu.memory_space<vmem_shared>>) target_semaphore(%run_scoped3A : memref<!tpu.dma_semaphore, #tpu.memory_space<semaphore_mem>>)
      %dma_wait3A = arith.constant 0 : i32
      %dma_wait3A_77 = tpu.memref_slice %arg5[%add3A_10, %dma_wait3A] : memref<10240x128xf32, #tpu.memory_space<vmem_shared>> -> memref<128x128xf32, #tpu.memory_space<vmem_shared>>
      %dma_wait3A_78 = arith.constant 0 : i32
      %dma_wait3A_79 = tpu.memref_slice %arg5[%add3A_10, %dma_wait3A_78] : memref<10240x128xf32, #tpu.memory_space<vmem_shared>> -> memref<128x128xf32, #tpu.memory_space<vmem_shared>>
      tpu.wait_dma2 semaphore(%run_scoped3A : memref<!tpu.dma_semaphore, #tpu.memory_space<semaphore_mem>>) src(%arg10 : memref<128x128xf32, #tpu.memory_space<vmem>>) dst(%dma_wait3A_79 : memref<128x128xf32, #tpu.memory_space<vmem_shared>>)
      tpu.yield
    }) : () -> ()
    %mul3A_11 = arith.constant 640 : i32
    %mul3A_12 = arith.muli %arg1, %mul3A_11 : i32
    %add3A_13 = arith.constant 128 : i32
    %add3A_14 = arith.addi %mul3A_12, %add3A_13 : i32
    "tpu.region"() ({
      %run_scoped3A = tpu.sem_alloc : memref<!tpu.dma_semaphore, #tpu.memory_space<semaphore_mem>>
      %dma_start3A = arith.constant 0 : i32
      %dma_start3A_74 = tpu.memref_slice %arg5[%add3A_14, %dma_start3A] : memref<10240x128xf32, #tpu.memory_space<vmem_shared>> -> memref<128x128xf32, #tpu.memory_space<vmem_shared>>
      %dma_start3A_75 = arith.constant 0 : i32
      %dma_start3A_76 = tpu.memref_slice %arg5[%add3A_14, %dma_start3A_75] : memref<10240x128xf32, #tpu.memory_space<vmem_shared>> -> memref<128x128xf32, #tpu.memory_space<vmem_shared>>
      tpu.enqueue_dma source(%arg10 : memref<128x128xf32, #tpu.memory_space<vmem>>) target(%dma_start3A_76 : memref<128x128xf32, #tpu.memory_space<vmem_shared>>) target_semaphore(%run_scoped3A : memref<!tpu.dma_semaphore, #tpu.memory_space<semaphore_mem>>)
      %dma_wait3A = arith.constant 0 : i32
      %dma_wait3A_77 = tpu.memref_slice %arg5[%add3A_14, %dma_wait3A] : memref<10240x128xf32, #tpu.memory_space<vmem_shared>> -> memref<128x128xf32, #tpu.memory_space<vmem_shared>>
      %dma_wait3A_78 = arith.constant 0 : i32
      %dma_wait3A_79 = tpu.memref_slice %arg5[%add3A_14, %dma_wait3A_78] : memref<10240x128xf32, #tpu.memory_space<vmem_shared>> -> memref<128x128xf32, #tpu.memory_space<vmem_shared>>
      tpu.wait_dma2 semaphore(%run_scoped3A : memref<!tpu.dma_semaphore, #tpu.memory_space<semaphore_mem>>) src(%arg10 : memref<128x128xf32, #tpu.memory_space<vmem>>) dst(%dma_wait3A_79 : memref<128x128xf32, #tpu.memory_space<vmem_shared>>)
      tpu.yield
    }) : () -> ()
    %mul3A_15 = arith.constant 640 : i32
    %mul3A_16 = arith.muli %arg1, %mul3A_15 : i32
    %add3A_17 = arith.constant 256 : i32
    %add3A_18 = arith.addi %mul3A_16, %add3A_17 : i32
    "tpu.region"() ({
      %run_scoped3A = tpu.sem_alloc : memref<!tpu.dma_semaphore, #tpu.memory_space<semaphore_mem>>
      %dma_start3A = arith.constant 0 : i32
      %dma_start3A_74 = tpu.memref_slice %arg5[%add3A_18, %dma_start3A] : memref<10240x128xf32, #tpu.memory_space<vmem_shared>> -> memref<128x128xf32, #tpu.memory_space<vmem_shared>>
      %dma_start3A_75 = arith.constant 0 : i32
      %dma_start3A_76 = tpu.memref_slice %arg5[%add3A_18, %dma_start3A_75] : memref<10240x128xf32, #tpu.memory_space<vmem_shared>> -> memref<128x128xf32, #tpu.memory_space<vmem_shared>>
      tpu.enqueue_dma source(%arg10 : memref<128x128xf32, #tpu.memory_space<vmem>>) target(%dma_start3A_76 : memref<128x128xf32, #tpu.memory_space<vmem_shared>>) target_semaphore(%run_scoped3A : memref<!tpu.dma_semaphore, #tpu.memory_space<semaphore_mem>>)
      %dma_wait3A = arith.constant 0 : i32
      %dma_wait3A_77 = tpu.memref_slice %arg5[%add3A_18, %dma_wait3A] : memref<10240x128xf32, #tpu.memory_space<vmem_shared>> -> memref<128x128xf32, #tpu.memory_space<vmem_shared>>
      %dma_wait3A_78 = arith.constant 0 : i32
      %dma_wait3A_79 = tpu.memref_slice %arg5[%add3A_18, %dma_wait3A_78] : memref<10240x128xf32, #tpu.memory_space<vmem_shared>> -> memref<128x128xf32, #tpu.memory_space<vmem_shared>>
      tpu.wait_dma2 semaphore(%run_scoped3A : memref<!tpu.dma_semaphore, #tpu.memory_space<semaphore_mem>>) src(%arg10 : memref<128x128xf32, #tpu.memory_space<vmem>>) dst(%dma_wait3A_79 : memref<128x128xf32, #tpu.memory_space<vmem_shared>>)
      tpu.yield
    }) : () -> ()
    %mul3A_19 = arith.constant 640 : i32
    %mul3A_20 = arith.muli %arg1, %mul3A_19 : i32
    %add3A_21 = arith.constant 384 : i32
    %add3A_22 = arith.addi %mul3A_20, %add3A_21 : i32
    "tpu.region"() ({
      %run_scoped3A = tpu.sem_alloc : memref<!tpu.dma_semaphore, #tpu.memory_space<semaphore_mem>>
      %dma_start3A = arith.constant 0 : i32
      %dma_start3A_74 = tpu.memref_slice %arg5[%add3A_22, %dma_start3A] : memref<10240x128xf32, #tpu.memory_space<vmem_shared>> -> memref<128x128xf32, #tpu.memory_space<vmem_shared>>
      %dma_start3A_75 = arith.constant 0 : i32
      %dma_start3A_76 = tpu.memref_slice %arg5[%add3A_22, %dma_start3A_75] : memref<10240x128xf32, #tpu.memory_space<vmem_shared>> -> memref<128x128xf32, #tpu.memory_space<vmem_shared>>
      tpu.enqueue_dma source(%arg10 : memref<128x128xf32, #tpu.memory_space<vmem>>) target(%dma_start3A_76 : memref<128x128xf32, #tpu.memory_space<vmem_shared>>) target_semaphore(%run_scoped3A : memref<!tpu.dma_semaphore, #tpu.memory_space<semaphore_mem>>)
      %dma_wait3A = arith.constant 0 : i32
      %dma_wait3A_77 = tpu.memref_slice %arg5[%add3A_22, %dma_wait3A] : memref<10240x128xf32, #tpu.memory_space<vmem_shared>> -> memref<128x128xf32, #tpu.memory_space<vmem_shared>>
      %dma_wait3A_78 = arith.constant 0 : i32
      %dma_wait3A_79 = tpu.memref_slice %arg5[%add3A_22, %dma_wait3A_78] : memref<10240x128xf32, #tpu.memory_space<vmem_shared>> -> memref<128x128xf32, #tpu.memory_space<vmem_shared>>
      tpu.wait_dma2 semaphore(%run_scoped3A : memref<!tpu.dma_semaphore, #tpu.memory_space<semaphore_mem>>) src(%arg10 : memref<128x128xf32, #tpu.memory_space<vmem>>) dst(%dma_wait3A_79 : memref<128x128xf32, #tpu.memory_space<vmem_shared>>)
      tpu.yield
    }) : () -> ()
    %mul3A_23 = arith.constant 640 : i32
    %mul3A_24 = arith.muli %arg1, %mul3A_23 : i32
    %add3A_25 = arith.constant 512 : i32
    %add3A_26 = arith.addi %mul3A_24, %add3A_25 : i32
    "tpu.region"() ({
      %run_scoped3A = tpu.sem_alloc : memref<!tpu.dma_semaphore, #tpu.memory_space<semaphore_mem>>
      %dma_start3A = arith.constant 0 : i32
      %dma_start3A_74 = tpu.memref_slice %arg5[%add3A_26, %dma_start3A] : memref<10240x128xf32, #tpu.memory_space<vmem_shared>> -> memref<128x128xf32, #tpu.memory_space<vmem_shared>>
      %dma_start3A_75 = arith.constant 0 : i32
      %dma_start3A_76 = tpu.memref_slice %arg5[%add3A_26, %dma_start3A_75] : memref<10240x128xf32, #tpu.memory_space<vmem_shared>> -> memref<128x128xf32, #tpu.memory_space<vmem_shared>>
      tpu.enqueue_dma source(%arg10 : memref<128x128xf32, #tpu.memory_space<vmem>>) target(%dma_start3A_76 : memref<128x128xf32, #tpu.memory_space<vmem_shared>>) target_semaphore(%run_scoped3A : memref<!tpu.dma_semaphore, #tpu.memory_space<semaphore_mem>>)
      %dma_wait3A = arith.constant 0 : i32
      %dma_wait3A_77 = tpu.memref_slice %arg5[%add3A_26, %dma_wait3A] : memref<10240x128xf32, #tpu.memory_space<vmem_shared>> -> memref<128x128xf32, #tpu.memory_space<vmem_shared>>
      %dma_wait3A_78 = arith.constant 0 : i32
      %dma_wait3A_79 = tpu.memref_slice %arg5[%add3A_26, %dma_wait3A_78] : memref<10240x128xf32, #tpu.memory_space<vmem_shared>> -> memref<128x128xf32, #tpu.memory_space<vmem_shared>>
      tpu.wait_dma2 semaphore(%run_scoped3A : memref<!tpu.dma_semaphore, #tpu.memory_space<semaphore_mem>>) src(%arg10 : memref<128x128xf32, #tpu.memory_space<vmem>>) dst(%dma_wait3A_79 : memref<128x128xf32, #tpu.memory_space<vmem_shared>>)
      tpu.yield
    }) : () -> ()
    %barrier3A = arith.constant 0 : index
    tpu.barrier barrier_id(%barrier3A)
    %add3A_27 = arith.constant 0 : i32
    %add3A_28 = arith.addi %add3A, %add3A_27 : i32
    %lt3A = arith.constant 2500 : i32
    %lt3A_29 = arith.cmpi slt, %add3A_28, %lt3A : i32
    %convert_element_type3A = arith.extui %lt3A_29 : i1 to i32
    %cond3A = arith.constant 0 : i32
    %cond3A_30 = arith.cmpi ne, %convert_element_type3A, %cond3A : i32
    scf.if %cond3A_30 {
      %dma_start3A = arith.constant 0 : i32
      %dma_start3A_74 = arith.constant 0 : i32
      %dma_start3A_75 = tpu.memref_slice %arg3[%add3A_28, %dma_start3A, %dma_start3A_74] : memref<2500x2x128xi32, #tpu.memory_space<hbm>> -> memref<1x2x128xi32, #tpu.memory_space<hbm>>
      %dma_start3A_76 = tpu.memref_squeeze %dma_start3A_75 : memref<1x2x128xi32, #tpu.memory_space<hbm>> -> memref<2x128xi32, #tpu.memory_space<hbm>>
      %dma_start3A_77 = arith.constant 0 : i32
      %dma_start3A_78 = arith.constant 0 : i32
      %dma_start3A_79 = tpu.memref_slice %arg3[%add3A_28, %dma_start3A_77, %dma_start3A_78] : memref<2500x2x128xi32, #tpu.memory_space<hbm>> -> memref<1x2x128xi32, #tpu.memory_space<hbm>>
      %dma_start3A_80 = tpu.memref_squeeze %dma_start3A_79 : memref<1x2x128xi32, #tpu.memory_space<hbm>> -> memref<2x128xi32, #tpu.memory_space<hbm>>
      tpu.enqueue_dma source(%dma_start3A_80 : memref<2x128xi32, #tpu.memory_space<hbm>>) target(%arg6 : memref<2x128xi32, #tpu.memory_space<vmem>>) target_semaphore(%arg12 : memref<!tpu.dma_semaphore, #tpu.memory_space<semaphore_mem>>)
    } else {
    }
    %add3A_31 = arith.constant 32 : i32
    %add3A_32 = arith.addi %add3A, %add3A_31 : i32
    %lt3A_33 = arith.constant 2500 : i32
    %lt3A_34 = arith.cmpi slt, %add3A_32, %lt3A_33 : i32
    %convert_element_type3A_35 = arith.extui %lt3A_34 : i1 to i32
    %cond3A_36 = arith.constant 0 : i32
    %cond3A_37 = arith.cmpi ne, %convert_element_type3A_35, %cond3A_36 : i32
    scf.if %cond3A_37 {
      %dma_start3A = arith.constant 0 : i32
      %dma_start3A_74 = arith.constant 0 : i32
      %dma_start3A_75 = tpu.memref_slice %arg3[%add3A_32, %dma_start3A, %dma_start3A_74] : memref<2500x2x128xi32, #tpu.memory_space<hbm>> -> memref<1x2x128xi32, #tpu.memory_space<hbm>>
      %dma_start3A_76 = tpu.memref_squeeze %dma_start3A_75 : memref<1x2x128xi32, #tpu.memory_space<hbm>> -> memref<2x128xi32, #tpu.memory_space<hbm>>
      %dma_start3A_77 = arith.constant 0 : i32
      %dma_start3A_78 = arith.constant 0 : i32
      %dma_start3A_79 = tpu.memref_slice %arg3[%add3A_32, %dma_start3A_77, %dma_start3A_78] : memref<2500x2x128xi32, #tpu.memory_space<hbm>> -> memref<1x2x128xi32, #tpu.memory_space<hbm>>
      %dma_start3A_80 = tpu.memref_squeeze %dma_start3A_79 : memref<1x2x128xi32, #tpu.memory_space<hbm>> -> memref<2x128xi32, #tpu.memory_space<hbm>>
      tpu.enqueue_dma source(%dma_start3A_80 : memref<2x128xi32, #tpu.memory_space<hbm>>) target(%arg7 : memref<2x128xi32, #tpu.memory_space<vmem>>) target_semaphore(%arg13 : memref<!tpu.dma_semaphore, #tpu.memory_space<semaphore_mem>>)
    } else {
    }
    %add3A_38 = arith.constant 64 : i32
    %add3A_39 = arith.addi %add3A, %add3A_38 : i32
    %lt3A_40 = arith.constant 2500 : i32
    %lt3A_41 = arith.cmpi slt, %add3A_39, %lt3A_40 : i32
    %convert_element_type3A_42 = arith.extui %lt3A_41 : i1 to i32
    %cond3A_43 = arith.constant 0 : i32
    %cond3A_44 = arith.cmpi ne, %convert_element_type3A_42, %cond3A_43 : i32
    scf.if %cond3A_44 {
      %dma_start3A = arith.constant 0 : i32
      %dma_start3A_74 = arith.constant 0 : i32
      %dma_start3A_75 = tpu.memref_slice %arg3[%add3A_39, %dma_start3A, %dma_start3A_74] : memref<2500x2x128xi32, #tpu.memory_space<hbm>> -> memref<1x2x128xi32, #tpu.memory_space<hbm>>
      %dma_start3A_76 = tpu.memref_squeeze %dma_start3A_75 : memref<1x2x128xi32, #tpu.memory_space<hbm>> -> memref<2x128xi32, #tpu.memory_space<hbm>>
      %dma_start3A_77 = arith.constant 0 : i32
      %dma_start3A_78 = arith.constant 0 : i32
      %dma_start3A_79 = tpu.memref_slice %arg3[%add3A_39, %dma_start3A_77, %dma_start3A_78] : memref<2500x2x128xi32, #tpu.memory_space<hbm>> -> memref<1x2x128xi32, #tpu.memory_space<hbm>>
      %dma_start3A_80 = tpu.memref_squeeze %dma_start3A_79 : memref<1x2x128xi32, #tpu.memory_space<hbm>> -> memref<2x128xi32, #tpu.memory_space<hbm>>
      tpu.enqueue_dma source(%dma_start3A_80 : memref<2x128xi32, #tpu.memory_space<hbm>>) target(%arg8 : memref<2x128xi32, #tpu.memory_space<vmem>>) target_semaphore(%arg14 : memref<!tpu.dma_semaphore, #tpu.memory_space<semaphore_mem>>)
    } else {
    }
    %add3A_45 = arith.constant 0 : i32
    %add3A_46 = arith.addi %add3A, %add3A_45 : i32
    %lt3A_47 = arith.constant 2500 : i32
    %lt3A_48 = arith.cmpi slt, %add3A_46, %lt3A_47 : i32
    %convert_element_type3A_49 = arith.extui %lt3A_48 : i1 to i32
    %cond3A_50 = arith.constant 0 : i32
    %cond3A_51 = arith.cmpi ne, %convert_element_type3A_49, %cond3A_50 : i32
    scf.if %cond3A_51 {
      %dma_wait3A = arith.constant 0 : i32
      %dma_wait3A_74 = arith.constant 0 : i32
      %dma_wait3A_75 = tpu.memref_slice %arg3[%add3A_46, %dma_wait3A, %dma_wait3A_74] : memref<2500x2x128xi32, #tpu.memory_space<hbm>> -> memref<1x2x128xi32, #tpu.memory_space<hbm>>
      %dma_wait3A_76 = tpu.memref_squeeze %dma_wait3A_75 : memref<1x2x128xi32, #tpu.memory_space<hbm>> -> memref<2x128xi32, #tpu.memory_space<hbm>>
      %dma_wait3A_77 = arith.constant 0 : i32
      %dma_wait3A_78 = arith.constant 0 : i32
      %dma_wait3A_79 = tpu.memref_slice %arg3[%add3A_46, %dma_wait3A_77, %dma_wait3A_78] : memref<2500x2x128xi32, #tpu.memory_space<hbm>> -> memref<1x2x128xi32, #tpu.memory_space<hbm>>
      %dma_wait3A_80 = tpu.memref_squeeze %dma_wait3A_79 : memref<1x2x128xi32, #tpu.memory_space<hbm>> -> memref<2x128xi32, #tpu.memory_space<hbm>>
      tpu.wait_dma2 semaphore(%arg12 : memref<!tpu.dma_semaphore, #tpu.memory_space<semaphore_mem>>) src(%dma_wait3A_80 : memref<2x128xi32, #tpu.memory_space<hbm>>) dst(%arg6 : memref<2x128xi32, #tpu.memory_space<vmem>>)
    } else {
    }
    %add3A_52 = arith.constant 0 : i32
    %add3A_53 = arith.addi %add3A, %add3A_52 : i32
    %lt3A_54 = arith.constant 2500 : i32
    %lt3A_55 = arith.cmpi slt, %add3A_53, %lt3A_54 : i32
    %convert_element_type3A_56 = arith.extui %lt3A_55 : i1 to i32
    %cond3A_57 = arith.constant 0 : i32
    %cond3A_58 = arith.cmpi ne, %convert_element_type3A_56, %cond3A_57 : i32
    scf.if %cond3A_58 {
      %dma_start3A = arith.constant 0 : i32
      %dma_start3A_74 = arith.constant 0 : i32
      %dma_start3A_75 = arith.constant 0 : i32
      %dma_start3A_76 = tpu.memref_slice %arg10[%dma_start3A_74, %dma_start3A_75] : memref<128x128xf32, #tpu.memory_space<vmem>> -> memref<64x128xf32, #tpu.memory_space<vmem>>
      %dma_start3A_77 = arith.constant 0 : i32
      %dma_start3A_78 = tpu.memref_slice %arg6[%dma_start3A, %dma_start3A_77] : memref<2x128xi32, #tpu.memory_space<vmem>> -> memref<1x64xi32, #tpu.memory_space<vmem>>
      %dma_start3A_79 = tpu.memref_squeeze %dma_start3A_78 : memref<1x64xi32, #tpu.memory_space<vmem>> -> memref<64xi32, #tpu.memory_space<vmem>>
      %dma_start3A_80 = arith.constant 0 : i32
      %dma_start3A_81 = arith.constant 0 : i32
      %dma_start3A_82 = tpu.memref_slice %arg2[%dma_start3A_80, %dma_start3A_81] : memref<10000x128xf32, #tpu.memory_space<hbm>> -> memref<10000x128xf32, #tpu.memory_space<hbm>>
      tpu.enqueue_indirect_dma source(%dma_start3A_82 : memref<10000x128xf32, #tpu.memory_space<hbm>>) target(%dma_start3A_76 : memref<64x128xf32, #tpu.memory_space<vmem>>) offsets(%dma_start3A_79 : memref<64xi32, #tpu.memory_space<vmem>>) semaphore(%arg16 : memref<!tpu.dma_semaphore, #tpu.memory_space<semaphore_mem>>)
      %dma_start3A_83 = arith.constant 0 : i32
      %dma_start3A_84 = arith.constant 64 : i32
      %dma_start3A_85 = arith.constant 0 : i32
      %dma_start3A_86 = tpu.memref_slice %arg10[%dma_start3A_84, %dma_start3A_85] : memref<128x128xf32, #tpu.memory_space<vmem>> -> memref<64x128xf32, #tpu.memory_space<vmem>>
      %dma_start3A_87 = arith.constant 64 : i32
      %dma_start3A_88 = tpu.memref_slice %arg6[%dma_start3A_83, %dma_start3A_87] : memref<2x128xi32, #tpu.memory_space<vmem>> -> memref<1x64xi32, #tpu.memory_space<vmem>>
      %dma_start3A_89 = tpu.memref_squeeze %dma_start3A_88 : memref<1x64xi32, #tpu.memory_space<vmem>> -> memref<64xi32, #tpu.memory_space<vmem>>
      %dma_start3A_90 = arith.constant 0 : i32
      %dma_start3A_91 = arith.constant 0 : i32
      %dma_start3A_92 = tpu.memref_slice %arg2[%dma_start3A_90, %dma_start3A_91] : memref<10000x128xf32, #tpu.memory_space<hbm>> -> memref<10000x128xf32, #tpu.memory_space<hbm>>
      tpu.enqueue_indirect_dma source(%dma_start3A_92 : memref<10000x128xf32, #tpu.memory_space<hbm>>) target(%dma_start3A_86 : memref<64x128xf32, #tpu.memory_space<vmem>>) offsets(%dma_start3A_89 : memref<64xi32, #tpu.memory_space<vmem>>) semaphore(%arg18 : memref<!tpu.dma_semaphore, #tpu.memory_space<semaphore_mem>>)
    } else {
    }
    %scan3A_59 = arith.constant 0 : i32
    %scan3A_60 = arith.constant 0 : i32
    %scan3A_61 = arith.constant 20 : i32
    %scan3A_62 = arith.addi %scan3A_60, %scan3A_61 : i32
    %scan3A_63 = arith.constant 1 : i32
    %scan3A_64 = scf.for %scan3A_74 = %scan3A_60 to %scan3A_62 step %scan3A_63 iter_args(%scan3A_75 = %scan3A_59) -> (i32)  : i32 {
      %mul3A_76 = arith.constant 4 : i32
      %mul3A_77 = arith.muli %mul3A_76, %scan3A_74 : i32
      %add3A_78 = arith.constant 0 : i32
      %add3A_79 = arith.addi %mul3A_77, %add3A_78 : i32
      %add3A_80 = arith.constant 1 : i32
      %add3A_81 = arith.addi %add3A_79, %add3A_80 : i32
      %mul3A_82 = arith.constant 32 : i32
      %mul3A_83 = arith.muli %mul3A_82, %add3A_81 : i32
      %add3A_84 = arith.addi %add3A, %mul3A_83 : i32
      %lt3A_85 = arith.constant 2500 : i32
      %lt3A_86 = arith.cmpi slt, %add3A_84, %lt3A_85 : i32
      %convert_element_type3A_87 = arith.extui %lt3A_86 : i1 to i32
      %cond3A_88 = arith.constant 0 : i32
      %cond3A_89 = arith.cmpi ne, %convert_element_type3A_87, %cond3A_88 : i32
      scf.if %cond3A_89 {
        %dma_wait3A = arith.constant 0 : i32
        %dma_wait3A_245 = arith.constant 0 : i32
        %dma_wait3A_246 = tpu.memref_slice %arg3[%add3A_84, %dma_wait3A, %dma_wait3A_245] : memref<2500x2x128xi32, #tpu.memory_space<hbm>> -> memref<1x2x128xi32, #tpu.memory_space<hbm>>
        %dma_wait3A_247 = tpu.memref_squeeze %dma_wait3A_246 : memref<1x2x128xi32, #tpu.memory_space<hbm>> -> memref<2x128xi32, #tpu.memory_space<hbm>>
        %dma_wait3A_248 = arith.constant 0 : i32
        %dma_wait3A_249 = arith.constant 0 : i32
        %dma_wait3A_250 = tpu.memref_slice %arg3[%add3A_84, %dma_wait3A_248, %dma_wait3A_249] : memref<2500x2x128xi32, #tpu.memory_space<hbm>> -> memref<1x2x128xi32, #tpu.memory_space<hbm>>
        %dma_wait3A_251 = tpu.memref_squeeze %dma_wait3A_250 : memref<1x2x128xi32, #tpu.memory_space<hbm>> -> memref<2x128xi32, #tpu.memory_space<hbm>>
        tpu.wait_dma2 semaphore(%arg13 : memref<!tpu.dma_semaphore, #tpu.memory_space<semaphore_mem>>) src(%dma_wait3A_251 : memref<2x128xi32, #tpu.memory_space<hbm>>) dst(%arg7 : memref<2x128xi32, #tpu.memory_space<vmem>>)
      } else {
      }
      %add3A_90 = arith.constant 1 : i32
      %add3A_91 = arith.addi %add3A_79, %add3A_90 : i32
      %mul3A_92 = arith.constant 32 : i32
      %mul3A_93 = arith.muli %mul3A_92, %add3A_91 : i32
      %add3A_94 = arith.addi %add3A, %mul3A_93 : i32
      %lt3A_95 = arith.constant 2500 : i32
      %lt3A_96 = arith.cmpi slt, %add3A_94, %lt3A_95 : i32
      %convert_element_type3A_97 = arith.extui %lt3A_96 : i1 to i32
      %cond3A_98 = arith.constant 0 : i32
      %cond3A_99 = arith.cmpi ne, %convert_element_type3A_97, %cond3A_98 : i32
      scf.if %cond3A_99 {
        %dma_start3A = arith.constant 0 : i32
        %dma_start3A_245 = arith.constant 0 : i32
        %dma_start3A_246 = arith.constant 0 : i32
        %dma_start3A_247 = tpu.memref_slice %arg11[%dma_start3A_245, %dma_start3A_246] : memref<128x128xf32, #tpu.memory_space<vmem>> -> memref<64x128xf32, #tpu.memory_space<vmem>>
        %dma_start3A_248 = arith.constant 0 : i32
        %dma_start3A_249 = tpu.memref_slice %arg7[%dma_start3A, %dma_start3A_248] : memref<2x128xi32, #tpu.memory_space<vmem>> -> memref<1x64xi32, #tpu.memory_space<vmem>>
        %dma_start3A_250 = tpu.memref_squeeze %dma_start3A_249 : memref<1x64xi32, #tpu.memory_space<vmem>> -> memref<64xi32, #tpu.memory_space<vmem>>
        %dma_start3A_251 = arith.constant 0 : i32
        %dma_start3A_252 = arith.constant 0 : i32
        %dma_start3A_253 = tpu.memref_slice %arg2[%dma_start3A_251, %dma_start3A_252] : memref<10000x128xf32, #tpu.memory_space<hbm>> -> memref<10000x128xf32, #tpu.memory_space<hbm>>
        tpu.enqueue_indirect_dma source(%dma_start3A_253 : memref<10000x128xf32, #tpu.memory_space<hbm>>) target(%dma_start3A_247 : memref<64x128xf32, #tpu.memory_space<vmem>>) offsets(%dma_start3A_250 : memref<64xi32, #tpu.memory_space<vmem>>) semaphore(%arg17 : memref<!tpu.dma_semaphore, #tpu.memory_space<semaphore_mem>>)
        %dma_start3A_254 = arith.constant 0 : i32
        %dma_start3A_255 = arith.constant 64 : i32
        %dma_start3A_256 = arith.constant 0 : i32
        %dma_start3A_257 = tpu.memref_slice %arg11[%dma_start3A_255, %dma_start3A_256] : memref<128x128xf32, #tpu.memory_space<vmem>> -> memref<64x128xf32, #tpu.memory_space<vmem>>
        %dma_start3A_258 = arith.constant 64 : i32
        %dma_start3A_259 = tpu.memref_slice %arg7[%dma_start3A_254, %dma_start3A_258] : memref<2x128xi32, #tpu.memory_space<vmem>> -> memref<1x64xi32, #tpu.memory_space<vmem>>
        %dma_start3A_260 = tpu.memref_squeeze %dma_start3A_259 : memref<1x64xi32, #tpu.memory_space<vmem>> -> memref<64xi32, #tpu.memory_space<vmem>>
        %dma_start3A_261 = arith.constant 0 : i32
        %dma_start3A_262 = arith.constant 0 : i32
        %dma_start3A_263 = tpu.memref_slice %arg2[%dma_start3A_261, %dma_start3A_262] : memref<10000x128xf32, #tpu.memory_space<hbm>> -> memref<10000x128xf32, #tpu.memory_space<hbm>>
        tpu.enqueue_indirect_dma source(%dma_start3A_263 : memref<10000x128xf32, #tpu.memory_space<hbm>>) target(%dma_start3A_257 : memref<64x128xf32, #tpu.memory_space<vmem>>) offsets(%dma_start3A_260 : memref<64xi32, #tpu.memory_space<vmem>>) semaphore(%arg19 : memref<!tpu.dma_semaphore, #tpu.memory_space<semaphore_mem>>)
      } else {
      }
      %mul3A_100 = arith.constant 32 : i32
      %mul3A_101 = arith.muli %mul3A_100, %add3A_79 : i32
      %add3A_102 = arith.addi %add3A, %mul3A_101 : i32
      %lt3A_103 = arith.constant 2500 : i32
      %lt3A_104 = arith.cmpi slt, %add3A_102, %lt3A_103 : i32
      %convert_element_type3A_105 = arith.extui %lt3A_104 : i1 to i32
      %cond3A_106 = arith.constant 0 : i32
      %cond3A_107 = arith.cmpi ne, %convert_element_type3A_105, %cond3A_106 : i32
      scf.if %cond3A_107 {
        %dma_wait3A = arith.constant 0 : i32
        %dma_wait3A_245 = arith.constant 0 : i32
        %dma_wait3A_246 = arith.constant 0 : i32
        %dma_wait3A_247 = tpu.memref_slice %arg10[%dma_wait3A_245, %dma_wait3A_246] : memref<128x128xf32, #tpu.memory_space<vmem>> -> memref<64x128xf32, #tpu.memory_space<vmem>>
        %dma_wait3A_248 = arith.constant 0 : i32
        %dma_wait3A_249 = tpu.memref_slice %arg6[%dma_wait3A, %dma_wait3A_248] : memref<2x128xi32, #tpu.memory_space<vmem>> -> memref<1x64xi32, #tpu.memory_space<vmem>>
        %dma_wait3A_250 = tpu.memref_squeeze %dma_wait3A_249 : memref<1x64xi32, #tpu.memory_space<vmem>> -> memref<64xi32, #tpu.memory_space<vmem>>
        %dma_wait3A_251 = arith.constant 0 : i32
        %dma_wait3A_252 = arith.constant 0 : i32
        %dma_wait3A_253 = tpu.memref_slice %arg2[%dma_wait3A_251, %dma_wait3A_252] : memref<10000x128xf32, #tpu.memory_space<hbm>> -> memref<10000x128xf32, #tpu.memory_space<hbm>>
        tpu.wait_indirect_dma semaphore(%arg16 : memref<!tpu.dma_semaphore, #tpu.memory_space<semaphore_mem>>) src(%dma_wait3A_253 : memref<10000x128xf32, #tpu.memory_space<hbm>>) dst(%dma_wait3A_247 : memref<64x128xf32, #tpu.memory_space<vmem>>)
        %dma_wait3A_254 = arith.constant 0 : i32
        %dma_wait3A_255 = arith.constant 64 : i32
        %dma_wait3A_256 = arith.constant 0 : i32
        %dma_wait3A_257 = tpu.memref_slice %arg10[%dma_wait3A_255, %dma_wait3A_256] : memref<128x128xf32, #tpu.memory_space<vmem>> -> memref<64x128xf32, #tpu.memory_space<vmem>>
        %dma_wait3A_258 = arith.constant 64 : i32
        %dma_wait3A_259 = tpu.memref_slice %arg6[%dma_wait3A_254, %dma_wait3A_258] : memref<2x128xi32, #tpu.memory_space<vmem>> -> memref<1x64xi32, #tpu.memory_space<vmem>>
        %dma_wait3A_260 = tpu.memref_squeeze %dma_wait3A_259 : memref<1x64xi32, #tpu.memory_space<vmem>> -> memref<64xi32, #tpu.memory_space<vmem>>
        %dma_wait3A_261 = arith.constant 0 : i32
        %dma_wait3A_262 = arith.constant 0 : i32
        %dma_wait3A_263 = tpu.memref_slice %arg2[%dma_wait3A_261, %dma_wait3A_262] : memref<10000x128xf32, #tpu.memory_space<hbm>> -> memref<10000x128xf32, #tpu.memory_space<hbm>>
        tpu.wait_indirect_dma semaphore(%arg18 : memref<!tpu.dma_semaphore, #tpu.memory_space<semaphore_mem>>) src(%dma_wait3A_263 : memref<10000x128xf32, #tpu.memory_space<hbm>>) dst(%dma_wait3A_257 : memref<64x128xf32, #tpu.memory_space<vmem>>)
        %run_scoped3A = arith.constant 1 : i32
        "tpu.region"() ({
          %run_scoped3A_264 = tpu.sem_alloc : memref<!tpu.dma_semaphore, #tpu.memory_space<semaphore_mem>>
          %dma_start3A = arith.constant 0 : i32
          %dma_start3A_265 = tpu.memref_slice %arg6[%run_scoped3A, %dma_start3A] : memref<2x128xi32, #tpu.memory_space<vmem>> -> memref<1x128xi32, #tpu.memory_space<vmem>>
          %dma_start3A_266 = tpu.memref_squeeze %dma_start3A_265 : memref<1x128xi32, #tpu.memory_space<vmem>> -> memref<128xi32, #tpu.memory_space<vmem>>
          %dma_start3A_267 = arith.constant 0 : i32
          %dma_start3A_268 = arith.constant 0 : i32
          %dma_start3A_269 = tpu.memref_slice %arg5[%dma_start3A_267, %dma_start3A_268] : memref<10240x128xf32, #tpu.memory_space<vmem_shared>> -> memref<10240x128xf32, #tpu.memory_space<vmem_shared>>
          tpu.enqueue_indirect_dma source(%arg10 : memref<128x128xf32, #tpu.memory_space<vmem>>) target(%dma_start3A_269 : memref<10240x128xf32, #tpu.memory_space<vmem_shared>>) offsets(%dma_start3A_266 : memref<128xi32, #tpu.memory_space<vmem>>) semaphore(%run_scoped3A_264 : memref<!tpu.dma_semaphore, #tpu.memory_space<semaphore_mem>>) {add = true}
          %dma_wait3A_270 = arith.constant 0 : i32
          %dma_wait3A_271 = tpu.memref_slice %arg6[%run_scoped3A, %dma_wait3A_270] : memref<2x128xi32, #tpu.memory_space<vmem>> -> memref<1x128xi32, #tpu.memory_space<vmem>>
          %dma_wait3A_272 = tpu.memref_squeeze %dma_wait3A_271 : memref<1x128xi32, #tpu.memory_space<vmem>> -> memref<128xi32, #tpu.memory_space<vmem>>
          %dma_wait3A_273 = arith.constant 0 : i32
          %dma_wait3A_274 = arith.constant 0 : i32
          %dma_wait3A_275 = tpu.memref_slice %arg5[%dma_wait3A_273, %dma_wait3A_274] : memref<10240x128xf32, #tpu.memory_space<vmem_shared>> -> memref<10240x128xf32, #tpu.memory_space<vmem_shared>>
          tpu.wait_indirect_dma semaphore(%run_scoped3A_264 : memref<!tpu.dma_semaphore, #tpu.memory_space<semaphore_mem>>) src(%arg10 : memref<128x128xf32, #tpu.memory_space<vmem>>) dst(%dma_wait3A_275 : memref<10240x128xf32, #tpu.memory_space<vmem_shared>>)
          tpu.yield
        }) : () -> ()
      } else {
      }
      %add3A_108 = arith.constant 3 : i32
      %add3A_109 = arith.addi %add3A_79, %add3A_108 : i32
      %mul3A_110 = arith.constant 32 : i32
      %mul3A_111 = arith.muli %mul3A_110, %add3A_109 : i32
      %add3A_112 = arith.addi %add3A, %mul3A_111 : i32
      %lt3A_113 = arith.constant 2500 : i32
      %lt3A_114 = arith.cmpi slt, %add3A_112, %lt3A_113 : i32
      %convert_element_type3A_115 = arith.extui %lt3A_114 : i1 to i32
      %cond3A_116 = arith.constant 0 : i32
      %cond3A_117 = arith.cmpi ne, %convert_element_type3A_115, %cond3A_116 : i32
      scf.if %cond3A_117 {
        %dma_start3A = arith.constant 0 : i32
        %dma_start3A_245 = arith.constant 0 : i32
        %dma_start3A_246 = tpu.memref_slice %arg3[%add3A_112, %dma_start3A, %dma_start3A_245] : memref<2500x2x128xi32, #tpu.memory_space<hbm>> -> memref<1x2x128xi32, #tpu.memory_space<hbm>>
        %dma_start3A_247 = tpu.memref_squeeze %dma_start3A_246 : memref<1x2x128xi32, #tpu.memory_space<hbm>> -> memref<2x128xi32, #tpu.memory_space<hbm>>
        %dma_start3A_248 = arith.constant 0 : i32
        %dma_start3A_249 = arith.constant 0 : i32
        %dma_start3A_250 = tpu.memref_slice %arg3[%add3A_112, %dma_start3A_248, %dma_start3A_249] : memref<2500x2x128xi32, #tpu.memory_space<hbm>> -> memref<1x2x128xi32, #tpu.memory_space<hbm>>
        %dma_start3A_251 = tpu.memref_squeeze %dma_start3A_250 : memref<1x2x128xi32, #tpu.memory_space<hbm>> -> memref<2x128xi32, #tpu.memory_space<hbm>>
        tpu.enqueue_dma source(%dma_start3A_251 : memref<2x128xi32, #tpu.memory_space<hbm>>) target(%arg9 : memref<2x128xi32, #tpu.memory_space<vmem>>) target_semaphore(%arg15 : memref<!tpu.dma_semaphore, #tpu.memory_space<semaphore_mem>>)
      } else {
      }
      %mul3A_118 = arith.constant 4 : i32
      %mul3A_119 = arith.muli %mul3A_118, %scan3A_74 : i32
      %add3A_120 = arith.constant 1 : i32
      %add3A_121 = arith.addi %mul3A_119, %add3A_120 : i32
      %add3A_122 = arith.constant 1 : i32
      %add3A_123 = arith.addi %add3A_121, %add3A_122 : i32
      %mul3A_124 = arith.constant 32 : i32
      %mul3A_125 = arith.muli %mul3A_124, %add3A_123 : i32
      %add3A_126 = arith.addi %add3A, %mul3A_125 : i32
      %lt3A_127 = arith.constant 2500 : i32
      %lt3A_128 = arith.cmpi slt, %add3A_126, %lt3A_127 : i32
      %convert_element_type3A_129 = arith.extui %lt3A_128 : i1 to i32
      %cond3A_130 = arith.constant 0 : i32
      %cond3A_131 = arith.cmpi ne, %convert_element_type3A_129, %cond3A_130 : i32
      scf.if %cond3A_131 {
        %dma_wait3A = arith.constant 0 : i32
        %dma_wait3A_245 = arith.constant 0 : i32
        %dma_wait3A_246 = tpu.memref_slice %arg3[%add3A_126, %dma_wait3A, %dma_wait3A_245] : memref<2500x2x128xi32, #tpu.memory_space<hbm>> -> memref<1x2x128xi32, #tpu.memory_space<hbm>>
        %dma_wait3A_247 = tpu.memref_squeeze %dma_wait3A_246 : memref<1x2x128xi32, #tpu.memory_space<hbm>> -> memref<2x128xi32, #tpu.memory_space<hbm>>
        %dma_wait3A_248 = arith.constant 0 : i32
        %dma_wait3A_249 = arith.constant 0 : i32
        %dma_wait3A_250 = tpu.memref_slice %arg3[%add3A_126, %dma_wait3A_248, %dma_wait3A_249] : memref<2500x2x128xi32, #tpu.memory_space<hbm>> -> memref<1x2x128xi32, #tpu.memory_space<hbm>>
        %dma_wait3A_251 = tpu.memref_squeeze %dma_wait3A_250 : memref<1x2x128xi32, #tpu.memory_space<hbm>> -> memref<2x128xi32, #tpu.memory_space<hbm>>
        tpu.wait_dma2 semaphore(%arg14 : memref<!tpu.dma_semaphore, #tpu.memory_space<semaphore_mem>>) src(%dma_wait3A_251 : memref<2x128xi32, #tpu.memory_space<hbm>>) dst(%arg8 : memref<2x128xi32, #tpu.memory_space<vmem>>)
      } else {
      }
      %add3A_132 = arith.constant 1 : i32
      %add3A_133 = arith.addi %add3A_121, %add3A_132 : i32
      %mul3A_134 = arith.constant 32 : i32
      %mul3A_135 = arith.muli %mul3A_134, %add3A_133 : i32
      %add3A_136 = arith.addi %add3A, %mul3A_135 : i32
      %lt3A_137 = arith.constant 2500 : i32
      %lt3A_138 = arith.cmpi slt, %add3A_136, %lt3A_137 : i32
      %convert_element_type3A_139 = arith.extui %lt3A_138 : i1 to i32
      %cond3A_140 = arith.constant 0 : i32
      %cond3A_141 = arith.cmpi ne, %convert_element_type3A_139, %cond3A_140 : i32
      scf.if %cond3A_141 {
        %dma_start3A = arith.constant 0 : i32
        %dma_start3A_245 = arith.constant 0 : i32
        %dma_start3A_246 = arith.constant 0 : i32
        %dma_start3A_247 = tpu.memref_slice %arg10[%dma_start3A_245, %dma_start3A_246] : memref<128x128xf32, #tpu.memory_space<vmem>> -> memref<64x128xf32, #tpu.memory_space<vmem>>
        %dma_start3A_248 = arith.constant 0 : i32
        %dma_start3A_249 = tpu.memref_slice %arg8[%dma_start3A, %dma_start3A_248] : memref<2x128xi32, #tpu.memory_space<vmem>> -> memref<1x64xi32, #tpu.memory_space<vmem>>
        %dma_start3A_250 = tpu.memref_squeeze %dma_start3A_249 : memref<1x64xi32, #tpu.memory_space<vmem>> -> memref<64xi32, #tpu.memory_space<vmem>>
        %dma_start3A_251 = arith.constant 0 : i32
        %dma_start3A_252 = arith.constant 0 : i32
        %dma_start3A_253 = tpu.memref_slice %arg2[%dma_start3A_251, %dma_start3A_252] : memref<10000x128xf32, #tpu.memory_space<hbm>> -> memref<10000x128xf32, #tpu.memory_space<hbm>>
        tpu.enqueue_indirect_dma source(%dma_start3A_253 : memref<10000x128xf32, #tpu.memory_space<hbm>>) target(%dma_start3A_247 : memref<64x128xf32, #tpu.memory_space<vmem>>) offsets(%dma_start3A_250 : memref<64xi32, #tpu.memory_space<vmem>>) semaphore(%arg16 : memref<!tpu.dma_semaphore, #tpu.memory_space<semaphore_mem>>)
        %dma_start3A_254 = arith.constant 0 : i32
        %dma_start3A_255 = arith.constant 64 : i32
        %dma_start3A_256 = arith.constant 0 : i32
        %dma_start3A_257 = tpu.memref_slice %arg10[%dma_start3A_255, %dma_start3A_256] : memref<128x128xf32, #tpu.memory_space<vmem>> -> memref<64x128xf32, #tpu.memory_space<vmem>>
        %dma_start3A_258 = arith.constant 64 : i32
        %dma_start3A_259 = tpu.memref_slice %arg8[%dma_start3A_254, %dma_start3A_258] : memref<2x128xi32, #tpu.memory_space<vmem>> -> memref<1x64xi32, #tpu.memory_space<vmem>>
        %dma_start3A_260 = tpu.memref_squeeze %dma_start3A_259 : memref<1x64xi32, #tpu.memory_space<vmem>> -> memref<64xi32, #tpu.memory_space<vmem>>
        %dma_start3A_261 = arith.constant 0 : i32
        %dma_start3A_262 = arith.constant 0 : i32
        %dma_start3A_263 = tpu.memref_slice %arg2[%dma_start3A_261, %dma_start3A_262] : memref<10000x128xf32, #tpu.memory_space<hbm>> -> memref<10000x128xf32, #tpu.memory_space<hbm>>
        tpu.enqueue_indirect_dma source(%dma_start3A_263 : memref<10000x128xf32, #tpu.memory_space<hbm>>) target(%dma_start3A_257 : memref<64x128xf32, #tpu.memory_space<vmem>>) offsets(%dma_start3A_260 : memref<64xi32, #tpu.memory_space<vmem>>) semaphore(%arg18 : memref<!tpu.dma_semaphore, #tpu.memory_space<semaphore_mem>>)
      } else {
      }
      %mul3A_142 = arith.constant 32 : i32
      %mul3A_143 = arith.muli %mul3A_142, %add3A_121 : i32
      %add3A_144 = arith.addi %add3A, %mul3A_143 : i32
      %lt3A_145 = arith.constant 2500 : i32
      %lt3A_146 = arith.cmpi slt, %add3A_144, %lt3A_145 : i32
      %convert_element_type3A_147 = arith.extui %lt3A_146 : i1 to i32
      %cond3A_148 = arith.constant 0 : i32
      %cond3A_149 = arith.cmpi ne, %convert_element_type3A_147, %cond3A_148 : i32
      scf.if %cond3A_149 {
        %dma_wait3A = arith.constant 0 : i32
        %dma_wait3A_245 = arith.constant 0 : i32
        %dma_wait3A_246 = arith.constant 0 : i32
        %dma_wait3A_247 = tpu.memref_slice %arg11[%dma_wait3A_245, %dma_wait3A_246] : memref<128x128xf32, #tpu.memory_space<vmem>> -> memref<64x128xf32, #tpu.memory_space<vmem>>
        %dma_wait3A_248 = arith.constant 0 : i32
        %dma_wait3A_249 = tpu.memref_slice %arg7[%dma_wait3A, %dma_wait3A_248] : memref<2x128xi32, #tpu.memory_space<vmem>> -> memref<1x64xi32, #tpu.memory_space<vmem>>
        %dma_wait3A_250 = tpu.memref_squeeze %dma_wait3A_249 : memref<1x64xi32, #tpu.memory_space<vmem>> -> memref<64xi32, #tpu.memory_space<vmem>>
        %dma_wait3A_251 = arith.constant 0 : i32
        %dma_wait3A_252 = arith.constant 0 : i32
        %dma_wait3A_253 = tpu.memref_slice %arg2[%dma_wait3A_251, %dma_wait3A_252] : memref<10000x128xf32, #tpu.memory_space<hbm>> -> memref<10000x128xf32, #tpu.memory_space<hbm>>
        tpu.wait_indirect_dma semaphore(%arg17 : memref<!tpu.dma_semaphore, #tpu.memory_space<semaphore_mem>>) src(%dma_wait3A_253 : memref<10000x128xf32, #tpu.memory_space<hbm>>) dst(%dma_wait3A_247 : memref<64x128xf32, #tpu.memory_space<vmem>>)
        %dma_wait3A_254 = arith.constant 0 : i32
        %dma_wait3A_255 = arith.constant 64 : i32
        %dma_wait3A_256 = arith.constant 0 : i32
        %dma_wait3A_257 = tpu.memref_slice %arg11[%dma_wait3A_255, %dma_wait3A_256] : memref<128x128xf32, #tpu.memory_space<vmem>> -> memref<64x128xf32, #tpu.memory_space<vmem>>
        %dma_wait3A_258 = arith.constant 64 : i32
        %dma_wait3A_259 = tpu.memref_slice %arg7[%dma_wait3A_254, %dma_wait3A_258] : memref<2x128xi32, #tpu.memory_space<vmem>> -> memref<1x64xi32, #tpu.memory_space<vmem>>
        %dma_wait3A_260 = tpu.memref_squeeze %dma_wait3A_259 : memref<1x64xi32, #tpu.memory_space<vmem>> -> memref<64xi32, #tpu.memory_space<vmem>>
        %dma_wait3A_261 = arith.constant 0 : i32
        %dma_wait3A_262 = arith.constant 0 : i32
        %dma_wait3A_263 = tpu.memref_slice %arg2[%dma_wait3A_261, %dma_wait3A_262] : memref<10000x128xf32, #tpu.memory_space<hbm>> -> memref<10000x128xf32, #tpu.memory_space<hbm>>
        tpu.wait_indirect_dma semaphore(%arg19 : memref<!tpu.dma_semaphore, #tpu.memory_space<semaphore_mem>>) src(%dma_wait3A_263 : memref<10000x128xf32, #tpu.memory_space<hbm>>) dst(%dma_wait3A_257 : memref<64x128xf32, #tpu.memory_space<vmem>>)
        %run_scoped3A = arith.constant 1 : i32
        "tpu.region"() ({
          %run_scoped3A_264 = tpu.sem_alloc : memref<!tpu.dma_semaphore, #tpu.memory_space<semaphore_mem>>
          %dma_start3A = arith.constant 0 : i32
          %dma_start3A_265 = tpu.memref_slice %arg7[%run_scoped3A, %dma_start3A] : memref<2x128xi32, #tpu.memory_space<vmem>> -> memref<1x128xi32, #tpu.memory_space<vmem>>
          %dma_start3A_266 = tpu.memref_squeeze %dma_start3A_265 : memref<1x128xi32, #tpu.memory_space<vmem>> -> memref<128xi32, #tpu.memory_space<vmem>>
          %dma_start3A_267 = arith.constant 0 : i32
          %dma_start3A_268 = arith.constant 0 : i32
          %dma_start3A_269 = tpu.memref_slice %arg5[%dma_start3A_267, %dma_start3A_268] : memref<10240x128xf32, #tpu.memory_space<vmem_shared>> -> memref<10240x128xf32, #tpu.memory_space<vmem_shared>>
          tpu.enqueue_indirect_dma source(%arg11 : memref<128x128xf32, #tpu.memory_space<vmem>>) target(%dma_start3A_269 : memref<10240x128xf32, #tpu.memory_space<vmem_shared>>) offsets(%dma_start3A_266 : memref<128xi32, #tpu.memory_space<vmem>>) semaphore(%run_scoped3A_264 : memref<!tpu.dma_semaphore, #tpu.memory_space<semaphore_mem>>) {add = true}
          %dma_wait3A_270 = arith.constant 0 : i32
          %dma_wait3A_271 = tpu.memref_slice %arg7[%run_scoped3A, %dma_wait3A_270] : memref<2x128xi32, #tpu.memory_space<vmem>> -> memref<1x128xi32, #tpu.memory_space<vmem>>
          %dma_wait3A_272 = tpu.memref_squeeze %dma_wait3A_271 : memref<1x128xi32, #tpu.memory_space<vmem>> -> memref<128xi32, #tpu.memory_space<vmem>>
          %dma_wait3A_273 = arith.constant 0 : i32
          %dma_wait3A_274 = arith.constant 0 : i32
          %dma_wait3A_275 = tpu.memref_slice %arg5[%dma_wait3A_273, %dma_wait3A_274] : memref<10240x128xf32, #tpu.memory_space<vmem_shared>> -> memref<10240x128xf32, #tpu.memory_space<vmem_shared>>
          tpu.wait_indirect_dma semaphore(%run_scoped3A_264 : memref<!tpu.dma_semaphore, #tpu.memory_space<semaphore_mem>>) src(%arg11 : memref<128x128xf32, #tpu.memory_space<vmem>>) dst(%dma_wait3A_275 : memref<10240x128xf32, #tpu.memory_space<vmem_shared>>)
          tpu.yield
        }) : () -> ()
      } else {
      }
      %add3A_150 = arith.constant 3 : i32
      %add3A_151 = arith.addi %add3A_121, %add3A_150 : i32
      %mul3A_152 = arith.constant 32 : i32
      %mul3A_153 = arith.muli %mul3A_152, %add3A_151 : i32
      %add3A_154 = arith.addi %add3A, %mul3A_153 : i32
      %lt3A_155 = arith.constant 2500 : i32
      %lt3A_156 = arith.cmpi slt, %add3A_154, %lt3A_155 : i32
      %convert_element_type3A_157 = arith.extui %lt3A_156 : i1 to i32
      %cond3A_158 = arith.constant 0 : i32
      %cond3A_159 = arith.cmpi ne, %convert_element_type3A_157, %cond3A_158 : i32
      scf.if %cond3A_159 {
        %dma_start3A = arith.constant 0 : i32
        %dma_start3A_245 = arith.constant 0 : i32
        %dma_start3A_246 = tpu.memref_slice %arg3[%add3A_154, %dma_start3A, %dma_start3A_245] : memref<2500x2x128xi32, #tpu.memory_space<hbm>> -> memref<1x2x128xi32, #tpu.memory_space<hbm>>
        %dma_start3A_247 = tpu.memref_squeeze %dma_start3A_246 : memref<1x2x128xi32, #tpu.memory_space<hbm>> -> memref<2x128xi32, #tpu.memory_space<hbm>>
        %dma_start3A_248 = arith.constant 0 : i32
        %dma_start3A_249 = arith.constant 0 : i32
        %dma_start3A_250 = tpu.memref_slice %arg3[%add3A_154, %dma_start3A_248, %dma_start3A_249] : memref<2500x2x128xi32, #tpu.memory_space<hbm>> -> memref<1x2x128xi32, #tpu.memory_space<hbm>>
        %dma_start3A_251 = tpu.memref_squeeze %dma_start3A_250 : memref<1x2x128xi32, #tpu.memory_space<hbm>> -> memref<2x128xi32, #tpu.memory_space<hbm>>
        tpu.enqueue_dma source(%dma_start3A_251 : memref<2x128xi32, #tpu.memory_space<hbm>>) target(%arg6 : memref<2x128xi32, #tpu.memory_space<vmem>>) target_semaphore(%arg12 : memref<!tpu.dma_semaphore, #tpu.memory_space<semaphore_mem>>)
      } else {
      }
      %mul3A_160 = arith.constant 4 : i32
      %mul3A_161 = arith.muli %mul3A_160, %scan3A_74 : i32
      %add3A_162 = arith.constant 2 : i32
      %add3A_163 = arith.addi %mul3A_161, %add3A_162 : i32
      %add3A_164 = arith.constant 1 : i32
      %add3A_165 = arith.addi %add3A_163, %add3A_164 : i32
      %mul3A_166 = arith.constant 32 : i32
      %mul3A_167 = arith.muli %mul3A_166, %add3A_165 : i32
      %add3A_168 = arith.addi %add3A, %mul3A_167 : i32
      %lt3A_169 = arith.constant 2500 : i32
      %lt3A_170 = arith.cmpi slt, %add3A_168, %lt3A_169 : i32
      %convert_element_type3A_171 = arith.extui %lt3A_170 : i1 to i32
      %cond3A_172 = arith.constant 0 : i32
      %cond3A_173 = arith.cmpi ne, %convert_element_type3A_171, %cond3A_172 : i32
      scf.if %cond3A_173 {
        %dma_wait3A = arith.constant 0 : i32
        %dma_wait3A_245 = arith.constant 0 : i32
        %dma_wait3A_246 = tpu.memref_slice %arg3[%add3A_168, %dma_wait3A, %dma_wait3A_245] : memref<2500x2x128xi32, #tpu.memory_space<hbm>> -> memref<1x2x128xi32, #tpu.memory_space<hbm>>
        %dma_wait3A_247 = tpu.memref_squeeze %dma_wait3A_246 : memref<1x2x128xi32, #tpu.memory_space<hbm>> -> memref<2x128xi32, #tpu.memory_space<hbm>>
        %dma_wait3A_248 = arith.constant 0 : i32
        %dma_wait3A_249 = arith.constant 0 : i32
        %dma_wait3A_250 = tpu.memref_slice %arg3[%add3A_168, %dma_wait3A_248, %dma_wait3A_249] : memref<2500x2x128xi32, #tpu.memory_space<hbm>> -> memref<1x2x128xi32, #tpu.memory_space<hbm>>
        %dma_wait3A_251 = tpu.memref_squeeze %dma_wait3A_250 : memref<1x2x128xi32, #tpu.memory_space<hbm>> -> memref<2x128xi32, #tpu.memory_space<hbm>>
        tpu.wait_dma2 semaphore(%arg15 : memref<!tpu.dma_semaphore, #tpu.memory_space<semaphore_mem>>) src(%dma_wait3A_251 : memref<2x128xi32, #tpu.memory_space<hbm>>) dst(%arg9 : memref<2x128xi32, #tpu.memory_space<vmem>>)
      } else {
      }
      %add3A_174 = arith.constant 1 : i32
      %add3A_175 = arith.addi %add3A_163, %add3A_174 : i32
      %mul3A_176 = arith.constant 32 : i32
      %mul3A_177 = arith.muli %mul3A_176, %add3A_175 : i32
      %add3A_178 = arith.addi %add3A, %mul3A_177 : i32
      %lt3A_179 = arith.constant 2500 : i32
      %lt3A_180 = arith.cmpi slt, %add3A_178, %lt3A_179 : i32
      %convert_element_type3A_181 = arith.extui %lt3A_180 : i1 to i32
      %cond3A_182 = arith.constant 0 : i32
      %cond3A_183 = arith.cmpi ne, %convert_element_type3A_181, %cond3A_182 : i32
      scf.if %cond3A_183 {
        %dma_start3A = arith.constant 0 : i32
        %dma_start3A_245 = arith.constant 0 : i32
        %dma_start3A_246 = arith.constant 0 : i32
        %dma_start3A_247 = tpu.memref_slice %arg11[%dma_start3A_245, %dma_start3A_246] : memref<128x128xf32, #tpu.memory_space<vmem>> -> memref<64x128xf32, #tpu.memory_space<vmem>>
        %dma_start3A_248 = arith.constant 0 : i32
        %dma_start3A_249 = tpu.memref_slice %arg9[%dma_start3A, %dma_start3A_248] : memref<2x128xi32, #tpu.memory_space<vmem>> -> memref<1x64xi32, #tpu.memory_space<vmem>>
        %dma_start3A_250 = tpu.memref_squeeze %dma_start3A_249 : memref<1x64xi32, #tpu.memory_space<vmem>> -> memref<64xi32, #tpu.memory_space<vmem>>
        %dma_start3A_251 = arith.constant 0 : i32
        %dma_start3A_252 = arith.constant 0 : i32
        %dma_start3A_253 = tpu.memref_slice %arg2[%dma_start3A_251, %dma_start3A_252] : memref<10000x128xf32, #tpu.memory_space<hbm>> -> memref<10000x128xf32, #tpu.memory_space<hbm>>
        tpu.enqueue_indirect_dma source(%dma_start3A_253 : memref<10000x128xf32, #tpu.memory_space<hbm>>) target(%dma_start3A_247 : memref<64x128xf32, #tpu.memory_space<vmem>>) offsets(%dma_start3A_250 : memref<64xi32, #tpu.memory_space<vmem>>) semaphore(%arg17 : memref<!tpu.dma_semaphore, #tpu.memory_space<semaphore_mem>>)
        %dma_start3A_254 = arith.constant 0 : i32
        %dma_start3A_255 = arith.constant 64 : i32
        %dma_start3A_256 = arith.constant 0 : i32
        %dma_start3A_257 = tpu.memref_slice %arg11[%dma_start3A_255, %dma_start3A_256] : memref<128x128xf32, #tpu.memory_space<vmem>> -> memref<64x128xf32, #tpu.memory_space<vmem>>
        %dma_start3A_258 = arith.constant 64 : i32
        %dma_start3A_259 = tpu.memref_slice %arg9[%dma_start3A_254, %dma_start3A_258] : memref<2x128xi32, #tpu.memory_space<vmem>> -> memref<1x64xi32, #tpu.memory_space<vmem>>
        %dma_start3A_260 = tpu.memref_squeeze %dma_start3A_259 : memref<1x64xi32, #tpu.memory_space<vmem>> -> memref<64xi32, #tpu.memory_space<vmem>>
        %dma_start3A_261 = arith.constant 0 : i32
        %dma_start3A_262 = arith.constant 0 : i32
        %dma_start3A_263 = tpu.memref_slice %arg2[%dma_start3A_261, %dma_start3A_262] : memref<10000x128xf32, #tpu.memory_space<hbm>> -> memref<10000x128xf32, #tpu.memory_space<hbm>>
        tpu.enqueue_indirect_dma source(%dma_start3A_263 : memref<10000x128xf32, #tpu.memory_space<hbm>>) target(%dma_start3A_257 : memref<64x128xf32, #tpu.memory_space<vmem>>) offsets(%dma_start3A_260 : memref<64xi32, #tpu.memory_space<vmem>>) semaphore(%arg19 : memref<!tpu.dma_semaphore, #tpu.memory_space<semaphore_mem>>)
      } else {
      }
      %mul3A_184 = arith.constant 32 : i32
      %mul3A_185 = arith.muli %mul3A_184, %add3A_163 : i32
      %add3A_186 = arith.addi %add3A, %mul3A_185 : i32
      %lt3A_187 = arith.constant 2500 : i32
      %lt3A_188 = arith.cmpi slt, %add3A_186, %lt3A_187 : i32
      %convert_element_type3A_189 = arith.extui %lt3A_188 : i1 to i32
      %cond3A_190 = arith.constant 0 : i32
      %cond3A_191 = arith.cmpi ne, %convert_element_type3A_189, %cond3A_190 : i32
      scf.if %cond3A_191 {
        %dma_wait3A = arith.constant 0 : i32
        %dma_wait3A_245 = arith.constant 0 : i32
        %dma_wait3A_246 = arith.constant 0 : i32
        %dma_wait3A_247 = tpu.memref_slice %arg10[%dma_wait3A_245, %dma_wait3A_246] : memref<128x128xf32, #tpu.memory_space<vmem>> -> memref<64x128xf32, #tpu.memory_space<vmem>>
        %dma_wait3A_248 = arith.constant 0 : i32
        %dma_wait3A_249 = tpu.memref_slice %arg8[%dma_wait3A, %dma_wait3A_248] : memref<2x128xi32, #tpu.memory_space<vmem>> -> memref<1x64xi32, #tpu.memory_space<vmem>>
        %dma_wait3A_250 = tpu.memref_squeeze %dma_wait3A_249 : memref<1x64xi32, #tpu.memory_space<vmem>> -> memref<64xi32, #tpu.memory_space<vmem>>
        %dma_wait3A_251 = arith.constant 0 : i32
        %dma_wait3A_252 = arith.constant 0 : i32
        %dma_wait3A_253 = tpu.memref_slice %arg2[%dma_wait3A_251, %dma_wait3A_252] : memref<10000x128xf32, #tpu.memory_space<hbm>> -> memref<10000x128xf32, #tpu.memory_space<hbm>>
        tpu.wait_indirect_dma semaphore(%arg16 : memref<!tpu.dma_semaphore, #tpu.memory_space<semaphore_mem>>) src(%dma_wait3A_253 : memref<10000x128xf32, #tpu.memory_space<hbm>>) dst(%dma_wait3A_247 : memref<64x128xf32, #tpu.memory_space<vmem>>)
        %dma_wait3A_254 = arith.constant 0 : i32
        %dma_wait3A_255 = arith.constant 64 : i32
        %dma_wait3A_256 = arith.constant 0 : i32
        %dma_wait3A_257 = tpu.memref_slice %arg10[%dma_wait3A_255, %dma_wait3A_256] : memref<128x128xf32, #tpu.memory_space<vmem>> -> memref<64x128xf32, #tpu.memory_space<vmem>>
        %dma_wait3A_258 = arith.constant 64 : i32
        %dma_wait3A_259 = tpu.memref_slice %arg8[%dma_wait3A_254, %dma_wait3A_258] : memref<2x128xi32, #tpu.memory_space<vmem>> -> memref<1x64xi32, #tpu.memory_space<vmem>>
        %dma_wait3A_260 = tpu.memref_squeeze %dma_wait3A_259 : memref<1x64xi32, #tpu.memory_space<vmem>> -> memref<64xi32, #tpu.memory_space<vmem>>
        %dma_wait3A_261 = arith.constant 0 : i32
        %dma_wait3A_262 = arith.constant 0 : i32
        %dma_wait3A_263 = tpu.memref_slice %arg2[%dma_wait3A_261, %dma_wait3A_262] : memref<10000x128xf32, #tpu.memory_space<hbm>> -> memref<10000x128xf32, #tpu.memory_space<hbm>>
        tpu.wait_indirect_dma semaphore(%arg18 : memref<!tpu.dma_semaphore, #tpu.memory_space<semaphore_mem>>) src(%dma_wait3A_263 : memref<10000x128xf32, #tpu.memory_space<hbm>>) dst(%dma_wait3A_257 : memref<64x128xf32, #tpu.memory_space<vmem>>)
        %run_scoped3A = arith.constant 1 : i32
        "tpu.region"() ({
          %run_scoped3A_264 = tpu.sem_alloc : memref<!tpu.dma_semaphore, #tpu.memory_space<semaphore_mem>>
          %dma_start3A = arith.constant 0 : i32
          %dma_start3A_265 = tpu.memref_slice %arg8[%run_scoped3A, %dma_start3A] : memref<2x128xi32, #tpu.memory_space<vmem>> -> memref<1x128xi32, #tpu.memory_space<vmem>>
          %dma_start3A_266 = tpu.memref_squeeze %dma_start3A_265 : memref<1x128xi32, #tpu.memory_space<vmem>> -> memref<128xi32, #tpu.memory_space<vmem>>
          %dma_start3A_267 = arith.constant 0 : i32
          %dma_start3A_268 = arith.constant 0 : i32
          %dma_start3A_269 = tpu.memref_slice %arg5[%dma_start3A_267, %dma_start3A_268] : memref<10240x128xf32, #tpu.memory_space<vmem_shared>> -> memref<10240x128xf32, #tpu.memory_space<vmem_shared>>
          tpu.enqueue_indirect_dma source(%arg10 : memref<128x128xf32, #tpu.memory_space<vmem>>) target(%dma_start3A_269 : memref<10240x128xf32, #tpu.memory_space<vmem_shared>>) offsets(%dma_start3A_266 : memref<128xi32, #tpu.memory_space<vmem>>) semaphore(%run_scoped3A_264 : memref<!tpu.dma_semaphore, #tpu.memory_space<semaphore_mem>>) {add = true}
          %dma_wait3A_270 = arith.constant 0 : i32
          %dma_wait3A_271 = tpu.memref_slice %arg8[%run_scoped3A, %dma_wait3A_270] : memref<2x128xi32, #tpu.memory_space<vmem>> -> memref<1x128xi32, #tpu.memory_space<vmem>>
          %dma_wait3A_272 = tpu.memref_squeeze %dma_wait3A_271 : memref<1x128xi32, #tpu.memory_space<vmem>> -> memref<128xi32, #tpu.memory_space<vmem>>
          %dma_wait3A_273 = arith.constant 0 : i32
          %dma_wait3A_274 = arith.constant 0 : i32
          %dma_wait3A_275 = tpu.memref_slice %arg5[%dma_wait3A_273, %dma_wait3A_274] : memref<10240x128xf32, #tpu.memory_space<vmem_shared>> -> memref<10240x128xf32, #tpu.memory_space<vmem_shared>>
          tpu.wait_indirect_dma semaphore(%run_scoped3A_264 : memref<!tpu.dma_semaphore, #tpu.memory_space<semaphore_mem>>) src(%arg10 : memref<128x128xf32, #tpu.memory_space<vmem>>) dst(%dma_wait3A_275 : memref<10240x128xf32, #tpu.memory_space<vmem_shared>>)
          tpu.yield
        }) : () -> ()
      } else {
      }
      %add3A_192 = arith.constant 3 : i32
      %add3A_193 = arith.addi %add3A_163, %add3A_192 : i32
      %mul3A_194 = arith.constant 32 : i32
      %mul3A_195 = arith.muli %mul3A_194, %add3A_193 : i32
      %add3A_196 = arith.addi %add3A, %mul3A_195 : i32
      %lt3A_197 = arith.constant 2500 : i32
      %lt3A_198 = arith.cmpi slt, %add3A_196, %lt3A_197 : i32
      %convert_element_type3A_199 = arith.extui %lt3A_198 : i1 to i32
      %cond3A_200 = arith.constant 0 : i32
      %cond3A_201 = arith.cmpi ne, %convert_element_type3A_199, %cond3A_200 : i32
      scf.if %cond3A_201 {
        %dma_start3A = arith.constant 0 : i32
        %dma_start3A_245 = arith.constant 0 : i32
        %dma_start3A_246 = tpu.memref_slice %arg3[%add3A_196, %dma_start3A, %dma_start3A_245] : memref<2500x2x128xi32, #tpu.memory_space<hbm>> -> memref<1x2x128xi32, #tpu.memory_space<hbm>>
        %dma_start3A_247 = tpu.memref_squeeze %dma_start3A_246 : memref<1x2x128xi32, #tpu.memory_space<hbm>> -> memref<2x128xi32, #tpu.memory_space<hbm>>
        %dma_start3A_248 = arith.constant 0 : i32
        %dma_start3A_249 = arith.constant 0 : i32
        %dma_start3A_250 = tpu.memref_slice %arg3[%add3A_196, %dma_start3A_248, %dma_start3A_249] : memref<2500x2x128xi32, #tpu.memory_space<hbm>> -> memref<1x2x128xi32, #tpu.memory_space<hbm>>
        %dma_start3A_251 = tpu.memref_squeeze %dma_start3A_250 : memref<1x2x128xi32, #tpu.memory_space<hbm>> -> memref<2x128xi32, #tpu.memory_space<hbm>>
        tpu.enqueue_dma source(%dma_start3A_251 : memref<2x128xi32, #tpu.memory_space<hbm>>) target(%arg7 : memref<2x128xi32, #tpu.memory_space<vmem>>) target_semaphore(%arg13 : memref<!tpu.dma_semaphore, #tpu.memory_space<semaphore_mem>>)
      } else {
      }
      %mul3A_202 = arith.constant 4 : i32
      %mul3A_203 = arith.muli %mul3A_202, %scan3A_74 : i32
      %add3A_204 = arith.constant 3 : i32
      %add3A_205 = arith.addi %mul3A_203, %add3A_204 : i32
      %add3A_206 = arith.constant 1 : i32
      %add3A_207 = arith.addi %add3A_205, %add3A_206 : i32
      %mul3A_208 = arith.constant 32 : i32
      %mul3A_209 = arith.muli %mul3A_208, %add3A_207 : i32
      %add3A_210 = arith.addi %add3A, %mul3A_209 : i32
      %lt3A_211 = arith.constant 2500 : i32
      %lt3A_212 = arith.cmpi slt, %add3A_210, %lt3A_211 : i32
      %convert_element_type3A_213 = arith.extui %lt3A_212 : i1 to i32
      %cond3A_214 = arith.constant 0 : i32
      %cond3A_215 = arith.cmpi ne, %convert_element_type3A_213, %cond3A_214 : i32
      scf.if %cond3A_215 {
        %dma_wait3A = arith.constant 0 : i32
        %dma_wait3A_245 = arith.constant 0 : i32
        %dma_wait3A_246 = tpu.memref_slice %arg3[%add3A_210, %dma_wait3A, %dma_wait3A_245] : memref<2500x2x128xi32, #tpu.memory_space<hbm>> -> memref<1x2x128xi32, #tpu.memory_space<hbm>>
        %dma_wait3A_247 = tpu.memref_squeeze %dma_wait3A_246 : memref<1x2x128xi32, #tpu.memory_space<hbm>> -> memref<2x128xi32, #tpu.memory_space<hbm>>
        %dma_wait3A_248 = arith.constant 0 : i32
        %dma_wait3A_249 = arith.constant 0 : i32
        %dma_wait3A_250 = tpu.memref_slice %arg3[%add3A_210, %dma_wait3A_248, %dma_wait3A_249] : memref<2500x2x128xi32, #tpu.memory_space<hbm>> -> memref<1x2x128xi32, #tpu.memory_space<hbm>>
        %dma_wait3A_251 = tpu.memref_squeeze %dma_wait3A_250 : memref<1x2x128xi32, #tpu.memory_space<hbm>> -> memref<2x128xi32, #tpu.memory_space<hbm>>
        tpu.wait_dma2 semaphore(%arg12 : memref<!tpu.dma_semaphore, #tpu.memory_space<semaphore_mem>>) src(%dma_wait3A_251 : memref<2x128xi32, #tpu.memory_space<hbm>>) dst(%arg6 : memref<2x128xi32, #tpu.memory_space<vmem>>)
      } else {
      }
      %add3A_216 = arith.constant 1 : i32
      %add3A_217 = arith.addi %add3A_205, %add3A_216 : i32
      %mul3A_218 = arith.constant 32 : i32
      %mul3A_219 = arith.muli %mul3A_218, %add3A_217 : i32
      %add3A_220 = arith.addi %add3A, %mul3A_219 : i32
      %lt3A_221 = arith.constant 2500 : i32
      %lt3A_222 = arith.cmpi slt, %add3A_220, %lt3A_221 : i32
      %convert_element_type3A_223 = arith.extui %lt3A_222 : i1 to i32
      %cond3A_224 = arith.constant 0 : i32
      %cond3A_225 = arith.cmpi ne, %convert_element_type3A_223, %cond3A_224 : i32
      scf.if %cond3A_225 {
        %dma_start3A = arith.constant 0 : i32
        %dma_start3A_245 = arith.constant 0 : i32
        %dma_start3A_246 = arith.constant 0 : i32
        %dma_start3A_247 = tpu.memref_slice %arg10[%dma_start3A_245, %dma_start3A_246] : memref<128x128xf32, #tpu.memory_space<vmem>> -> memref<64x128xf32, #tpu.memory_space<vmem>>
        %dma_start3A_248 = arith.constant 0 : i32
        %dma_start3A_249 = tpu.memref_slice %arg6[%dma_start3A, %dma_start3A_248] : memref<2x128xi32, #tpu.memory_space<vmem>> -> memref<1x64xi32, #tpu.memory_space<vmem>>
        %dma_start3A_250 = tpu.memref_squeeze %dma_start3A_249 : memref<1x64xi32, #tpu.memory_space<vmem>> -> memref<64xi32, #tpu.memory_space<vmem>>
        %dma_start3A_251 = arith.constant 0 : i32
        %dma_start3A_252 = arith.constant 0 : i32
        %dma_start3A_253 = tpu.memref_slice %arg2[%dma_start3A_251, %dma_start3A_252] : memref<10000x128xf32, #tpu.memory_space<hbm>> -> memref<10000x128xf32, #tpu.memory_space<hbm>>
        tpu.enqueue_indirect_dma source(%dma_start3A_253 : memref<10000x128xf32, #tpu.memory_space<hbm>>) target(%dma_start3A_247 : memref<64x128xf32, #tpu.memory_space<vmem>>) offsets(%dma_start3A_250 : memref<64xi32, #tpu.memory_space<vmem>>) semaphore(%arg16 : memref<!tpu.dma_semaphore, #tpu.memory_space<semaphore_mem>>)
        %dma_start3A_254 = arith.constant 0 : i32
        %dma_start3A_255 = arith.constant 64 : i32
        %dma_start3A_256 = arith.constant 0 : i32
        %dma_start3A_257 = tpu.memref_slice %arg10[%dma_start3A_255, %dma_start3A_256] : memref<128x128xf32, #tpu.memory_space<vmem>> -> memref<64x128xf32, #tpu.memory_space<vmem>>
        %dma_start3A_258 = arith.constant 64 : i32
        %dma_start3A_259 = tpu.memref_slice %arg6[%dma_start3A_254, %dma_start3A_258] : memref<2x128xi32, #tpu.memory_space<vmem>> -> memref<1x64xi32, #tpu.memory_space<vmem>>
        %dma_start3A_260 = tpu.memref_squeeze %dma_start3A_259 : memref<1x64xi32, #tpu.memory_space<vmem>> -> memref<64xi32, #tpu.memory_space<vmem>>
        %dma_start3A_261 = arith.constant 0 : i32
        %dma_start3A_262 = arith.constant 0 : i32
        %dma_start3A_263 = tpu.memref_slice %arg2[%dma_start3A_261, %dma_start3A_262] : memref<10000x128xf32, #tpu.memory_space<hbm>> -> memref<10000x128xf32, #tpu.memory_space<hbm>>
        tpu.enqueue_indirect_dma source(%dma_start3A_263 : memref<10000x128xf32, #tpu.memory_space<hbm>>) target(%dma_start3A_257 : memref<64x128xf32, #tpu.memory_space<vmem>>) offsets(%dma_start3A_260 : memref<64xi32, #tpu.memory_space<vmem>>) semaphore(%arg18 : memref<!tpu.dma_semaphore, #tpu.memory_space<semaphore_mem>>)
      } else {
      }
      %mul3A_226 = arith.constant 32 : i32
      %mul3A_227 = arith.muli %mul3A_226, %add3A_205 : i32
      %add3A_228 = arith.addi %add3A, %mul3A_227 : i32
      %lt3A_229 = arith.constant 2500 : i32
      %lt3A_230 = arith.cmpi slt, %add3A_228, %lt3A_229 : i32
      %convert_element_type3A_231 = arith.extui %lt3A_230 : i1 to i32
      %cond3A_232 = arith.constant 0 : i32
      %cond3A_233 = arith.cmpi ne, %convert_element_type3A_231, %cond3A_232 : i32
      scf.if %cond3A_233 {
        %dma_wait3A = arith.constant 0 : i32
        %dma_wait3A_245 = arith.constant 0 : i32
        %dma_wait3A_246 = arith.constant 0 : i32
        %dma_wait3A_247 = tpu.memref_slice %arg11[%dma_wait3A_245, %dma_wait3A_246] : memref<128x128xf32, #tpu.memory_space<vmem>> -> memref<64x128xf32, #tpu.memory_space<vmem>>
        %dma_wait3A_248 = arith.constant 0 : i32
        %dma_wait3A_249 = tpu.memref_slice %arg9[%dma_wait3A, %dma_wait3A_248] : memref<2x128xi32, #tpu.memory_space<vmem>> -> memref<1x64xi32, #tpu.memory_space<vmem>>
        %dma_wait3A_250 = tpu.memref_squeeze %dma_wait3A_249 : memref<1x64xi32, #tpu.memory_space<vmem>> -> memref<64xi32, #tpu.memory_space<vmem>>
        %dma_wait3A_251 = arith.constant 0 : i32
        %dma_wait3A_252 = arith.constant 0 : i32
        %dma_wait3A_253 = tpu.memref_slice %arg2[%dma_wait3A_251, %dma_wait3A_252] : memref<10000x128xf32, #tpu.memory_space<hbm>> -> memref<10000x128xf32, #tpu.memory_space<hbm>>
        tpu.wait_indirect_dma semaphore(%arg17 : memref<!tpu.dma_semaphore, #tpu.memory_space<semaphore_mem>>) src(%dma_wait3A_253 : memref<10000x128xf32, #tpu.memory_space<hbm>>) dst(%dma_wait3A_247 : memref<64x128xf32, #tpu.memory_space<vmem>>)
        %dma_wait3A_254 = arith.constant 0 : i32
        %dma_wait3A_255 = arith.constant 64 : i32
        %dma_wait3A_256 = arith.constant 0 : i32
        %dma_wait3A_257 = tpu.memref_slice %arg11[%dma_wait3A_255, %dma_wait3A_256] : memref<128x128xf32, #tpu.memory_space<vmem>> -> memref<64x128xf32, #tpu.memory_space<vmem>>
        %dma_wait3A_258 = arith.constant 64 : i32
        %dma_wait3A_259 = tpu.memref_slice %arg9[%dma_wait3A_254, %dma_wait3A_258] : memref<2x128xi32, #tpu.memory_space<vmem>> -> memref<1x64xi32, #tpu.memory_space<vmem>>
        %dma_wait3A_260 = tpu.memref_squeeze %dma_wait3A_259 : memref<1x64xi32, #tpu.memory_space<vmem>> -> memref<64xi32, #tpu.memory_space<vmem>>
        %dma_wait3A_261 = arith.constant 0 : i32
        %dma_wait3A_262 = arith.constant 0 : i32
        %dma_wait3A_263 = tpu.memref_slice %arg2[%dma_wait3A_261, %dma_wait3A_262] : memref<10000x128xf32, #tpu.memory_space<hbm>> -> memref<10000x128xf32, #tpu.memory_space<hbm>>
        tpu.wait_indirect_dma semaphore(%arg19 : memref<!tpu.dma_semaphore, #tpu.memory_space<semaphore_mem>>) src(%dma_wait3A_263 : memref<10000x128xf32, #tpu.memory_space<hbm>>) dst(%dma_wait3A_257 : memref<64x128xf32, #tpu.memory_space<vmem>>)
        %run_scoped3A = arith.constant 1 : i32
        "tpu.region"() ({
          %run_scoped3A_264 = tpu.sem_alloc : memref<!tpu.dma_semaphore, #tpu.memory_space<semaphore_mem>>
          %dma_start3A = arith.constant 0 : i32
          %dma_start3A_265 = tpu.memref_slice %arg9[%run_scoped3A, %dma_start3A] : memref<2x128xi32, #tpu.memory_space<vmem>> -> memref<1x128xi32, #tpu.memory_space<vmem>>
          %dma_start3A_266 = tpu.memref_squeeze %dma_start3A_265 : memref<1x128xi32, #tpu.memory_space<vmem>> -> memref<128xi32, #tpu.memory_space<vmem>>
          %dma_start3A_267 = arith.constant 0 : i32
          %dma_start3A_268 = arith.constant 0 : i32
          %dma_start3A_269 = tpu.memref_slice %arg5[%dma_start3A_267, %dma_start3A_268] : memref<10240x128xf32, #tpu.memory_space<vmem_shared>> -> memref<10240x128xf32, #tpu.memory_space<vmem_shared>>
          tpu.enqueue_indirect_dma source(%arg11 : memref<128x128xf32, #tpu.memory_space<vmem>>) target(%dma_start3A_269 : memref<10240x128xf32, #tpu.memory_space<vmem_shared>>) offsets(%dma_start3A_266 : memref<128xi32, #tpu.memory_space<vmem>>) semaphore(%run_scoped3A_264 : memref<!tpu.dma_semaphore, #tpu.memory_space<semaphore_mem>>) {add = true}
          %dma_wait3A_270 = arith.constant 0 : i32
          %dma_wait3A_271 = tpu.memref_slice %arg9[%run_scoped3A, %dma_wait3A_270] : memref<2x128xi32, #tpu.memory_space<vmem>> -> memref<1x128xi32, #tpu.memory_space<vmem>>
          %dma_wait3A_272 = tpu.memref_squeeze %dma_wait3A_271 : memref<1x128xi32, #tpu.memory_space<vmem>> -> memref<128xi32, #tpu.memory_space<vmem>>
          %dma_wait3A_273 = arith.constant 0 : i32
          %dma_wait3A_274 = arith.constant 0 : i32
          %dma_wait3A_275 = tpu.memref_slice %arg5[%dma_wait3A_273, %dma_wait3A_274] : memref<10240x128xf32, #tpu.memory_space<vmem_shared>> -> memref<10240x128xf32, #tpu.memory_space<vmem_shared>>
          tpu.wait_indirect_dma semaphore(%run_scoped3A_264 : memref<!tpu.dma_semaphore, #tpu.memory_space<semaphore_mem>>) src(%arg11 : memref<128x128xf32, #tpu.memory_space<vmem>>) dst(%dma_wait3A_275 : memref<10240x128xf32, #tpu.memory_space<vmem_shared>>)
          tpu.yield
        }) : () -> ()
      } else {
      }
      %add3A_234 = arith.constant 3 : i32
      %add3A_235 = arith.addi %add3A_205, %add3A_234 : i32
      %mul3A_236 = arith.constant 32 : i32
      %mul3A_237 = arith.muli %mul3A_236, %add3A_235 : i32
      %add3A_238 = arith.addi %add3A, %mul3A_237 : i32
      %lt3A_239 = arith.constant 2500 : i32
      %lt3A_240 = arith.cmpi slt, %add3A_238, %lt3A_239 : i32
      %convert_element_type3A_241 = arith.extui %lt3A_240 : i1 to i32
      %cond3A_242 = arith.constant 0 : i32
      %cond3A_243 = arith.cmpi ne, %convert_element_type3A_241, %cond3A_242 : i32
      scf.if %cond3A_243 {
        %dma_start3A = arith.constant 0 : i32
        %dma_start3A_245 = arith.constant 0 : i32
        %dma_start3A_246 = tpu.memref_slice %arg3[%add3A_238, %dma_start3A, %dma_start3A_245] : memref<2500x2x128xi32, #tpu.memory_space<hbm>> -> memref<1x2x128xi32, #tpu.memory_space<hbm>>
        %dma_start3A_247 = tpu.memref_squeeze %dma_start3A_246 : memref<1x2x128xi32, #tpu.memory_space<hbm>> -> memref<2x128xi32, #tpu.memory_space<hbm>>
        %dma_start3A_248 = arith.constant 0 : i32
        %dma_start3A_249 = arith.constant 0 : i32
        %dma_start3A_250 = tpu.memref_slice %arg3[%add3A_238, %dma_start3A_248, %dma_start3A_249] : memref<2500x2x128xi32, #tpu.memory_space<hbm>> -> memref<1x2x128xi32, #tpu.memory_space<hbm>>
        %dma_start3A_251 = tpu.memref_squeeze %dma_start3A_250 : memref<1x2x128xi32, #tpu.memory_space<hbm>> -> memref<2x128xi32, #tpu.memory_space<hbm>>
        tpu.enqueue_dma source(%dma_start3A_251 : memref<2x128xi32, #tpu.memory_space<hbm>>) target(%arg8 : memref<2x128xi32, #tpu.memory_space<vmem>>) target_semaphore(%arg14 : memref<!tpu.dma_semaphore, #tpu.memory_space<semaphore_mem>>)
      } else {
      }
      %scan3A_244 = arith.constant 0 : i32
      scf.yield %scan3A_244 : i32
    }
    %scan3A_65 = arith.constant 20 : i32
    %barrier3A_66 = arith.constant 0 : index
    tpu.barrier barrier_id(%barrier3A_66)
    %mul3A_67 = arith.constant 640 : i32
    %mul3A_68 = arith.muli %arg1, %mul3A_67 : i32
    %mul3A_69 = arith.constant 10240 : i32
    %mul3A_70 = arith.muli %arg0, %mul3A_69 : i32
    %mul3A_71 = arith.constant 640 : i32
    %mul3A_72 = arith.muli %arg1, %mul3A_71 : i32
    %add3A_73 = arith.addi %mul3A_70, %mul3A_72 : i32
    "tpu.region"() ({
      %run_scoped3A = tpu.sem_alloc : memref<!tpu.dma_semaphore, #tpu.memory_space<semaphore_mem>>
      %dma_start3A = arith.constant 0 : i32
      %dma_start3A_74 = tpu.memref_slice %arg4[%add3A_73, %dma_start3A] : memref<20480x128xf32, #tpu.memory_space<hbm>> -> memref<640x128xf32, #tpu.memory_space<hbm>>
      %dma_start3A_75 = arith.constant 0 : i32
      %dma_start3A_76 = tpu.memref_slice %arg5[%mul3A_68, %dma_start3A_75] : memref<10240x128xf32, #tpu.memory_space<vmem_shared>> -> memref<640x128xf32, #tpu.memory_space<vmem_shared>>
      tpu.enqueue_dma source(%dma_start3A_76 : memref<640x128xf32, #tpu.memory_space<vmem_shared>>) target(%dma_start3A_74 : memref<640x128xf32, #tpu.memory_space<hbm>>) target_semaphore(%run_scoped3A : memref<!tpu.dma_semaphore, #tpu.memory_space<semaphore_mem>>)
      %dma_wait3A = arith.constant 0 : i32
      %dma_wait3A_77 = tpu.memref_slice %arg4[%add3A_73, %dma_wait3A] : memref<20480x128xf32, #tpu.memory_space<hbm>> -> memref<640x128xf32, #tpu.memory_space<hbm>>
      %dma_wait3A_78 = arith.constant 0 : i32
      %dma_wait3A_79 = tpu.memref_slice %arg5[%mul3A_68, %dma_wait3A_78] : memref<10240x128xf32, #tpu.memory_space<vmem_shared>> -> memref<640x128xf32, #tpu.memory_space<vmem_shared>>
      tpu.wait_dma2 semaphore(%run_scoped3A : memref<!tpu.dma_semaphore, #tpu.memory_space<semaphore_mem>>) src(%dma_wait3A_79 : memref<640x128xf32, #tpu.memory_space<vmem_shared>>) dst(%dma_wait3A_77 : memref<640x128xf32, #tpu.memory_space<hbm>>)
      tpu.yield
    }) : () -> ()
    return
  }
}

module attributes {stable_mosaic.version = 14 : i64} {
  func.func @body(%arg0: i32, %arg1: memref<1000x128xf32, #tpu.memory_space<vmem>>, %arg2: memref<2x1000x1xf32, #tpu.memory_space<vmem>>, %arg3: memref<1000x128xf32, #tpu.memory_space<vmem>>) attributes {dimension_semantics = [#tpu.dimension_semantics<arbitrary>], iteration_bounds = array<i64: 10>, scalar_prefetch = 0 : i64, scratch_operands = 0 : i64, tpu.core_type = #tpu.core_type<tc>, window_params = [{transform_indices = @transform_0, window_bounds = array<i64: 1000, 128>}, {transform_indices = @transform_1, window_bounds = array<i64: 2, 1000, 1>}, {transform_indices = @transform_2, window_bounds = array<i64: 1000, 128>}]} {
    %get3A = arith.constant 0 : index
    %get3A_0 = arith.constant 0 : index
    %get3A_1 = arith.constant 0 : index
    %get3A_2 = vector.load %arg2[%get3A, %get3A_0, %get3A_1] : memref<2x1000x1xf32, #tpu.memory_space<vmem>>, vector<1x1000x1xf32>
    %get3A_3 = vector.shape_cast %get3A_2 : vector<1x1000x1xf32> to vector<1000x1xf32>
    %get3A_4 = arith.constant 1 : index
    %get3A_5 = arith.constant 0 : index
    %get3A_6 = arith.constant 0 : index
    %get3A_7 = vector.load %arg2[%get3A_4, %get3A_5, %get3A_6] : memref<2x1000x1xf32, #tpu.memory_space<vmem>>, vector<1x1000x1xf32>
    %get3A_8 = vector.shape_cast %get3A_7 : vector<1x1000x1xf32> to vector<1000x1xf32>
    %add3A = arith.addf %get3A_3, %get3A_8 : vector<1000x1xf32>
    %max3A = arith.constant 1.000000e+00 : f32
    %max3A_9 = vector.broadcast %max3A : f32 to vector<1000x1xf32>
    %max3A_10 = arith.maximumf %add3A, %max3A_9 : vector<1000x1xf32>
    %rsqrt3A = math.rsqrt %max3A_10 : vector<1000x1xf32>
    %get3A_11 = arith.constant 0 : index
    %get3A_12 = arith.constant 0 : index
    %get3A_13 = vector.load %arg1[%get3A_11, %get3A_12] : memref<1000x128xf32, #tpu.memory_space<vmem>>, vector<1000x128xf32>
    %mul3A = vector.broadcast %rsqrt3A : vector<1000x1xf32> to vector<1000x128xf32>
    %mul3A_14 = arith.mulf %get3A_13, %mul3A : vector<1000x128xf32>
    %swap3A = arith.constant 0 : index
    %swap3A_15 = arith.constant 0 : index
    %swap3A_16 = vector.load %arg3[%swap3A, %swap3A_15] : memref<1000x128xf32, #tpu.memory_space<vmem>>, vector<1000x128xf32>
    tpu.vector_store %arg3[%swap3A, %swap3A_15], %mul3A_14 {strides = array<i32>} : memref<1000x128xf32, #tpu.memory_space<vmem>>, vector<1000x128xf32>,
    return
  }
  func.func @transform_0(%arg0: i32) -> (i32, i32) {
    %c0_i32 = arith.constant 0 : i32
    %c0_i32_0 = arith.constant 0 : i32
    return %arg0, %c0_i32 : i32, i32
  }
  func.func @transform_1(%arg0: i32) -> (i32, i32, i32) {
    %c0_i32 = arith.constant 0 : i32
    %c0_i32_0 = arith.constant 0 : i32
    %c0_i32_1 = arith.constant 0 : i32
    return %c0_i32, %arg0, %c0_i32_0 : i32, i32, i32
  }
  func.func @transform_2(%arg0: i32) -> (i32, i32) {
    %c0_i32 = arith.constant 0 : i32
    %c0_i32_0 = arith.constant 0 : i32
    return %arg0, %c0_i32 : i32, i32
  }
}

module attributes {stable_mosaic.version = 14 : i64} {
  func.func @body(%arg0: i32, %arg1: memref<2x1000x128xf32, #tpu.memory_space<vmem>>, %arg2: memref<128x128xf32, #tpu.memory_space<vmem>>, %arg3: memref<1x128xf32, #tpu.memory_space<vmem>>, %arg4: memref<2x1000x1xf32, #tpu.memory_space<vmem>>, %arg5: memref<1x1xf32, #tpu.memory_space<vmem>>, %arg6: memref<1000x128xf32, #tpu.memory_space<vmem>>) attributes {dimension_semantics = [#tpu.dimension_semantics<arbitrary>], iteration_bounds = array<i64: 10>, scalar_prefetch = 0 : i64, scratch_operands = 0 : i64, tpu.core_type = #tpu.core_type<tc>, window_params = [{transform_indices = @transform_0, window_bounds = array<i64: 2, 1000, 128>}, {pipeline_mode = #tpu.pipeline_mode<synchronous>, transform_indices = @transform_1, window_bounds = array<i64: 128, 128>}, {pipeline_mode = #tpu.pipeline_mode<synchronous>, transform_indices = @transform_2, window_bounds = array<i64: 1, 128>}, {transform_indices = @transform_3, window_bounds = array<i64: 2, 1000, 1>}, {pipeline_mode = #tpu.pipeline_mode<synchronous>, transform_indices = @transform_4, window_bounds = array<i64: 1, 1>}, {transform_indices = @transform_5, window_bounds = array<i64: 1000, 128>}]} {
    %get3A = arith.constant 0 : index
    %get3A_0 = arith.constant 0 : index
    %get3A_1 = arith.constant 0 : index
    %get3A_2 = vector.load %arg1[%get3A, %get3A_0, %get3A_1] : memref<2x1000x128xf32, #tpu.memory_space<vmem>>, vector<1x1000x128xf32>
    %get3A_3 = vector.shape_cast %get3A_2 : vector<1x1000x128xf32> to vector<1000x128xf32>
    %get3A_4 = arith.constant 0 : index
    %get3A_5 = arith.constant 0 : index
    %get3A_6 = arith.constant 0 : index
    %get3A_7 = vector.load %arg4[%get3A_4, %get3A_5, %get3A_6] : memref<2x1000x1xf32, #tpu.memory_space<vmem>>, vector<1x1000x1xf32>
    %get3A_8 = vector.shape_cast %get3A_7 : vector<1x1000x1xf32> to vector<1000x1xf32>
    %get3A_9 = arith.constant 1 : index
    %get3A_10 = arith.constant 0 : index
    %get3A_11 = arith.constant 0 : index
    %get3A_12 = vector.load %arg1[%get3A_9, %get3A_10, %get3A_11] : memref<2x1000x128xf32, #tpu.memory_space<vmem>>, vector<1x1000x128xf32>
    %get3A_13 = vector.shape_cast %get3A_12 : vector<1x1000x128xf32> to vector<1000x128xf32>
    %add3A = arith.addf %get3A_3, %get3A_13 : vector<1000x128xf32>
    %get3A_14 = arith.constant 1 : index
    %get3A_15 = arith.constant 0 : index
    %get3A_16 = arith.constant 0 : index
    %get3A_17 = vector.load %arg4[%get3A_14, %get3A_15, %get3A_16] : memref<2x1000x1xf32, #tpu.memory_space<vmem>>, vector<1x1000x1xf32>
    %get3A_18 = vector.shape_cast %get3A_17 : vector<1x1000x1xf32> to vector<1000x1xf32>
    %add3A_19 = arith.addf %get3A_8, %get3A_18 : vector<1000x1xf32>
    %get3A_20 = arith.constant 0 : index
    %get3A_21 = arith.constant 0 : index
    %get3A_22 = vector.load %arg2[%get3A_20, %get3A_21] : memref<128x128xf32, #tpu.memory_space<vmem>>, vector<128x128xf32>
    %dot_general3A = arith.constant dense<0.000000e+00> : vector<1000x128xf32>
    %dot_general3A_23 = tpu.matmul %add3A, %get3A_22, %dot_general3A {dimension_numbers = #tpu.dot_dimension_numbers<[1], [0], [0], [1], [0, 0, 1, 1], [], []>, transpose_lhs_hint = false} : vector<1000x128xf32>, vector<128x128xf32>, vector<1000x128xf32> -> vector<1000x128xf32>
    %max3A = arith.constant 1.000000e+00 : f32
    %max3A_24 = vector.broadcast %max3A : f32 to vector<1000x1xf32>
    %max3A_25 = arith.maximumf %add3A_19, %max3A_24 : vector<1000x1xf32>
    %rsqrt3A = math.rsqrt %max3A_25 : vector<1000x1xf32>
    %mul3A = vector.broadcast %rsqrt3A : vector<1000x1xf32> to vector<1000x128xf32>
    %mul3A_26 = arith.mulf %dot_general3A_23, %mul3A : vector<1000x128xf32>
    %get3A_27 = arith.constant 0 : index
    %get3A_28 = arith.constant 0 : index
    %get3A_29 = vector.load %arg3[%get3A_27, %get3A_28] : memref<1x128xf32, #tpu.memory_space<vmem>>, vector<1x128xf32>
    %add3A_30 = vector.broadcast %get3A_29 : vector<1x128xf32> to vector<1000x128xf32>
    %add3A_31 = arith.addf %mul3A_26, %add3A_30 : vector<1000x128xf32>
    %get3A_32 = arith.constant 0 : index
    %get3A_33 = arith.constant 0 : index
    %get3A_34 = vector.load %arg5[%get3A_32, %get3A_33] : memref<1x1xf32, #tpu.memory_space<vmem>>, vector<1x1xf32>
    %get3A_35 = vector.extract %get3A_34[0, 0] : f32 from vector<1x1xf32>
    %gt3A = arith.constant 0.000000e+00 : f32
    %gt3A_36 = vector.broadcast %gt3A : f32 to vector<1000x128xf32>
    %gt3A_37 = arith.cmpf ogt, %add3A_31, %gt3A_36 : vector<1000x128xf32>
    %mul3A_38 = vector.broadcast %get3A_35 : f32 to vector<1000x128xf32>
    %mul3A_39 = arith.mulf %mul3A_38, %add3A_31 : vector<1000x128xf32>
    %select_n3A = arith.select %gt3A_37, %add3A_31, %mul3A_39 : vector<1000x128xi1>, vector<1000x128xf32>
    %swap3A = arith.constant 0 : index
    %swap3A_40 = arith.constant 0 : index
    %swap3A_41 = vector.load %arg6[%swap3A, %swap3A_40] : memref<1000x128xf32, #tpu.memory_space<vmem>>, vector<1000x128xf32>
    tpu.vector_store %arg6[%swap3A, %swap3A_40], %select_n3A {strides = array<i32>} : memref<1000x128xf32, #tpu.memory_space<vmem>>, vector<1000x128xf32>,
    return
  }
  func.func @transform_0(%arg0: i32) -> (i32, i32, i32) {
    %c0_i32 = arith.constant 0 : i32
    %c0_i32_0 = arith.constant 0 : i32
    %c0_i32_1 = arith.constant 0 : i32
    return %c0_i32, %arg0, %c0_i32_0 : i32, i32, i32
  }
  func.func @transform_1(%arg0: i32) -> (i32, i32) {
    %c0_i32 = arith.constant 0 : i32
    %c0_i32_0 = arith.constant 0 : i32
    %c0_i32_1 = arith.constant 0 : i32
    return %c0_i32, %c0_i32_0 : i32, i32
  }
  func.func @transform_2(%arg0: i32) -> (i32, i32) {
    %c0_i32 = arith.constant 0 : i32
    %c0_i32_0 = arith.constant 0 : i32
    %c0_i32_1 = arith.constant 0 : i32
    return %c0_i32, %c0_i32_0 : i32, i32
  }
  func.func @transform_3(%arg0: i32) -> (i32, i32, i32) {
    %c0_i32 = arith.constant 0 : i32
    %c0_i32_0 = arith.constant 0 : i32
    %c0_i32_1 = arith.constant 0 : i32
    return %c0_i32, %arg0, %c0_i32_0 : i32, i32, i32
  }
  func.func @transform_4(%arg0: i32) -> (i32, i32) {
    %c0_i32 = arith.constant 0 : i32
    %c0_i32_0 = arith.constant 0 : i32
    %c0_i32_1 = arith.constant 0 : i32
    return %c0_i32, %c0_i32_0 : i32, i32
  }
  func.func @transform_5(%arg0: i32) -> (i32, i32) {
    %c0_i32 = arith.constant 0 : i32
    %c0_i32_0 = arith.constant 0 : i32
    return %arg0, %c0_i32 : i32, i32
  }
}

</mosaic_0001>

<sc_bundles>
// kernel: kernel.6.cloned.1.call-start
scs
__scs_entry_jumppad:
0x0: {  	(pc) =	sbr.rel $0x88, $3  }
0x1: {  	(tag) =	ssettag $0x0;
	lr =	simm.s32 $0x1  }
0x2: {  	[smem:$0x3F9C] =	sst lr;
	_ =	strace $0xD0000000  }
0x3: {  	_ = 	snop  }
0x4: {  	_ = 	snop  }
0x5: {  	_ = 	snop  }
0x6: {  	_ = 	snop  }
0x7: {  	_ = 	snop  }
__scs_overlays_trampoline_lowered:
0x8: {  	[smem:$0x3FAB] =	sst s0  }
0x9: {  	[smem:$0x3FAC] =	sst s1  }
0xa: {  	[smem:$0x3FAD] =	sst s2  }
0xb: {  	[smem:$0x3FAE] =	sst s3  }
0xc: {  	[smem:$0x3FAF] =	sst s4  }
0xd: {  	[smem:$0x3FB0] =	sst s5  }
0xe: {  	[smem:$0x3FB1] =	sst s6  }
0xf: {  	[smem:$0x3FB2] =	sst s7  }
0x10: {  	[smem:$0x3FB3] =	sst s8  }
0x11: {  	[smem:$0x3FB4] =	sst s9;
	s0 =	simm.s32 @!p0 $0x0  }
0x12: {  	s1 =	sld [smem:$0x3F9A];
	s0 =	simm.s32 @p0 $0x1  }
0x13: {  	[smem:$0x3FB5] =	sst s0;
	s0 =	simm.s32 @!p1 $0x0  }
0x14: {  	s2 =	sld [smem:$0x3F99];
	s0 =	simm.s32 @p1 $0x1  }
0x15: {  	[smem:$0x3FB6] =	sst s0;
	s0 =	simm.s32 @!p2 $0x0  }
0x16: {  	s3 =	sld [smem:$0x3FDB];
	s0 =	simm.s32 @p2 $0x1  }
0x17: {  	s4 =	simm.s32 $0x1BF5;
	[smem:$0x3FB8] =	sst s0  }
0x18: {  	s0 =	sld [smem:$0x3F9B];
	_ =	swait.ge [sflag:s4], $0x0  }
0x19: {  	s7 =	sld [smem:$0x3F9C]  }
0x1a: {  	s8 =	sadd.s32 $0xFFFFE003, lr  }
0x1b: {  	s9 =	sadd.s32 $0xFFFFFEF7, lr;
	s5 =	simm.s32 $0xFFFFFFFF;
	p2 =	slt.u32 s8, $0xFFFFF086  }
0x1c: {  	p1 =	slt.u32 s9, $0xF7A;
	s5 =	simm.s32 @!p2 $0x0  }
0x1d: {  	s5 =	simm.s32 @p1 $0x1;
	p0 =	seq.s32 s7, s2  }
0x1e: {  	s7 =	smul.u32 @!p0 $0xF7A, s2;
	p2 =	seq.s32 @!p0 s5, $0x0  }
0x1f: {  	s9 =	smul.u32 $0xF7A, s1;
	s8 =	simm.s32 @!p0 $0x1BF5;
	p2 =	por !p2, p0  }
0x20: {  	[sflag:s8] =	ssyncset.s32 @!p0 $0xFFFFF086;
	s6 =	sadd.s32 @!p0 s3, s7;
	s7 =	simm.s32 @!p0 $0x108  }
0x21: {  	s3 =	sadd.s32 s3, s9;
	s6 =	sadd.s32 @!p0 $0x88, s6;
	s7 =	simm.s32 @p2 $0x1082  }
0x22: {  	[simem:s7], [sflag:s8] =	dma.local @!p0 [hbm:s6], $0xF7A  }
0x23: {  	s9 =	sor.u32 $0xD0000000, s2;
	s6 =	simm.s32 $0x108;
	_ =	swait.ge @!p0 [sflag:s8], $0x0  }
0x24: {  	s3 =	sadd.s32 $0x88, s3;
	s6 =	simm.s32 @!p1 $0x1082;
	[sflag:s4] =	ssyncset.s32 $0xFFFFF086  }
0x25: {  	[simem:s6], [sflag:s4] =	dma.local [hbm:s3], $0xF7A  }
0x26: {  	[smem:$0x3F9C] =	sst s1;
	(tag) =	ssettag s2;
	_ =	strace s9  }
0x27: {  	s1 =	sld [smem:$0x3FAC]  }
0x28: {  	s2 =	sld [smem:$0x3FAD]  }
0x29: {  	s4 =	sld [smem:$0x3FAF]  }
0x2a: {  	p0 =	seq.s32 s5, $0x0;
	s5 =	sld [smem:$0x3FB0]  }
0x2b: {  	s6 =	sld [smem:$0x3FB1]  }
0x2c: {  	s7 =	sld [smem:$0x3FB2]  }
0x2d: {  	s3 =	simm.s32 $0x108;
	s8 =	sld [smem:$0x3FB3]  }
0x2e: {  	s3 =	simm.s32 @!p0 $0x1082;
	s9 =	sld [smem:$0x3FB4]  }
0x2f: {  	lr =	sadd.s32 s0, s3;
	s0 =	sld [smem:$0x3FAB]  }
0x30: {  	s3 =	sld [smem:$0x3FAE]  }
0x31: {  	[smem:$0x3FB7] =	sst s10  }
0x32: {  	s10 =	sld [smem:$0x3FB5];
	_ =	sdelay $0x3  }
0x33: {  	p0 =	seq.s32 s10, $0x1;
	s10 =	sld [smem:$0x3FB7];
	_ =	sdelay $0x3  }
0x34: {  	[smem:$0x3FB7] =	sst s10  }
0x35: {  	s10 =	sld [smem:$0x3FB6];
	_ =	sdelay $0x3  }
0x36: {  	p1 =	seq.s32 s10, $0x1;
	s10 =	sld [smem:$0x3FB7];
	_ =	sdelay $0x3  }
0x37: {  	[smem:$0x3FB7] =	sst s10  }
0x38: {  	s10 =	sld [smem:$0x3FB8]  }
0x39: {  	_ = 	snop;
	(pc) =	sbr.ind lr, $3  }
0x3a: {  	_ = 	snop  }
0x3b: {  	_ = 	snop  }
0x3c: {  	p2 =	seq.s32 s10, $0x1;
	s10 =	sld [smem:$0x3FB7]  }
0x3d: {  	_ =	shalt  }
0x3e: {  	_ =	shalt  }
0x3f: {  	_ =	shalt  }
0x40: {  	_ =	shalt  }
0x41: {  	_ =	shalt  }
0x42: {  	_ =	shalt  }
0x43: {  	_ =	shalt  }
0x44: {  	_ =	shalt  }
0x45: {  	_ =	shalt  }
0x46: {  	_ =	shalt  }
0x47: {  	_ =	shalt  }
0x48: {  	_ =	shalt  }
0x49: {  	_ =	shalt  }
0x4a: {  	_ =	shalt  }
0x4b: {  	_ =	shalt  }
0x4c: {  	_ =	shalt  }
0x4d: {  	_ =	shalt  }
0x4e: {  	_ =	shalt  }
0x4f: {  	_ =	shalt  }
0x50: {  	_ =	shalt  }
0x51: {  	_ =	shalt  }
0x52: {  	_ =	shalt  }
0x53: {  	_ =	shalt  }
0x54: {  	_ =	shalt  }
0x55: {  	_ =	shalt  }
0x56: {  	_ =	shalt  }
0x57: {  	_ =	shalt  }
0x58: {  	_ =	shalt  }
0x59: {  	_ =	shalt  }
0x5a: {  	_ =	shalt  }
0x5b: {  	_ =	shalt  }
0x5c: {  	_ =	shalt  }
0x5d: {  	_ =	shalt  }
0x5e: {  	_ =	shalt  }
0x5f: {  	_ =	shalt  }
0x60: {  	_ =	shalt  }
0x61: {  	_ =	shalt  }
0x62: {  	_ =	shalt  }
0x63: {  	_ =	shalt  }
0x64: {  	_ =	shalt  }
0x65: {  	_ =	shalt  }
0x66: {  	_ =	shalt  }
0x67: {  	_ =	shalt  }
0x68: {  	_ =	shalt  }
0x69: {  	_ =	shalt  }
0x6a: {  	_ =	shalt  }
0x6b: {  	_ =	shalt  }
0x6c: {  	_ =	shalt  }
0x6d: {  	_ =	shalt  }
0x6e: {  	_ =	shalt  }
0x6f: {  	_ =	shalt  }
0x70: {  	_ =	shalt  }
0x71: {  	_ =	shalt  }
0x72: {  	_ =	shalt  }
0x73: {  	_ =	shalt  }
0x74: {  	_ =	shalt  }
0x75: {  	_ =	shalt  }
0x76: {  	_ =	shalt  }
0x77: {  	_ =	shalt  }
0x78: {  	_ =	shalt  }
0x79: {  	_ =	shalt  }
0x7a: {  	_ =	shalt  }
0x7b: {  	_ =	shalt  }
0x7c: {  	_ =	shalt  }
0x7d: {  	_ =	shalt  }
0x7e: {  	_ =	shalt  }
0x7f: {  	_ =	shalt  }
0x80: {  	_ =	shalt  }
0x81: {  	_ =	shalt  }
0x82: {  	_ =	shalt  }
0x83: {  	_ =	shalt  }
0x84: {  	_ =	shalt  }
0x85: {  	_ =	shalt  }
0x86: {  	_ =	shalt  }
0x87: {  	_ =	shalt  }
.Lfunc_end0:
.L_simem_size_0:
called_computation_lowered:
.L_overlay_start_0:
0x88: {  	s2 =	sld [smem:$0x3FD9]  }
0x89: {  	s3 =	sld [smem:$0x3FFE];
	_ =	sdelay $0x1  }
0x8a: {  	s1 =	srdreg.scid  }
0x8b: {  	s0 =	sand.u32 $0x1, s1  }
0x8c: {  	s17 =	sshll.u32 s0, $0xA;
	s2 =	sadd.s32 s3, s2  }
0x8d: {  	s2 =	sadd.s32 s2, s17  }
0x8e: {  	[smem:$0x3FC3] =	sst s2  }
0x8f: {  	_ = 	snop  }
0x90: {  	s2 =	sld [smem:$0x3FD0];
	(tm) =	ssettm $0x1  }
0x91: {  	s18 =	sld [smem:$0x3FFB];
	_ =	sdelay $0x3  }
0x92: {  	_ =	strace s18  }
0x93: {  	s3 =	sld [smem:$0x3FFC];
	_ =	sdelay $0x3  }
0x94: {  	_ =	strace s3  }
0x95: {  	s3 =	sld [smem:$0x3FFD];
	_ =	sdelay $0x3  }
0x96: {  	_ =	strace s3  }
0x97: {  	_ =	strace $0x8FFFFFFF  }
0x98: {  	s19 =	sld [smem:$0x3FDB];
	_ =	sdelay $0x1  }
0x99: {  	s4 =	simm.s32 $_scs_section_size  }
0x9a: {  	s5 =	simm.s32 $_size__tile_overlayer_lowered;
	s6 =	simm.s32 $_tile_overlayer_lowered  }
0x9b: {  	s22 =	simm.s32 $0x1BFF;
	s21 =	sshll.u32 s6, $0x1;
	s3 =	sadd.s32 s4, s19  }
0x9c: {  	s7 =	simm.s32 $0x0;
	s20 =	sshll.u32 s5, $0x1;
	s5 =	sadd.s32 s21, s3  }
0x9d: {  	[timem:s7], [sflag:s22] =	dma.local [hbm:s5], s20  }
0x9e: {  	_ =	swait.ge [sflag:s22], s20  }
0x9f: {  	s4 =	ssub.s32 $0x0, s20;
	[sflag:s22] =	ssyncset.done $0x0  }
0xa0: {  	[sflag:s22] =	ssyncadd.s32 s4;
	_ =	sdelay $0x1  }
0xa1: {  	s23 =	simm.s32 $0x1B8B  }
0xa2: {  	_ =	swait.ge [sflag:s23], $0x1  }
0xa3: {  	[sflag:s23] =	ssyncset.done $0x0  }
0xa4: {  	s25 =	simm.s32 $0x1B8E;
	s24 =	sld [smem:$0x3FFE];
	[sflag:s23] =	ssyncadd.s32 $0xFFFFFFFF  }
0xa5: {  	s26 =	simm.s32 $execute0_lowered;
	[smem:$0x3FD2] =	sst s25  }
0xa6: {  	s5 =	sshll.u32 s26, $0x1;
	_ =	strace $0x80000046;
	[dreg:$0x1] =	wrdreg $0xFFFFFFFF  }
0xa7: {  	s28 =	simm.s32 $_size_execute0_lowered;
	s3 =	sadd.s32 s3, s5;
	[dreg:$0x0] =	wrdreg $0x0  }
0xa8: {  	s5 =	sshll.u32 s28, $0x1;
	[dreg:$0x2] =	wrdreg s3  }
0xa9: {  	[dreg:$0x3] =	wrdreg s5  }
0xaa: {  	[dreg:$0x4] =	wrdreg $0xC0  }
0xab: {  	_ =	task [dreg:s7], $0x5FFFF  }
0xac: {  	[dreg:$0x1] =	wrdreg $0xFFFFFFFF  }
0xad: {  	[dreg:$0x0] =	wrdreg $0x60  }
0xae: {  	[dreg:$0x2] =	wrdreg s2  }
0xaf: {  	[dreg:$0x3] =	wrdreg s24  }
0xb0: {  	[dreg:$0x4] =	wrdreg $0x0  }
0xb1: {  	[dreg:$0x5] =	wrdreg $0x2800  }
0xb2: {  	[dreg:$0x6] =	wrdreg $0x9  }
0xb3: {  	_ =	task.clear_ibuf [dreg:s7], $0x7FFFF;
	_ =	strace $0x90000046  }
0xb4: {  	s29 =	simm.s32 $0x9;
	_ =	strace $0x80000048  }
0xb5: {  	_ =	swait.ge [sflag:s29], $0x1  }
0xb6: {  	[sflag:s29] =	ssyncadd.s32 $0xFFFFFFFF  }
0xb7: {  	_ =	strace $0x90000048  }
0xb8: {  	_ =	sfence  }
0xb9: {  	s30 =	sld [smem:$0x0];
	_ =	sdelay $0x2  }
0xba: {  	s31 =	sshll.u32 s1, $0xD;
	s1 =	sshrl.u32 s1, $0x2  }
0xbb: {  	s3 =	sand.u32 $0x4000, s31;
	s1 =	sadd.s32 s1, s30  }
0xbc: {  	s0 =	sor.u32 s3, s0;
	s1 =	sshll.u32 s1, $0x11  }
0xbd: {  	s0 =	sor.u32 s1, s0  }
0xbe: {  	s0 =	sadd.s32 $0x8F2B, s0  }
0xbf: {  	[sflag:s0] =	ssyncadd.remote.s32 $0x1  }
0xc0: {  	_ =	sfence.sel $0xFFFF  }
0xc1: {  	[dreg:$0x0] =	wrdreg $0xFFFFFFFF;
	(pc) =	sbr.abs _section_cstart, $3  }
0xc2: {  	[dreg:$0x1] =	wrdreg $0xFFFFFFFF  }
0xc3: {  	_ =	task.clear_ibuf [dreg:s7], $0x2FFFF;
	_ =	strace $0x9FFFFFFF  }
0xc4: {  	(tm) =	ssettm $0x7FFFFFFF  }
0xc5: {  	_ =	shalt  }
tec
execute0_lowered:
.L_overlay_start_1:
0x0: {  	(tag) =	ssettag $0x1  }
0x1: {  	s5 =	rddreg [dreg:$0x0]  }
0x2: {  	s24 =	rddreg [dreg:$0x1]  }
0x3: {  	s1 =	rddreg [dreg:$0x2];
	s3 =	simm.s32 $0x0  }
0x4: {  	v0 =	vimm.f32 $0.0e+00;
	[smem:$0x7FF] =	sst s3  }
0x5: {  	s2 =	rddreg [dreg:$0x3];
	_ =	strace $0x80000047;
	[tilespmem:$0x2D20] =	vst v0  }
0x6: {  	[tilespmem:$0x2D30] =	vst v0  }
0x7: {  	[tilespmem:$0x2D40] =	vst v0  }
0x8: {  	[tilespmem:$0x2D50] =	vst v0  }
0x9: {  	[tilespmem:$0x2D60] =	vst v0  }
0xa: {  	[tilespmem:$0x2D70] =	vst v0  }
0xb: {  	[tilespmem:$0x2D80] =	vst v0  }
0xc: {  	[tilespmem:$0x2D90] =	vst v0  }
0xd: {  	[tilespmem:$0x2DA0] =	vst v0  }
0xe: {  	[tilespmem:$0x2DB0] =	vst v0  }
0xf: {  	[tilespmem:$0x2DC0] =	vst v0  }
0x10: {  	v1 =	vimm.f32 $1.000000000e+00;
	[tilespmem:$0x2D00] =	vst v0  }
0x11: {  	[tilespmem:$0x2CC0] =	vst v1  }
0x12: {  	[tilespmem:$0x2CB0] =	vst v1  }
0x13: {  	[tilespmem:$0x2CA0] =	vst v1  }
0x14: {  	[tilespmem:$0x2C90] =	vst v1  }
0x15: {  	[tilespmem:$0x2C80] =	vst v1  }
0x16: {  	[tilespmem:$0x2C70] =	vst v1  }
0x17: {  	[tilespmem:$0x2C60] =	vst v1  }
0x18: {  	[tilespmem:$0x2C50] =	vst v1  }
0x19: {  	[tilespmem:$0x2C40] =	vst v1  }
0x1a: {  	[tilespmem:$0x2C30] =	vst v1  }
0x1b: {  	[tilespmem:$0x2C20] =	vst v1  }
0x1c: {  	[tilespmem:$0x2C10] =	vst v1  }
0x1d: {  	[tilespmem:$0x2C00] =	vst v1  }
0x1e: {  	[tilespmem:$0x2BF0] =	vst v1  }
0x1f: {  	[tilespmem:$0x2BE0] =	vst v1  }
0x20: {  	[tilespmem:$0x2BD0] =	vst v1  }
0x21: {  	[tilespmem:$0x2BC0] =	vst v1  }
0x22: {  	[tilespmem:$0x2BB0] =	vst v1  }
0x23: {  	[tilespmem:$0x2BA0] =	vst v1  }
0x24: {  	[tilespmem:$0x2B90] =	vst v1  }
0x25: {  	[tilespmem:$0x2B80] =	vst v1  }
0x26: {  	[tilespmem:$0x2B70] =	vst v1  }
0x27: {  	[tilespmem:$0x2B60] =	vst v1  }
0x28: {  	[tilespmem:$0x2B50] =	vst v1  }
0x29: {  	[tilespmem:$0x2B40] =	vst v1  }
0x2a: {  	[tilespmem:$0x2B30] =	vst v1  }
0x2b: {  	[tilespmem:$0x2B20] =	vst v1  }
0x2c: {  	[tilespmem:$0x2B10] =	vst v1  }
0x2d: {  	[tilespmem:$0x2B00] =	vst v1  }
0x2e: {  	[tilespmem:$0x2AF0] =	vst v1  }
0x2f: {  	[tilespmem:$0x2AE0] =	vst v1  }
0x30: {  	[tilespmem:$0x2AD0] =	vst v1  }
0x31: {  	[tilespmem:$0x2AC0] =	vst v1  }
0x32: {  	[tilespmem:$0x2AB0] =	vst v1  }
0x33: {  	[tilespmem:$0x2AA0] =	vst v1  }
0x34: {  	[tilespmem:$0x2A90] =	vst v1  }
0x35: {  	[tilespmem:$0x2A80] =	vst v1  }
0x36: {  	[tilespmem:$0x2A70] =	vst v1  }
0x37: {  	[tilespmem:$0x2A60] =	vst v1  }
0x38: {  	[tilespmem:$0x2A50] =	vst v1  }
0x39: {  	[tilespmem:$0x2A40] =	vst v1  }
0x3a: {  	[tilespmem:$0x2A30] =	vst v1  }
0x3b: {  	[tilespmem:$0x2A20] =	vst v1  }
0x3c: {  	[tilespmem:$0x2A10] =	vst v1  }
0x3d: {  	[tilespmem:$0x2A00] =	vst v1  }
0x3e: {  	[tilespmem:$0x29F0] =	vst v1  }
0x3f: {  	[tilespmem:$0x29E0] =	vst v1  }
0x40: {  	[tilespmem:$0x29D0] =	vst v1  }
0x41: {  	[tilespmem:$0x29C0] =	vst v1  }
0x42: {  	[tilespmem:$0x29B0] =	vst v1  }
0x43: {  	[tilespmem:$0x29A0] =	vst v1  }
0x44: {  	[tilespmem:$0x2990] =	vst v1  }
0x45: {  	[tilespmem:$0x2980] =	vst v1  }
0x46: {  	[tilespmem:$0x2970] =	vst v1  }
0x47: {  	[tilespmem:$0x2960] =	vst v1  }
0x48: {  	[tilespmem:$0x2950] =	vst v1  }
0x49: {  	[tilespmem:$0x2940] =	vst v1  }
0x4a: {  	[tilespmem:$0x2930] =	vst v1  }
0x4b: {  	[tilespmem:$0x2920] =	vst v1  }
0x4c: {  	[tilespmem:$0x2910] =	vst v1  }
0x4d: {  	[tilespmem:$0x2900] =	vst v1  }
0x4e: {  	[tilespmem:$0x28F0] =	vst v1  }
0x4f: {  	[tilespmem:$0x28E0] =	vst v1  }
0x50: {  	[tilespmem:$0x28D0] =	vst v1  }
0x51: {  	[tilespmem:$0x28C0] =	vst v1  }
0x52: {  	[tilespmem:$0x28B0] =	vst v1  }
0x53: {  	[tilespmem:$0x28A0] =	vst v1  }
0x54: {  	[tilespmem:$0x2890] =	vst v1  }
0x55: {  	[tilespmem:$0x2880] =	vst v1  }
0x56: {  	[tilespmem:$0x2870] =	vst v1  }
0x57: {  	[tilespmem:$0x2860] =	vst v1  }
0x58: {  	[tilespmem:$0x2850] =	vst v1  }
0x59: {  	[tilespmem:$0x2840] =	vst v1  }
0x5a: {  	[tilespmem:$0x2830] =	vst v1  }
0x5b: {  	[tilespmem:$0x2820] =	vst v1  }
0x5c: {  	[tilespmem:$0x2810] =	vst v1  }
0x5d: {  	[tilespmem:$0x2800] =	vst v1  }
0x5e: {  	[tilespmem:$0x27F0] =	vst v1  }
0x5f: {  	[tilespmem:$0x27E0] =	vst v1  }
0x60: {  	[tilespmem:$0x27D0] =	vst v1  }
0x61: {  	[tilespmem:$0x27C0] =	vst v1  }
0x62: {  	[tilespmem:$0x27B0] =	vst v1  }
0x63: {  	[tilespmem:$0x27A0] =	vst v1  }
0x64: {  	[tilespmem:$0x2790] =	vst v1  }
0x65: {  	[tilespmem:$0x2780] =	vst v1  }
0x66: {  	[tilespmem:$0x2770] =	vst v1  }
0x67: {  	[tilespmem:$0x2760] =	vst v1  }
0x68: {  	[tilespmem:$0x2750] =	vst v1  }
0x69: {  	[tilespmem:$0x2740] =	vst v1  }
0x6a: {  	[tilespmem:$0x2730] =	vst v1  }
0x6b: {  	[tilespmem:$0x2720] =	vst v1  }
0x6c: {  	[tilespmem:$0x2710] =	vst v1  }
0x6d: {  	[tilespmem:$0x2700] =	vst v1  }
0x6e: {  	[tilespmem:$0x26F0] =	vst v1  }
0x6f: {  	[tilespmem:$0x26E0] =	vst v1  }
0x70: {  	[tilespmem:$0x26D0] =	vst v1  }
0x71: {  	[tilespmem:$0x26C0] =	vst v1  }
0x72: {  	[tilespmem:$0x26B0] =	vst v1  }
0x73: {  	[tilespmem:$0x26A0] =	vst v1  }
0x74: {  	[tilespmem:$0x2690] =	vst v1  }
0x75: {  	[tilespmem:$0x2680] =	vst v1  }
0x76: {  	[tilespmem:$0x2670] =	vst v1  }
0x77: {  	[tilespmem:$0x2660] =	vst v1  }
0x78: {  	[tilespmem:$0x2650] =	vst v1  }
0x79: {  	[tilespmem:$0x2640] =	vst v1  }
0x7a: {  	[tilespmem:$0x2630] =	vst v1  }
0x7b: {  	[tilespmem:$0x2620] =	vst v1  }
0x7c: {  	[tilespmem:$0x2610] =	vst v1  }
0x7d: {  	[tilespmem:$0x2600] =	vst v1  }
0x7e: {  	[tilespmem:$0x25F0] =	vst v1  }
0x7f: {  	[tilespmem:$0x25E0] =	vst v1  }
0x80: {  	[tilespmem:$0x25D0] =	vst v1  }
0x81: {  	[tilespmem:$0x25C0] =	vst v1  }
0x82: {  	[tilespmem:$0x25B0] =	vst v1  }
0x83: {  	[tilespmem:$0x25A0] =	vst v1  }
0x84: {  	[tilespmem:$0x2590] =	vst v1  }
0x85: {  	[tilespmem:$0x2580] =	vst v1  }
0x86: {  	[tilespmem:$0x2570] =	vst v1  }
0x87: {  	[tilespmem:$0x2560] =	vst v1  }
0x88: {  	[tilespmem:$0x2550] =	vst v1  }
0x89: {  	[tilespmem:$0x2540] =	vst v1  }
0x8a: {  	[tilespmem:$0x2530] =	vst v1  }
0x8b: {  	[tilespmem:$0x2520] =	vst v1  }
0x8c: {  	[tilespmem:$0x2510] =	vst v1  }
0x8d: {  	[tilespmem:$0x2500] =	vst v1  }
0x8e: {  	[tilespmem:$0x2F70] =	vst v0  }
0x8f: {  	[tilespmem:$0x2F60] =	vst v0  }
0x90: {  	[tilespmem:$0x2F50] =	vst v0  }
0x91: {  	[tilespmem:$0x2F40] =	vst v0  }
0x92: {  	[tilespmem:$0x2F30] =	vst v0  }
0x93: {  	[tilespmem:$0x2F20] =	vst v0  }
0x94: {  	[tilespmem:$0x2F10] =	vst v0  }
0x95: {  	[tilespmem:$0x2F00] =	vst v0  }
0x96: {  	[tilespmem:$0x2EF0] =	vst v0  }
0x97: {  	[tilespmem:$0x2EE0] =	vst v0  }
0x98: {  	[tilespmem:$0x2ED0] =	vst v0  }
0x99: {  	[tilespmem:$0x2EC0] =	vst v0  }
0x9a: {  	[tilespmem:$0x2EB0] =	vst v0  }
0x9b: {  	[tilespmem:$0x2EA0] =	vst v0  }
0x9c: {  	s4 =	srdreg.scid;
	[tilespmem:$0x2E90] =	vst v0  }
0x9d: {  	s25 =	sand.u32 $0x1, s4;
	[tilespmem:$0x2E80] =	vst v0  }
0x9e: {  	s4 =	stileid.u32;
	s6 =	sshll.u32 s25, $0x4;
	[tilespmem:$0x2E70] =	vst v0  }
0x9f: {  	[tilespmem:$0x2E60] =	vst v0;
	s6 =	sor.u32 s4, s6  }
0xa0: {  	[tilespmem:$0x2E50] =	vst v0;
	s6 =	smul.u32 $0x2710, s6  }
0xa1: {  	[tilespmem:$0x2E40] =	vst v0  }
0xa2: {  	[tilespmem:$0x2E30] =	vst v0;
	s6 =	sshrl.u32 s6, $0x3  }
0xa3: {  	[tilespmem:$0x2E20] =	vst v0;
	s5 =	sadd.s32 s5, s6  }
0xa4: {  	[tilespmem:$0x2E10] =	vst v0;
	s6 =	sadd.s32 $0x9C40, s5  }
0xa5: {  	[tilespmem:$0x2E00] =	vst v0;
	s21 =	sadd.s32 $0xFA, s5;
	[dreg:$0x5] =	wrdreg s6  }
0xa6: {  	[tilespmem:$0x2DF0] =	vst v0;
	s22 =	sadd.s32 $0x9D3A, s5;
	[dreg:$0x6] =	wrdreg s21  }
0xa7: {  	s26 =	smul.u32 $0x280, s4;
	[tilespmem:$0x2DE0] =	vst v0;
	s7 =	sadd.s32 $0x1F4, s5;
	[dreg:$0x7] =	wrdreg s22  }
0xa8: {  	s8 =	simm.s32 $0x2D00;
	[tilespmem:$0x2DD0] =	vst v0;
	s23 =	sadd.s32 $0x9E34, s5;
	[dreg:$0x8] =	wrdreg s7  }
0xa9: {  	[tilespmem:$0x2D10] =	vst v0;
	s6 =	sadd.s32 s26, s1;
	[dreg:$0x9] =	wrdreg s23;
	s7 =	simm.s32 $0x5  }
0xaa: {  	[spmem:s6] =	stream.linear.scatter [tilespmem:s8], [sflag:$0x5], $0x280, $0x38;
	[tilespmem:$0x2F80] =	vst v63  }
0xab: {  	_ =	swait.ge [sflag:s7], $0x280  }
0xac: {  	[sflag:s7] =	ssyncset.done $0x0  }
0xad: {  	s9 =	sadd.s32 s26, s2;
	[sflag:s7] =	ssyncadd.s32 $0xFFFFFD80  }
0xae: {  	[spmem:s9] =	stream.linear.scatter [tilespmem:s8], [sflag:$0x5], $0x280, $0x38;
	[tilespmem:$0x2F80] =	vst v63  }
0xaf: {  	_ =	swait.ge [sflag:s7], $0x280  }
0xb0: {  	[sflag:s7] =	ssyncset.done $0x0  }
0xb1: {  	[sflag:s7] =	ssyncadd.s32 $0xFFFFFD80  }
0xb2: {  	s10 =	simm.s32 $0x500;
	[bflag:$0x0] =	sbarrier.arrive $0xFFFF  }
0xb3: {  	[tilespmem:s10], [sflag:$0x1] =	stream.linear.gather [hbm4b:s5+s3], $0x7D0, $0x38;
	[tilespmem:$0x2F80] =	vst v63  }
0xb4: {  	s11 =	simm.s32 $0x1500;
	s12 =	rddreg [dreg:$0x5]  }
0xb5: {  	[tilespmem:s11], [sflag:$0x3] =	stream.linear.gather [hbm4b:s12+s3], $0x7D0, $0x38;
	[tilespmem:$0x2F80] =	vst v63  }
0xb6: {  	s13 =	rddreg [dreg:$0x6];
	s12 =	simm.s32 $0xD00  }
0xb7: {  	[tilespmem:s12], [sflag:$0x2] =	stream.linear.gather [hbm4b:s13+s3], $0x7D0, $0x38;
	[tilespmem:$0x2F80] =	vst v63  }
0xb8: {  	s14 =	simm.s32 $0x1;
	s15 =	rddreg [dreg:$0x7];
	s13 =	simm.s32 $0x1D00  }
0xb9: {  	[tilespmem:s13], [sflag:$0x4] =	stream.linear.gather [hbm4b:s15+s3], $0x7D0, $0x38;
	[tilespmem:$0x2F80] =	vst v63  }
0xba: {  	_ =	swait.ge [sflag:s14], $0x7D0  }
0xbb: {  	[sflag:s14] =	ssyncset.done $0x0  }
0xbc: {  	s15 =	simm.s32 $0x3;
	[sflag:s14] =	ssyncadd.s32 $0xFFFFF830  }
0xbd: {  	_ =	swait.ge [sflag:s15], $0x7D0  }
0xbe: {  	[sflag:s15] =	ssyncset.done $0x0  }
0xbf: {  	s16 =	simm.s32 $0x7D0;
	s17 =	simm.s32 $0x2500;
	[sflag:s15] =	ssyncadd.s32 $0xFFFFF830  }
0xc0: {  	[spmem:s1] =	stream.indirect.scatter.add.f32 [tilespmem:s17], [sflag:$0x5], $0x1, s10, s16, $0xb8;
	[tilespmem:$0x2F80] =	vst v63  }
0xc1: {  	_ =	swait.ge [sflag:s7], $0x7D0  }
0xc2: {  	[sflag:s7] =	ssyncset.done $0x0  }
0xc3: {  	[sflag:s7] =	ssyncadd.s32 $0xFFFFF830  }
0xc4: {  	[spmem:s2] =	stream.indirect.scatter.add.f32 [tilespmem:s17], [sflag:$0x5], $0x1, s11, s16, $0xb8;
	[tilespmem:$0x2F80] =	vst v63  }
0xc5: {  	_ =	swait.ge [sflag:s7], $0x7D0  }
0xc6: {  	[sflag:s7] =	ssyncset.done $0x0  }
0xc7: {  	s18 =	rddreg [dreg:$0x8];
	[sflag:s7] =	ssyncadd.s32 $0xFFFFF830  }
0xc8: {  	[tilespmem:s10], [sflag:$0x1] =	stream.linear.gather [hbm4b:s18+s3], $0x7D0, $0x38;
	[tilespmem:$0x2F80] =	vst v63  }
0xc9: {  	s19 =	rddreg [dreg:$0x9];
	s18 =	simm.s32 $0x2  }
0xca: {  	[tilespmem:s11], [sflag:$0x3] =	stream.linear.gather [hbm4b:s19+s3], $0x7D0, $0x38;
	[tilespmem:$0x2F80] =	vst v63  }
0xcb: {  	_ =	swait.ge [sflag:s18], $0x7D0  }
0xcc: {  	[sflag:s18] =	ssyncset.done $0x0  }
0xcd: {  	s19 =	simm.s32 $0x4;
	[sflag:s18] =	ssyncadd.s32 $0xFFFFF830  }
0xce: {  	_ =	swait.ge [sflag:s19], $0x7D0  }
0xcf: {  	[sflag:s19] =	ssyncset.done $0x0  }
0xd0: {  	[sflag:s19] =	ssyncadd.s32 $0xFFFFF830  }
0xd1: {  	[spmem:s1] =	stream.indirect.scatter.add.f32 [tilespmem:s17], [sflag:$0x5], $0x1, s12, s16, $0xb8;
	[tilespmem:$0x2F80] =	vst v63  }
0xd2: {  	_ =	swait.ge [sflag:s7], $0x7D0  }
0xd3: {  	[sflag:s7] =	ssyncset.done $0x0  }
0xd4: {  	[sflag:s7] =	ssyncadd.s32 $0xFFFFF830  }
0xd5: {  	[spmem:s2] =	stream.indirect.scatter.add.f32 [tilespmem:s17], [sflag:$0x5], $0x1, s13, s16, $0xb8;
	[tilespmem:$0x2F80] =	vst v63  }
0xd6: {  	_ =	swait.ge [sflag:s7], $0x7D0  }
0xd7: {  	[sflag:s7] =	ssyncset.done $0x0  }
0xd8: {  	s20 =	sadd.s32 $0x2EE, s5;
	[sflag:s7] =	ssyncadd.s32 $0xFFFFF830  }
0xd9: {  	[tilespmem:s12], [sflag:$0x2] =	stream.linear.gather [hbm4b:s20+s3], $0x7D0, $0x38;
	[tilespmem:$0x2F80] =	vst v63  }
0xda: {  	s21 =	sadd.s32 $0x9F2E, s5  }
0xdb: {  	[tilespmem:s13], [sflag:$0x4] =	stream.linear.gather [hbm4b:s21+s3], $0x7D0, $0x38;
	[tilespmem:$0x2F80] =	vst v63  }
0xdc: {  	_ =	swait.ge [sflag:s14], $0x7D0  }
0xdd: {  	[sflag:s14] =	ssyncset.done $0x0  }
0xde: {  	[sflag:s14] =	ssyncadd.s32 $0xFFFFF830  }
0xdf: {  	_ =	swait.ge [sflag:s15], $0x7D0  }
0xe0: {  	[sflag:s15] =	ssyncset.done $0x0  }
0xe1: {  	[sflag:s15] =	ssyncadd.s32 $0xFFFFF830  }
0xe2: {  	[spmem:s1] =	stream.indirect.scatter.add.f32 [tilespmem:s17], [sflag:$0x5], $0x1, s10, s16, $0xb8;
	[tilespmem:$0x2F80] =	vst v63  }
0xe3: {  	_ =	swait.ge [sflag:s7], $0x7D0  }
0xe4: {  	[sflag:s7] =	ssyncset.done $0x0  }
0xe5: {  	[sflag:s7] =	ssyncadd.s32 $0xFFFFF830  }
0xe6: {  	[spmem:s2] =	stream.indirect.scatter.add.f32 [tilespmem:s17], [sflag:$0x5], $0x1, s11, s16, $0xb8;
	[tilespmem:$0x2F80] =	vst v63  }
0xe7: {  	_ =	swait.ge [sflag:s7], $0x7D0  }
0xe8: {  	[sflag:s7] =	ssyncset.done $0x0  }
0xe9: {  	s22 =	sadd.s32 $0x3E8, s5;
	[sflag:s7] =	ssyncadd.s32 $0xFFFFF830  }
0xea: {  	[tilespmem:s10], [sflag:$0x1] =	stream.linear.gather [hbm4b:s22+s3], $0x7D0, $0x38;
	[tilespmem:$0x2F80] =	vst v63  }
0xeb: {  	s23 =	sadd.s32 $0xA028, s5  }
0xec: {  	[tilespmem:s11], [sflag:$0x3] =	stream.linear.gather [hbm4b:s23+s3], $0x7D0, $0x38;
	[tilespmem:$0x2F80] =	vst v63  }
0xed: {  	_ =	swait.ge [sflag:s18], $0x7D0  }
0xee: {  	[sflag:s18] =	ssyncset.done $0x0  }
0xef: {  	[sflag:s18] =	ssyncadd.s32 $0xFFFFF830  }
0xf0: {  	_ =	swait.ge [sflag:s19], $0x7D0  }
0xf1: {  	[sflag:s19] =	ssyncset.done $0x0  }
0xf2: {  	[sflag:s19] =	ssyncadd.s32 $0xFFFFF830  }
0xf3: {  	[spmem:s1] =	stream.indirect.scatter.add.f32 [tilespmem:s17], [sflag:$0x5], $0x1, s12, s16, $0xb8;
	[tilespmem:$0x2F80] =	vst v63  }
0xf4: {  	_ =	swait.ge [sflag:s7], $0x7D0  }
0xf5: {  	[sflag:s7] =	ssyncset.done $0x0  }
0xf6: {  	[sflag:s7] =	ssyncadd.s32 $0xFFFFF830  }
0xf7: {  	[spmem:s2] =	stream.indirect.scatter.add.f32 [tilespmem:s17], [sflag:$0x5], $0x1, s13, s16, $0xb8;
	[tilespmem:$0x2F80] =	vst v63  }
0xf8: {  	_ =	swait.ge [sflag:s7], $0x7D0  }
0xf9: {  	[sflag:s7] =	ssyncset.done $0x0  }
0xfa: {  	[sflag:s7] =	ssyncadd.s32 $0xFFFFF830  }
0xfb: {  	_ =	swait.ge [sflag:s14], $0x7D0  }
0xfc: {  	[sflag:s14] =	ssyncset.done $0x0  }
0xfd: {  	[sflag:s14] =	ssyncadd.s32 $0xFFFFF830  }
0xfe: {  	_ =	swait.ge [sflag:s15], $0x7D0  }
0xff: {  	[sflag:s15] =	ssyncset.done $0x0  }
0x100: {  	[sflag:s15] =	ssyncadd.s32 $0xFFFFF830  }
0x101: {  	[spmem:s1] =	stream.indirect.scatter.add.f32 [tilespmem:s17], [sflag:$0x5], $0x1, s10, s16, $0xb8;
	[tilespmem:$0x2F80] =	vst v63  }
0x102: {  	_ =	swait.ge [sflag:s7], $0x7D0  }
0x103: {  	s28 =	smul.u32 $0x2800, s25;
	s29 =	ssub.s32 $0x2, s25;
	[sflag:s7] =	ssyncset.done $0x0  }
0x104: {  	s31 =	sshll.u32 s4, $0x6;
	s30 =	sshrl.u32 s29, $0x1;
	[sflag:s7] =	ssyncadd.s32 $0xFFFFF830  }
0x105: {  	[spmem:s2] =	stream.indirect.scatter.add.f32 [tilespmem:s17], [sflag:$0x5], $0x1, s11, s16, $0xb8;
	[tilespmem:$0x2F80] =	vst v63  }
0x106: {  	s29 =	ssub.s32 s29, s30;
	s26 =	sadd.s32 s26, s28;
	_ =	swait.ge [sflag:s7], $0x7D0  }
0x107: {  	s30 =	smax.u32 s29, $0x1;
	s26 =	sshrl.u32 s26, $0x3;
	[sflag:s7] =	ssyncset.done $0x0  }
0x108: {  	s28 =	sadd.s32 s26, s24;
	s24 =	sor.u32 $0x1C05, s31;
	[sflag:s7] =	ssyncadd.s32 $0xFFFFF830  }
0x109: {  	s26 =	sshrl.u32 s6, $0x3;
	s25 =	sadd.s32 $0x2200, s28;
	[bflag:$0x0] =	sbarrier.arrive $0xFFFF  }
0x10a: {  	[hbm:s25], [sflag:s24] =	dma.local [spmem:s26], $0x50  }
0x10b: {  	p0 =	sne.s32 s30, $0x1;
	_ =	swait.ge [sflag:s7], $0x50  }
.Ltmp0:
0x10c: {  	[sflag:s7] =	ssyncset.done $0x0;
	(pc) =	sbr.rel @!p0 .LBB2_2-.Ltmp0, $4  }
0x10d: {  	s29 =	sshrl.u32 s9, $0x3;
	s28 =	sadd.s32 $0x2C00, s28;
	[sflag:s7] =	ssyncadd.s32 $0xFFFFFFB0  }
0x10e: {  	[hbm:s28], [sflag:s24] =	dma.local [spmem:s29], $0x50  }
0x10f: {  	_ =	swait.ge [sflag:s7], $0x50  }
0x110: {  	s30 =	sadd.s32 $0xFFFFFFFF, s30;
	[sflag:s7] =	ssyncset.done $0x0  }
.LBB2_1:
0x111: {  	[sflag:s7] =	ssyncadd.s32 $0xFFFFFFB0  }
0x112: {  	[tilespmem:$0x2D20] =	vst v0  }
0x113: {  	[tilespmem:$0x2D30] =	vst v0  }
0x114: {  	[tilespmem:$0x2D40] =	vst v0  }
0x115: {  	[tilespmem:$0x2D50] =	vst v0  }
0x116: {  	[tilespmem:$0x2D60] =	vst v0  }
0x117: {  	[tilespmem:$0x2D70] =	vst v0  }
0x118: {  	[tilespmem:$0x2D80] =	vst v0  }
0x119: {  	[tilespmem:$0x2D90] =	vst v0  }
0x11a: {  	[tilespmem:$0x2DA0] =	vst v0  }
0x11b: {  	[tilespmem:$0x2DB0] =	vst v0  }
0x11c: {  	[tilespmem:$0x2DC0] =	vst v0  }
0x11d: {  	[tilespmem:$0x2D00] =	vst v0  }
0x11e: {  	[tilespmem:$0x2CC0] =	vst v1  }
0x11f: {  	[tilespmem:$0x2CB0] =	vst v1  }
0x120: {  	[tilespmem:$0x2CA0] =	vst v1  }
0x121: {  	[tilespmem:$0x2C90] =	vst v1  }
0x122: {  	[tilespmem:$0x2C80] =	vst v1  }
0x123: {  	[tilespmem:$0x2C70] =	vst v1  }
0x124: {  	[tilespmem:$0x2C60] =	vst v1  }
0x125: {  	[tilespmem:$0x2C50] =	vst v1  }
0x126: {  	[tilespmem:$0x2C40] =	vst v1  }
0x127: {  	[tilespmem:$0x2C30] =	vst v1  }
0x128: {  	[tilespmem:$0x2C20] =	vst v1  }
0x129: {  	[tilespmem:$0x2C10] =	vst v1  }
0x12a: {  	[tilespmem:$0x2C00] =	vst v1  }
0x12b: {  	[tilespmem:$0x2BF0] =	vst v1  }
0x12c: {  	[tilespmem:$0x2BE0] =	vst v1  }
0x12d: {  	[tilespmem:$0x2BD0] =	vst v1  }
0x12e: {  	[tilespmem:$0x2BC0] =	vst v1  }
0x12f: {  	[tilespmem:$0x2BB0] =	vst v1  }
0x130: {  	[tilespmem:$0x2BA0] =	vst v1  }
0x131: {  	[tilespmem:$0x2B90] =	vst v1  }
0x132: {  	[tilespmem:$0x2B80] =	vst v1  }
0x133: {  	[tilespmem:$0x2B70] =	vst v1  }
0x134: {  	[tilespmem:$0x2B60] =	vst v1  }
0x135: {  	[tilespmem:$0x2B50] =	vst v1  }
0x136: {  	[tilespmem:$0x2B40] =	vst v1  }
0x137: {  	[tilespmem:$0x2B30] =	vst v1  }
0x138: {  	[tilespmem:$0x2B20] =	vst v1  }
0x139: {  	[tilespmem:$0x2B10] =	vst v1  }
0x13a: {  	[tilespmem:$0x2B00] =	vst v1  }
0x13b: {  	[tilespmem:$0x2AF0] =	vst v1  }
0x13c: {  	[tilespmem:$0x2AE0] =	vst v1  }
0x13d: {  	[tilespmem:$0x2AD0] =	vst v1  }
0x13e: {  	[tilespmem:$0x2AC0] =	vst v1  }
0x13f: {  	[tilespmem:$0x2AB0] =	vst v1  }
0x140: {  	[tilespmem:$0x2AA0] =	vst v1  }
0x141: {  	[tilespmem:$0x2A90] =	vst v1  }
0x142: {  	[tilespmem:$0x2A80] =	vst v1  }
0x143: {  	[tilespmem:$0x2A70] =	vst v1  }
0x144: {  	[tilespmem:$0x2A60] =	vst v1  }
0x145: {  	[tilespmem:$0x2A50] =	vst v1  }
0x146: {  	[tilespmem:$0x2A40] =	vst v1  }
0x147: {  	[tilespmem:$0x2A30] =	vst v1  }
0x148: {  	[tilespmem:$0x2A20] =	vst v1  }
0x149: {  	[tilespmem:$0x2A10] =	vst v1  }
0x14a: {  	[tilespmem:$0x2A00] =	vst v1  }
0x14b: {  	[tilespmem:$0x29F0] =	vst v1  }
0x14c: {  	[tilespmem:$0x29E0] =	vst v1  }
0x14d: {  	[tilespmem:$0x29D0] =	vst v1  }
0x14e: {  	[tilespmem:$0x29C0] =	vst v1  }
0x14f: {  	[tilespmem:$0x29B0] =	vst v1  }
0x150: {  	[tilespmem:$0x29A0] =	vst v1  }
0x151: {  	[tilespmem:$0x2990] =	vst v1  }
0x152: {  	[tilespmem:$0x2980] =	vst v1  }
0x153: {  	[tilespmem:$0x2970] =	vst v1  }
0x154: {  	[tilespmem:$0x2960] =	vst v1  }
0x155: {  	[tilespmem:$0x2950] =	vst v1  }
0x156: {  	[tilespmem:$0x2940] =	vst v1  }
0x157: {  	[tilespmem:$0x2930] =	vst v1  }
0x158: {  	[tilespmem:$0x2920] =	vst v1  }
0x159: {  	[tilespmem:$0x2910] =	vst v1  }
0x15a: {  	[tilespmem:$0x2900] =	vst v1  }
0x15b: {  	[tilespmem:$0x28F0] =	vst v1  }
0x15c: {  	[tilespmem:$0x28E0] =	vst v1  }
0x15d: {  	[tilespmem:$0x28D0] =	vst v1  }
0x15e: {  	[tilespmem:$0x28C0] =	vst v1  }
0x15f: {  	[tilespmem:$0x28B0] =	vst v1  }
0x160: {  	[tilespmem:$0x28A0] =	vst v1  }
0x161: {  	[tilespmem:$0x2890] =	vst v1  }
0x162: {  	[tilespmem:$0x2880] =	vst v1  }
0x163: {  	[tilespmem:$0x2870] =	vst v1  }
0x164: {  	[tilespmem:$0x2860] =	vst v1  }
0x165: {  	[tilespmem:$0x2850] =	vst v1  }
0x166: {  	[tilespmem:$0x2840] =	vst v1  }
0x167: {  	[tilespmem:$0x2830] =	vst v1  }
0x168: {  	[tilespmem:$0x2820] =	vst v1  }
0x169: {  	[tilespmem:$0x2810] =	vst v1  }
0x16a: {  	[tilespmem:$0x2800] =	vst v1  }
0x16b: {  	[tilespmem:$0x27F0] =	vst v1  }
0x16c: {  	[tilespmem:$0x27E0] =	vst v1  }
0x16d: {  	[tilespmem:$0x27D0] =	vst v1  }
0x16e: {  	[tilespmem:$0x27C0] =	vst v1  }
0x16f: {  	[tilespmem:$0x27B0] =	vst v1  }
0x170: {  	[tilespmem:$0x27A0] =	vst v1  }
0x171: {  	[tilespmem:$0x2790] =	vst v1  }
0x172: {  	[tilespmem:$0x2780] =	vst v1  }
0x173: {  	[tilespmem:$0x2770] =	vst v1  }
0x174: {  	[tilespmem:$0x2760] =	vst v1  }
0x175: {  	[tilespmem:$0x2750] =	vst v1  }
0x176: {  	[tilespmem:$0x2740] =	vst v1  }
0x177: {  	[tilespmem:$0x2730] =	vst v1  }
0x178: {  	[tilespmem:$0x2720] =	vst v1  }
0x179: {  	[tilespmem:$0x2710] =	vst v1  }
0x17a: {  	[tilespmem:$0x2700] =	vst v1  }
0x17b: {  	[tilespmem:$0x26F0] =	vst v1  }
0x17c: {  	[tilespmem:$0x26E0] =	vst v1  }
0x17d: {  	[tilespmem:$0x26D0] =	vst v1  }
0x17e: {  	[tilespmem:$0x26C0] =	vst v1  }
0x17f: {  	[tilespmem:$0x26B0] =	vst v1  }
0x180: {  	[tilespmem:$0x26A0] =	vst v1  }
0x181: {  	[tilespmem:$0x2690] =	vst v1  }
0x182: {  	[tilespmem:$0x2680] =	vst v1  }
0x183: {  	[tilespmem:$0x2670] =	vst v1  }
0x184: {  	[tilespmem:$0x2660] =	vst v1  }
0x185: {  	[tilespmem:$0x2650] =	vst v1  }
0x186: {  	[tilespmem:$0x2640] =	vst v1  }
0x187: {  	[tilespmem:$0x2630] =	vst v1  }
0x188: {  	[tilespmem:$0x2620] =	vst v1  }
0x189: {  	[tilespmem:$0x2610] =	vst v1  }
0x18a: {  	[tilespmem:$0x2600] =	vst v1  }
0x18b: {  	[tilespmem:$0x25F0] =	vst v1  }
0x18c: {  	[tilespmem:$0x25E0] =	vst v1  }
0x18d: {  	[tilespmem:$0x25D0] =	vst v1  }
0x18e: {  	[tilespmem:$0x25C0] =	vst v1  }
0x18f: {  	[tilespmem:$0x25B0] =	vst v1  }
0x190: {  	[tilespmem:$0x25A0] =	vst v1  }
0x191: {  	[tilespmem:$0x2590] =	vst v1  }
0x192: {  	[tilespmem:$0x2580] =	vst v1  }
0x193: {  	[tilespmem:$0x2570] =	vst v1  }
0x194: {  	[tilespmem:$0x2560] =	vst v1  }
0x195: {  	[tilespmem:$0x2550] =	vst v1  }
0x196: {  	[tilespmem:$0x2540] =	vst v1  }
0x197: {  	[tilespmem:$0x2530] =	vst v1  }
0x198: {  	[tilespmem:$0x2520] =	vst v1  }
0x199: {  	[tilespmem:$0x2510] =	vst v1  }
0x19a: {  	[tilespmem:$0x2500] =	vst v1  }
0x19b: {  	[tilespmem:$0x2F70] =	vst v0  }
0x19c: {  	[tilespmem:$0x2F60] =	vst v0  }
0x19d: {  	[tilespmem:$0x2F50] =	vst v0  }
0x19e: {  	[tilespmem:$0x2F40] =	vst v0  }
0x19f: {  	[tilespmem:$0x2F30] =	vst v0  }
0x1a0: {  	[tilespmem:$0x2F20] =	vst v0  }
0x1a1: {  	[tilespmem:$0x2F10] =	vst v0  }
0x1a2: {  	[tilespmem:$0x2F00] =	vst v0  }
0x1a3: {  	[tilespmem:$0x2EF0] =	vst v0  }
0x1a4: {  	[tilespmem:$0x2EE0] =	vst v0  }
0x1a5: {  	[tilespmem:$0x2ED0] =	vst v0  }
0x1a6: {  	[tilespmem:$0x2EC0] =	vst v0  }
0x1a7: {  	[tilespmem:$0x2EB0] =	vst v0  }
0x1a8: {  	[tilespmem:$0x2EA0] =	vst v0  }
0x1a9: {  	[tilespmem:$0x2E90] =	vst v0  }
0x1aa: {  	[tilespmem:$0x2E80] =	vst v0  }
0x1ab: {  	[tilespmem:$0x2E70] =	vst v0  }
0x1ac: {  	[tilespmem:$0x2E60] =	vst v0  }
0x1ad: {  	[tilespmem:$0x2E50] =	vst v0  }
0x1ae: {  	[tilespmem:$0x2E40] =	vst v0  }
0x1af: {  	[tilespmem:$0x2E30] =	vst v0  }
0x1b0: {  	[tilespmem:$0x2E20] =	vst v0  }
0x1b1: {  	[tilespmem:$0x2E10] =	vst v0  }
0x1b2: {  	[tilespmem:$0x2E00] =	vst v0  }
0x1b3: {  	[tilespmem:$0x2DF0] =	vst v0  }
0x1b4: {  	[tilespmem:$0x2DE0] =	vst v0  }
0x1b5: {  	[tilespmem:$0x2DD0] =	vst v0  }
0x1b6: {  	[tilespmem:$0x2D10] =	vst v0  }
0x1b7: {  	[spmem:s6] =	stream.linear.scatter [tilespmem:s8], [sflag:$0x5], $0x280, $0x38;
	[tilespmem:$0x2F80] =	vst v63  }
0x1b8: {  	_ =	swait.ge [sflag:s7], $0x280  }
0x1b9: {  	[sflag:s7] =	ssyncset.done $0x0  }
0x1ba: {  	[sflag:s7] =	ssyncadd.s32 $0xFFFFFD80  }
0x1bb: {  	[spmem:s9] =	stream.linear.scatter [tilespmem:s8], [sflag:$0x5], $0x280, $0x38;
	[tilespmem:$0x2F80] =	vst v63  }
0x1bc: {  	_ =	swait.ge [sflag:s7], $0x280  }
0x1bd: {  	[sflag:s7] =	ssyncset.done $0x0  }
0x1be: {  	[sflag:s7] =	ssyncadd.s32 $0xFFFFFD80  }
0x1bf: {  	[bflag:$0x0] =	sbarrier.arrive $0xFFFF  }
0x1c0: {  	[tilespmem:s10], [sflag:$0x1] =	stream.linear.gather [hbm4b:s5+s3], $0x7D0, $0x38;
	[tilespmem:$0x2F80] =	vst v63  }
0x1c1: {  	s31 =	rddreg [dreg:$0x5]  }
0x1c2: {  	[tilespmem:s11], [sflag:$0x3] =	stream.linear.gather [hbm4b:s31+s3], $0x7D0, $0x38;
	[tilespmem:$0x2F80] =	vst v63  }
0x1c3: {  	s0 =	rddreg [dreg:$0x6]  }
0x1c4: {  	[tilespmem:s12], [sflag:$0x2] =	stream.linear.gather [hbm4b:s0+s3], $0x7D0, $0x38;
	[tilespmem:$0x2F80] =	vst v63  }
0x1c5: {  	s31 =	rddreg [dreg:$0x7]  }
0x1c6: {  	[tilespmem:s13], [sflag:$0x4] =	stream.linear.gather [hbm4b:s31+s3], $0x7D0, $0x38;
	[tilespmem:$0x2F80] =	vst v63  }
0x1c7: {  	_ =	swait.ge [sflag:s14], $0x7D0  }
0x1c8: {  	[sflag:s14] =	ssyncset.done $0x0  }
0x1c9: {  	[sflag:s14] =	ssyncadd.s32 $0xFFFFF830  }
0x1ca: {  	_ =	swait.ge [sflag:s15], $0x7D0  }
0x1cb: {  	[sflag:s15] =	ssyncset.done $0x0  }
0x1cc: {  	[sflag:s15] =	ssyncadd.s32 $0xFFFFF830  }
0x1cd: {  	[spmem:s1] =	stream.indirect.scatter.add.f32 [tilespmem:s17], [sflag:$0x5], $0x1, s10, s16, $0xb8;
	[tilespmem:$0x2F80] =	vst v63  }
0x1ce: {  	_ =	swait.ge [sflag:s7], $0x7D0  }
0x1cf: {  	[sflag:s7] =	ssyncset.done $0x0  }
0x1d0: {  	[sflag:s7] =	ssyncadd.s32 $0xFFFFF830  }
0x1d1: {  	[spmem:s2] =	stream.indirect.scatter.add.f32 [tilespmem:s17], [sflag:$0x5], $0x1, s11, s16, $0xb8;
	[tilespmem:$0x2F80] =	vst v63  }
0x1d2: {  	_ =	swait.ge [sflag:s7], $0x7D0  }
0x1d3: {  	[sflag:s7] =	ssyncset.done $0x0  }
0x1d4: {  	s0 =	rddreg [dreg:$0x8];
	[sflag:s7] =	ssyncadd.s32 $0xFFFFF830  }
0x1d5: {  	[tilespmem:s10], [sflag:$0x1] =	stream.linear.gather [hbm4b:s0+s3], $0x7D0, $0x38;
	[tilespmem:$0x2F80] =	vst v63  }
0x1d6: {  	s31 =	rddreg [dreg:$0x9]  }
0x1d7: {  	[tilespmem:s11], [sflag:$0x3] =	stream.linear.gather [hbm4b:s31+s3], $0x7D0, $0x38;
	[tilespmem:$0x2F80] =	vst v63  }
0x1d8: {  	_ =	swait.ge [sflag:s18], $0x7D0  }
0x1d9: {  	[sflag:s18] =	ssyncset.done $0x0  }
0x1da: {  	[sflag:s18] =	ssyncadd.s32 $0xFFFFF830  }
0x1db: {  	_ =	swait.ge [sflag:s19], $0x7D0  }
0x1dc: {  	[sflag:s19] =	ssyncset.done $0x0  }
0x1dd: {  	[sflag:s19] =	ssyncadd.s32 $0xFFFFF830  }
0x1de: {  	[spmem:s1] =	stream.indirect.scatter.add.f32 [tilespmem:s17], [sflag:$0x5], $0x1, s12, s16, $0xb8;
	[tilespmem:$0x2F80] =	vst v63  }
0x1df: {  	_ =	swait.ge [sflag:s7], $0x7D0  }
0x1e0: {  	[sflag:s7] =	ssyncset.done $0x0  }
0x1e1: {  	[sflag:s7] =	ssyncadd.s32 $0xFFFFF830  }
0x1e2: {  	[spmem:s2] =	stream.indirect.scatter.add.f32 [tilespmem:s17], [sflag:$0x5], $0x1, s13, s16, $0xb8;
	[tilespmem:$0x2F80] =	vst v63  }
0x1e3: {  	_ =	swait.ge [sflag:s7], $0x7D0  }
0x1e4: {  	[sflag:s7] =	ssyncset.done $0x0  }
0x1e5: {  	[sflag:s7] =	ssyncadd.s32 $0xFFFFF830  }
0x1e6: {  	[tilespmem:s12], [sflag:$0x2] =	stream.linear.gather [hbm4b:s20+s3], $0x7D0, $0x38;
	[tilespmem:$0x2F80] =	vst v63  }
0x1e7: {  	_ = 	snop  }
0x1e8: {  	[tilespmem:s13], [sflag:$0x4] =	stream.linear.gather [hbm4b:s21+s3], $0x7D0, $0x38;
	[tilespmem:$0x2F80] =	vst v63  }
0x1e9: {  	_ =	swait.ge [sflag:s14], $0x7D0  }
0x1ea: {  	[sflag:s14] =	ssyncset.done $0x0  }
0x1eb: {  	[sflag:s14] =	ssyncadd.s32 $0xFFFFF830  }
0x1ec: {  	_ =	swait.ge [sflag:s15], $0x7D0  }
0x1ed: {  	[sflag:s15] =	ssyncset.done $0x0  }
0x1ee: {  	[sflag:s15] =	ssyncadd.s32 $0xFFFFF830  }
0x1ef: {  	[spmem:s1] =	stream.indirect.scatter.add.f32 [tilespmem:s17], [sflag:$0x5], $0x1, s10, s16, $0xb8;
	[tilespmem:$0x2F80] =	vst v63  }
0x1f0: {  	_ =	swait.ge [sflag:s7], $0x7D0  }
0x1f1: {  	[sflag:s7] =	ssyncset.done $0x0  }
0x1f2: {  	[sflag:s7] =	ssyncadd.s32 $0xFFFFF830  }
0x1f3: {  	[spmem:s2] =	stream.indirect.scatter.add.f32 [tilespmem:s17], [sflag:$0x5], $0x1, s11, s16, $0xb8;
	[tilespmem:$0x2F80] =	vst v63  }
0x1f4: {  	_ =	swait.ge [sflag:s7], $0x7D0  }
0x1f5: {  	[sflag:s7] =	ssyncset.done $0x0  }
0x1f6: {  	[sflag:s7] =	ssyncadd.s32 $0xFFFFF830  }
0x1f7: {  	[tilespmem:s10], [sflag:$0x1] =	stream.linear.gather [hbm4b:s22+s3], $0x7D0, $0x38;
	[tilespmem:$0x2F80] =	vst v63  }
0x1f8: {  	_ = 	snop  }
0x1f9: {  	[tilespmem:s11], [sflag:$0x3] =	stream.linear.gather [hbm4b:s23+s3], $0x7D0, $0x38;
	[tilespmem:$0x2F80] =	vst v63  }
0x1fa: {  	_ =	swait.ge [sflag:s18], $0x7D0  }
0x1fb: {  	[sflag:s18] =	ssyncset.done $0x0  }
0x1fc: {  	[sflag:s18] =	ssyncadd.s32 $0xFFFFF830  }
0x1fd: {  	_ =	swait.ge [sflag:s19], $0x7D0  }
0x1fe: {  	[sflag:s19] =	ssyncset.done $0x0  }
0x1ff: {  	[sflag:s19] =	ssyncadd.s32 $0xFFFFF830  }
0x200: {  	[spmem:s1] =	stream.indirect.scatter.add.f32 [tilespmem:s17], [sflag:$0x5], $0x1, s12, s16, $0xb8;
	[tilespmem:$0x2F80] =	vst v63  }
0x201: {  	_ =	swait.ge [sflag:s7], $0x7D0  }
0x202: {  	[sflag:s7] =	ssyncset.done $0x0  }
0x203: {  	[sflag:s7] =	ssyncadd.s32 $0xFFFFF830  }
0x204: {  	[spmem:s2] =	stream.indirect.scatter.add.f32 [tilespmem:s17], [sflag:$0x5], $0x1, s13, s16, $0xb8;
	[tilespmem:$0x2F80] =	vst v63  }
0x205: {  	_ =	swait.ge [sflag:s7], $0x7D0  }
0x206: {  	[sflag:s7] =	ssyncset.done $0x0  }
0x207: {  	[sflag:s7] =	ssyncadd.s32 $0xFFFFF830  }
0x208: {  	_ =	swait.ge [sflag:s14], $0x7D0  }
0x209: {  	[sflag:s14] =	ssyncset.done $0x0  }
0x20a: {  	[sflag:s14] =	ssyncadd.s32 $0xFFFFF830  }
0x20b: {  	_ =	swait.ge [sflag:s15], $0x7D0  }
0x20c: {  	[sflag:s15] =	ssyncset.done $0x0  }
0x20d: {  	[sflag:s15] =	ssyncadd.s32 $0xFFFFF830  }
0x20e: {  	[spmem:s1] =	stream.indirect.scatter.add.f32 [tilespmem:s17], [sflag:$0x5], $0x1, s10, s16, $0xb8;
	[tilespmem:$0x2F80] =	vst v63  }
0x20f: {  	_ =	swait.ge [sflag:s7], $0x7D0  }
0x210: {  	[sflag:s7] =	ssyncset.done $0x0  }
0x211: {  	[sflag:s7] =	ssyncadd.s32 $0xFFFFF830  }
0x212: {  	[spmem:s2] =	stream.indirect.scatter.add.f32 [tilespmem:s17], [sflag:$0x5], $0x1, s11, s16, $0xb8;
	[tilespmem:$0x2F80] =	vst v63  }
0x213: {  	_ =	swait.ge [sflag:s7], $0x7D0  }
0x214: {  	[sflag:s7] =	ssyncset.done $0x0  }
0x215: {  	[sflag:s7] =	ssyncadd.s32 $0xFFFFF830  }
0x216: {  	[bflag:$0x0] =	sbarrier.arrive $0xFFFF  }
0x217: {  	[hbm:s25], [sflag:s24] =	dma.local [spmem:s26], $0x50  }
0x218: {  	p0 =	sne.s32 s30, $0x1;
	_ =	swait.ge [sflag:s7], $0x50  }
.Ltmp1:
0x219: {  	[sflag:s7] =	ssyncset.done $0x0;
	(pc) =	sbr.rel @p0 .LBB2_1-.Ltmp1, $4  }
0x21a: {  	[sflag:s7] =	ssyncadd.s32 $0xFFFFFFB0  }
0x21b: {  	[hbm:s28], [sflag:s24] =	dma.local [spmem:s29], $0x50  }
0x21c: {  	_ =	swait.ge [sflag:s7], $0x50  }
0x21d: {  	s30 =	sadd.s32 $0xFFFFFFFF, s30;
	[sflag:s7] =	ssyncset.done $0x0  }
.LBB2_2:
0x21e: {  	[sflag:s7] =	ssyncadd.s32 $0xFFFFFFB0  }
0x21f: {  	_ =	sfence.sel $0x180000  }
0x220: {  	[bflag:$0x0] =	sbarrier.arrive $0xFFFF  }
0x221: {  	_ =	strace $0x90000047  }
0x222: {  	[bflag:$0x2] =	sbarrier.arrive $0xFFFF  }
0x223: {  	p0 =	sne.s32 s4, $0x0;
	s0 =	rddreg [dreg:$0x4]  }
0x224: {  	s0 =	sadd.s32 @!p0 $0x100000, s0  }
0x225: {  	[sflag:s0] =	ssyncadd.tile.s32 @!p0 $0x1;
	_ =	shalt  }
.Lfunc_end2:
_tile_overlayer_lowered:
.L_overlay_start_2:
0x226: {  	(tag) =	ssettag $0x2  }
0x227: {  	s0 =	rddreg [dreg:$0x0];
	s2 =	stileid.u32  }
0x228: {  	s1 =	rddreg [dreg:$0x1];
	p0 =	sne.s32 s2, $0x0  }
0x229: {  	s3 =	rddreg [dreg:$0x2];
	[bflag:$0x3] =	sbarrier.arrive $0xFFFF;
	s2 =	simm.s32 @!p0 $0x1C05  }
0x22a: {  	[timem:s3], [sflag:s2] =	dma.local @!p0 [hbm:s0], s1  }
0x22b: {  	s0 =	simm.s32 @!p0 $0x5  }
0x22c: {  	_ =	swait.ge @!p0 [sflag:s0], s1  }
0x22d: {  	s1 =	ssub.s32 @!p0 $0x0, s1;
	[sflag:s0] =	ssyncset.done @!p0 $0x0  }
0x22e: {  	[sflag:s0] =	ssyncadd.s32 @!p0 s1  }
0x22f: {  	[bflag:$0x3] =	sbarrier.arrive $0xFFFF  }
0x230: {  	_ =	shalt  }

// kernel: kernel.9.cloned.1.call-start
scs
__scs_entry_jumppad:
0x0: {  	(pc) =	sbr.rel $0x88, $3  }
0x1: {  	(tag) =	ssettag $0x0;
	lr =	simm.s32 $0x1  }
0x2: {  	[smem:$0x3F9C] =	sst lr;
	_ =	strace $0xD0000000  }
0x3: {  	_ = 	snop  }
0x4: {  	_ = 	snop  }
0x5: {  	_ = 	snop  }
0x6: {  	_ = 	snop  }
0x7: {  	_ = 	snop  }
__scs_overlays_trampoline_lowered:
0x8: {  	[smem:$0x3FAB] =	sst s0  }
0x9: {  	[smem:$0x3FAC] =	sst s1  }
0xa: {  	[smem:$0x3FAD] =	sst s2  }
0xb: {  	[smem:$0x3FAE] =	sst s3  }
0xc: {  	[smem:$0x3FAF] =	sst s4  }
0xd: {  	[smem:$0x3FB0] =	sst s5  }
0xe: {  	[smem:$0x3FB1] =	sst s6  }
0xf: {  	[smem:$0x3FB2] =	sst s7  }
0x10: {  	[smem:$0x3FB3] =	sst s8  }
0x11: {  	[smem:$0x3FB4] =	sst s9;
	s0 =	simm.s32 @!p0 $0x0  }
0x12: {  	s1 =	sld [smem:$0x3F9A];
	s0 =	simm.s32 @p0 $0x1  }
0x13: {  	[smem:$0x3FB5] =	sst s0;
	s0 =	simm.s32 @!p1 $0x0  }
0x14: {  	s2 =	sld [smem:$0x3F99];
	s0 =	simm.s32 @p1 $0x1  }
0x15: {  	[smem:$0x3FB6] =	sst s0;
	s0 =	simm.s32 @!p2 $0x0  }
0x16: {  	s3 =	sld [smem:$0x3FDB];
	s0 =	simm.s32 @p2 $0x1  }
0x17: {  	s4 =	simm.s32 $0x1BF5;
	[smem:$0x3FB8] =	sst s0  }
0x18: {  	s0 =	sld [smem:$0x3F9B];
	_ =	swait.ge [sflag:s4], $0x0  }
0x19: {  	s7 =	sld [smem:$0x3F9C]  }
0x1a: {  	s8 =	sadd.s32 $0xFFFFE003, lr  }
0x1b: {  	s9 =	sadd.s32 $0xFFFFFEF7, lr;
	s5 =	simm.s32 $0xFFFFFFFF;
	p2 =	slt.u32 s8, $0xFFFFF086  }
0x1c: {  	p1 =	slt.u32 s9, $0xF7A;
	s5 =	simm.s32 @!p2 $0x0  }
0x1d: {  	s5 =	simm.s32 @p1 $0x1;
	p0 =	seq.s32 s7, s2  }
0x1e: {  	s7 =	smul.u32 @!p0 $0xF7A, s2;
	p2 =	seq.s32 @!p0 s5, $0x0  }
0x1f: {  	s9 =	smul.u32 $0xF7A, s1;
	s8 =	simm.s32 @!p0 $0x1BF5;
	p2 =	por !p2, p0  }
0x20: {  	[sflag:s8] =	ssyncset.s32 @!p0 $0xFFFFF086;
	s6 =	sadd.s32 @!p0 s3, s7;
	s7 =	simm.s32 @!p0 $0x108  }
0x21: {  	s3 =	sadd.s32 s3, s9;
	s6 =	sadd.s32 @!p0 $0x88, s6;
	s7 =	simm.s32 @p2 $0x1082  }
0x22: {  	[simem:s7], [sflag:s8] =	dma.local @!p0 [hbm:s6], $0xF7A  }
0x23: {  	s9 =	sor.u32 $0xD0000000, s2;
	s6 =	simm.s32 $0x108;
	_ =	swait.ge @!p0 [sflag:s8], $0x0  }
0x24: {  	s3 =	sadd.s32 $0x88, s3;
	s6 =	simm.s32 @!p1 $0x1082;
	[sflag:s4] =	ssyncset.s32 $0xFFFFF086  }
0x25: {  	[simem:s6], [sflag:s4] =	dma.local [hbm:s3], $0xF7A  }
0x26: {  	[smem:$0x3F9C] =	sst s1;
	(tag) =	ssettag s2;
	_ =	strace s9  }
0x27: {  	s1 =	sld [smem:$0x3FAC]  }
0x28: {  	s2 =	sld [smem:$0x3FAD]  }
0x29: {  	s4 =	sld [smem:$0x3FAF]  }
0x2a: {  	p0 =	seq.s32 s5, $0x0;
	s5 =	sld [smem:$0x3FB0]  }
0x2b: {  	s6 =	sld [smem:$0x3FB1]  }
0x2c: {  	s7 =	sld [smem:$0x3FB2]  }
0x2d: {  	s3 =	simm.s32 $0x108;
	s8 =	sld [smem:$0x3FB3]  }
0x2e: {  	s3 =	simm.s32 @!p0 $0x1082;
	s9 =	sld [smem:$0x3FB4]  }
0x2f: {  	lr =	sadd.s32 s0, s3;
	s0 =	sld [smem:$0x3FAB]  }
0x30: {  	s3 =	sld [smem:$0x3FAE]  }
0x31: {  	[smem:$0x3FB7] =	sst s10  }
0x32: {  	s10 =	sld [smem:$0x3FB5];
	_ =	sdelay $0x3  }
0x33: {  	p0 =	seq.s32 s10, $0x1;
	s10 =	sld [smem:$0x3FB7];
	_ =	sdelay $0x3  }
0x34: {  	[smem:$0x3FB7] =	sst s10  }
0x35: {  	s10 =	sld [smem:$0x3FB6];
	_ =	sdelay $0x3  }
0x36: {  	p1 =	seq.s32 s10, $0x1;
	s10 =	sld [smem:$0x3FB7];
	_ =	sdelay $0x3  }
0x37: {  	[smem:$0x3FB7] =	sst s10  }
0x38: {  	s10 =	sld [smem:$0x3FB8]  }
0x39: {  	_ = 	snop;
	(pc) =	sbr.ind lr, $3  }
0x3a: {  	_ = 	snop  }
0x3b: {  	_ = 	snop  }
0x3c: {  	p2 =	seq.s32 s10, $0x1;
	s10 =	sld [smem:$0x3FB7]  }
0x3d: {  	_ =	shalt  }
0x3e: {  	_ =	shalt  }
0x3f: {  	_ =	shalt  }
0x40: {  	_ =	shalt  }
0x41: {  	_ =	shalt  }
0x42: {  	_ =	shalt  }
0x43: {  	_ =	shalt  }
0x44: {  	_ =	shalt  }
0x45: {  	_ =	shalt  }
0x46: {  	_ =	shalt  }
0x47: {  	_ =	shalt  }
0x48: {  	_ =	shalt  }
0x49: {  	_ =	shalt  }
0x4a: {  	_ =	shalt  }
0x4b: {  	_ =	shalt  }
0x4c: {  	_ =	shalt  }
0x4d: {  	_ =	shalt  }
0x4e: {  	_ =	shalt  }
0x4f: {  	_ =	shalt  }
0x50: {  	_ =	shalt  }
0x51: {  	_ =	shalt  }
0x52: {  	_ =	shalt  }
0x53: {  	_ =	shalt  }
0x54: {  	_ =	shalt  }
0x55: {  	_ =	shalt  }
0x56: {  	_ =	shalt  }
0x57: {  	_ =	shalt  }
0x58: {  	_ =	shalt  }
0x59: {  	_ =	shalt  }
0x5a: {  	_ =	shalt  }
0x5b: {  	_ =	shalt  }
0x5c: {  	_ =	shalt  }
0x5d: {  	_ =	shalt  }
0x5e: {  	_ =	shalt  }
0x5f: {  	_ =	shalt  }
0x60: {  	_ =	shalt  }
0x61: {  	_ =	shalt  }
0x62: {  	_ =	shalt  }
0x63: {  	_ =	shalt  }
0x64: {  	_ =	shalt  }
0x65: {  	_ =	shalt  }
0x66: {  	_ =	shalt  }
0x67: {  	_ =	shalt  }
0x68: {  	_ =	shalt  }
0x69: {  	_ =	shalt  }
0x6a: {  	_ =	shalt  }
0x6b: {  	_ =	shalt  }
0x6c: {  	_ =	shalt  }
0x6d: {  	_ =	shalt  }
0x6e: {  	_ =	shalt  }
0x6f: {  	_ =	shalt  }
0x70: {  	_ =	shalt  }
0x71: {  	_ =	shalt  }
0x72: {  	_ =	shalt  }
0x73: {  	_ =	shalt  }
0x74: {  	_ =	shalt  }
0x75: {  	_ =	shalt  }
0x76: {  	_ =	shalt  }
0x77: {  	_ =	shalt  }
0x78: {  	_ =	shalt  }
0x79: {  	_ =	shalt  }
0x7a: {  	_ =	shalt  }
0x7b: {  	_ =	shalt  }
0x7c: {  	_ =	shalt  }
0x7d: {  	_ =	shalt  }
0x7e: {  	_ =	shalt  }
0x7f: {  	_ =	shalt  }
0x80: {  	_ =	shalt  }
0x81: {  	_ =	shalt  }
0x82: {  	_ =	shalt  }
0x83: {  	_ =	shalt  }
0x84: {  	_ =	shalt  }
0x85: {  	_ =	shalt  }
0x86: {  	_ =	shalt  }
0x87: {  	_ =	shalt  }
.Lfunc_end0:
.L_simem_size_0:
called_computation.1_lowered:
.L_overlay_start_0:
0x88: {  	s2 =	sld [smem:$0x3FD9]  }
0x89: {  	s3 =	sld [smem:$0x3FFE];
	_ =	sdelay $0x1  }
0x8a: {  	s1 =	srdreg.scid  }
0x8b: {  	s0 =	sand.u32 $0x1, s1  }
0x8c: {  	s17 =	sshll.u32 s0, $0xA;
	s2 =	sadd.s32 s3, s2  }
0x8d: {  	s2 =	sadd.s32 s2, s17  }
0x8e: {  	[smem:$0x3FC3] =	sst s2  }
0x8f: {  	_ = 	snop  }
0x90: {  	s2 =	sld [smem:$0x3FD0];
	(tm) =	ssettm $0x1  }
0x91: {  	s18 =	sld [smem:$0x3FFB];
	_ =	sdelay $0x3  }
0x92: {  	_ =	strace s18  }
0x93: {  	s3 =	sld [smem:$0x3FFC];
	_ =	sdelay $0x3  }
0x94: {  	_ =	strace s3  }
0x95: {  	s3 =	sld [smem:$0x3FFD];
	_ =	sdelay $0x3  }
0x96: {  	_ =	strace s3  }
0x97: {  	_ =	strace $0x8FFFFFFF  }
0x98: {  	s19 =	sld [smem:$0x3FDB];
	_ =	sdelay $0x1  }
0x99: {  	s4 =	simm.s32 $_scs_section_size  }
0x9a: {  	s5 =	simm.s32 $_size__tile_overlayer_lowered;
	s6 =	simm.s32 $_tile_overlayer_lowered  }
0x9b: {  	s22 =	simm.s32 $0x1BFF;
	s21 =	sshll.u32 s6, $0x1;
	s3 =	sadd.s32 s4, s19  }
0x9c: {  	s7 =	simm.s32 $0x0;
	s20 =	sshll.u32 s5, $0x1;
	s5 =	sadd.s32 s21, s3  }
0x9d: {  	[timem:s7], [sflag:s22] =	dma.local [hbm:s5], s20  }
0x9e: {  	_ =	swait.ge [sflag:s22], s20  }
0x9f: {  	s4 =	ssub.s32 $0x0, s20;
	[sflag:s22] =	ssyncset.done $0x0  }
0xa0: {  	[sflag:s22] =	ssyncadd.s32 s4;
	_ =	sdelay $0x1  }
0xa1: {  	s23 =	simm.s32 $0x1B8B  }
0xa2: {  	_ =	swait.ge [sflag:s23], $0x1  }
0xa3: {  	[sflag:s23] =	ssyncset.done $0x0  }
0xa4: {  	s25 =	simm.s32 $0x1B8E;
	s24 =	sld [smem:$0x3FFE];
	[sflag:s23] =	ssyncadd.s32 $0xFFFFFFFF  }
0xa5: {  	s26 =	simm.s32 $execute0_lowered;
	[smem:$0x3FD2] =	sst s25  }
0xa6: {  	s5 =	sshll.u32 s26, $0x1;
	_ =	strace $0x80000049;
	[dreg:$0x1] =	wrdreg $0xFFFFFFFF  }
0xa7: {  	s28 =	simm.s32 $_size_execute0_lowered;
	s3 =	sadd.s32 s3, s5;
	[dreg:$0x0] =	wrdreg $0x0  }
0xa8: {  	s5 =	sshll.u32 s28, $0x1;
	[dreg:$0x2] =	wrdreg s3  }
0xa9: {  	[dreg:$0x3] =	wrdreg s5  }
0xaa: {  	[dreg:$0x4] =	wrdreg $0xC0  }
0xab: {  	_ =	task [dreg:s7], $0x5FFFF  }
0xac: {  	[dreg:$0x1] =	wrdreg $0xFFFFFFFF  }
0xad: {  	[dreg:$0x0] =	wrdreg $0x60  }
0xae: {  	[dreg:$0x2] =	wrdreg s2  }
0xaf: {  	[dreg:$0x3] =	wrdreg s24  }
0xb0: {  	[dreg:$0x4] =	wrdreg $0x0  }
0xb1: {  	[dreg:$0x5] =	wrdreg $0x9  }
0xb2: {  	_ =	task.clear_ibuf [dreg:s7], $0x6FFFF;
	_ =	strace $0x90000049  }
0xb3: {  	s29 =	simm.s32 $0x9;
	_ =	strace $0x8000004B  }
0xb4: {  	_ =	swait.ge [sflag:s29], $0x1  }
0xb5: {  	[sflag:s29] =	ssyncadd.s32 $0xFFFFFFFF  }
0xb6: {  	_ =	strace $0x9000004B  }
0xb7: {  	_ =	sfence  }
0xb8: {  	s30 =	sld [smem:$0x0];
	_ =	sdelay $0x2  }
0xb9: {  	s31 =	sshll.u32 s1, $0xD;
	s1 =	sshrl.u32 s1, $0x2  }
0xba: {  	s3 =	sand.u32 $0x4000, s31;
	s1 =	sadd.s32 s1, s30  }
0xbb: {  	s0 =	sor.u32 s3, s0;
	s1 =	sshll.u32 s1, $0x11  }
0xbc: {  	s0 =	sor.u32 s1, s0  }
0xbd: {  	s0 =	sadd.s32 $0x8F2B, s0  }
0xbe: {  	[sflag:s0] =	ssyncadd.remote.s32 $0x1  }
0xbf: {  	_ =	sfence.sel $0xFFFF  }
0xc0: {  	[dreg:$0x0] =	wrdreg $0xFFFFFFFF;
	(pc) =	sbr.abs _section_cstart, $3  }
0xc1: {  	[dreg:$0x1] =	wrdreg $0xFFFFFFFF  }
0xc2: {  	_ =	task.clear_ibuf [dreg:s7], $0x2FFFF;
	_ =	strace $0x9FFFFFFF  }
0xc3: {  	(tm) =	ssettm $0x7FFFFFFF  }
tec
execute0_lowered:
.L_overlay_start_1:
0x0: {  	(tag) =	ssettag $0x1  }
0x1: {  	s1 =	rddreg [dreg:$0x0];
	s0 =	srdreg.scid  }
0x2: {  	s11 =	stileid.u32;
	s2 =	rddreg [dreg:$0x1]  }
0x3: {  	s3 =	rddreg [dreg:$0x2];
	s4 =	simm.s32 $0x0;
	s23 =	simm.s32 $0x14140  }
0x4: {  	s24 =	simm.s32 $0x1A400;
	s25 =	simm.s32 $0x14080;
	s26 =	simm.s32 $0x14180  }
0x5: {  	s28 =	simm.s32 $0x18400;
	s29 =	simm.s32 $0x5;
	s30 =	simm.s32 $0x7  }
0x6: {  	s31 =	simm.s32 $0x80;
	s0 =	sand.u32 $0x1, s0;
	s5 =	smul.u32 $0x2800, s11  }
0x7: {  	[smem:$0x7FF] =	sst s4;
	s12 =	smul.u32 $0x50000, s11;
	s7 =	sadd.s32 $0x3600, s2  }
0x8: {  	s20 =	sshll.u32 s11, $0x5;
	_ =	strace $0x8000004A;
	[dreg:$0x5] =	wrdreg s23  }
0x9: {  	s6 =	smul.u32 $0x28000, s0;
	s8 =	ssub.s32 $0x2, s0;
	[dreg:$0x6] =	wrdreg s24  }
0xa: {  	s13 =	sshll.u32 s0, $0x4;
	s0 =	sshll.u32 s0, $0x9;
	[dreg:$0x7] =	wrdreg s25  }
0xb: {  	s23 =	simm.s32 $0x40;
	[dreg:$0x8] =	wrdreg s26;
	s26 =	simm.s32 $0x2  }
0xc: {  	s9 =	sshrl.u32 s8, $0x1;
	s0 =	sadd.s32 s0, s7;
	s5 =	sadd.s32 s5, s6  }
0xd: {  	s6 =	sshrl.u32 s12, $0x2;
	s8 =	ssub.s32 s8, s9;
	s0 =	sadd.s32 s20, s0  }
0xe: {  	s20 =	simm.s32 $0x14100;
	s6 =	sadd.s32 s6, s3;
	s22 =	smax.u32 s8, $0x1  }
0xf: {  	s2 =	sadd.s32 s5, s2;
	s14 =	sadd.s32 $0x4000, s6;
	[dreg:$0x10] =	wrdreg s22  }
0x10: {  	s5 =	sor.u32 s11, s13;
	s10 =	sadd.s32 $0x8000, s6;
	[dreg:$0x9] =	wrdreg s14  }
0x11: {  	s0 =	sadd.s32 $0xC00, s0;
	s16 =	sadd.s32 $0xC000, s6;
	[dreg:$0xa] =	wrdreg s10  }
0x12: {  	s15 =	sshll.u32 s5, $0x5;
	s17 =	sadd.s32 $0x10000, s6;
	[dreg:$0xb] =	wrdreg s16  }
0x13: {  	s19 =	ssub.s32 $0x984, s5;
	s2 =	sadd.s32 $0x17000, s2;
	[dreg:$0xc] =	wrdreg s17  }
0x14: {  	s22 =	simm.s32 $0x1;
	s10 =	sadd.s32 s7, s15;
	[dreg:$0x4] =	wrdreg s19  }
0x15: {  	[dreg:$0xf] =	wrdreg s2;
	s17 =	simm.s32 $0x14400;
	s18 =	sadd.s32 $0x400, s10  }
0x16: {  	s2 =	simm.s32 $0x6;
	s21 =	sadd.s32 $0x800, s10;
	[dreg:$0xd] =	wrdreg s18  }
0x17: {  	v0 =	vimm.f32 $0.0e+00;
	[dreg:$0xe] =	wrdreg s21;
	s18 =	simm.s32 $0x9;
	s21 =	simm.s32 $0x8  }
.LBB2_1:
0x18: {  	s7 =	simm.s32 $0x0;
	s8 =	simm.s32 $0x200  }
.LBB2_2:
0x19: {  	p0 =	sne.s32 s8, $0xFE00;
	[tilespmem:s7+$0x14470] =	vst v0  }
0x1a: {  	[tilespmem:s7+$0x14400] =	vst v0  }
0x1b: {  	[tilespmem:s7+$0x14410] =	vst v0  }
.Ltmp0:
0x1c: {  	[tilespmem:s7+$0x14420] =	vst v0;
	(pc) =	sbr.rel @p0 .LBB2_2-.Ltmp0, $4  }
0x1d: {  	[tilespmem:s7+$0x14430] =	vst v0  }
0x1e: {  	[tilespmem:s7+$0x14440] =	vst v0  }
0x1f: {  	[tilespmem:s7+$0x14450] =	vst v0  }
0x20: {  	[tilespmem:s7+$0x14460] =	vst v0;
	s7 =	sshra.s32 s8, $0x2;
	s8 =	sadd.s32 $0x200, s8  }
0x21: {  	[tilespmem:s7+$0x14470] =	vst v0  }
0x22: {  	[tilespmem:s7+$0x14400] =	vst v0  }
0x23: {  	[tilespmem:s7+$0x14410] =	vst v0  }
0x24: {  	[tilespmem:s7+$0x14420] =	vst v0  }
0x25: {  	[tilespmem:s7+$0x14430] =	vst v0  }
0x26: {  	[tilespmem:s7+$0x14440] =	vst v0  }
0x27: {  	[tilespmem:s7+$0x14450] =	vst v0  }
0x28: {  	[tilespmem:s7+$0x14460] =	vst v0  }
0x29: {  	[spmem:s6] =	stream.linear.scatter [tilespmem:s17], [sflag:$0x9], $0x4000, $0x38;
	[tilespmem:$0x1C400] =	vst v63  }
0x2a: {  	_ =	swait.ge [sflag:s18], $0x4000  }
0x2b: {  	[sflag:s18] =	ssyncset.done $0x0  }
0x2c: {  	s14 =	rddreg [dreg:$0x9];
	[sflag:s18] =	ssyncadd.s32 $0xFFFFC000  }
0x2d: {  	[spmem:s14] =	stream.linear.scatter [tilespmem:s17], [sflag:$0x9], $0x4000, $0x38;
	[tilespmem:$0x1C400] =	vst v63  }
0x2e: {  	_ =	swait.ge [sflag:s18], $0x4000  }
0x2f: {  	[sflag:s18] =	ssyncset.done $0x0  }
0x30: {  	s15 =	rddreg [dreg:$0xa];
	[sflag:s18] =	ssyncadd.s32 $0xFFFFC000  }
0x31: {  	[spmem:s15] =	stream.linear.scatter [tilespmem:s17], [sflag:$0x9], $0x4000, $0x38;
	[tilespmem:$0x1C400] =	vst v63  }
0x32: {  	_ =	swait.ge [sflag:s18], $0x4000  }
0x33: {  	[sflag:s18] =	ssyncset.done $0x0  }
0x34: {  	s16 =	rddreg [dreg:$0xb];
	[sflag:s18] =	ssyncadd.s32 $0xFFFFC000  }
0x35: {  	[spmem:s16] =	stream.linear.scatter [tilespmem:s17], [sflag:$0x9], $0x4000, $0x38;
	[tilespmem:$0x1C400] =	vst v63  }
0x36: {  	_ =	swait.ge [sflag:s18], $0x4000  }
0x37: {  	[sflag:s18] =	ssyncset.done $0x0  }
0x38: {  	s19 =	rddreg [dreg:$0xc];
	[sflag:s18] =	ssyncadd.s32 $0xFFFFC000  }
0x39: {  	[spmem:s19] =	stream.linear.scatter [tilespmem:s17], [sflag:$0x9], $0x4000, $0x38;
	[tilespmem:$0x1C400] =	vst v63  }
0x3a: {  	_ =	swait.ge [sflag:s18], $0x4000  }
0x3b: {  	[sflag:s18] =	ssyncset.done $0x0  }
0x3c: {  	[sflag:s18] =	ssyncadd.s32 $0xFFFFC000  }
0x3d: {  	s24 =	simm.s32 $0x0;
	s9 =	simm.s32 $0x14000;
	[bflag:$0x0] =	sbarrier.arrive $0xFFFF  }
0x3e: {  	[tilespmem:s9], [sflag:$0x1] =	stream.linear.gather [hbm4b:s10+s24], $0x100, $0x38;
	[tilespmem:$0x1C400] =	vst v63  }
0x3f: {  	s8 =	rddreg [dreg:$0xd]  }
0x40: {  	[tilespmem:s20], [sflag:$0x2] =	stream.linear.gather [hbm4b:s8+s24], $0x100, $0x38;
	[tilespmem:$0x1C400] =	vst v63  }
0x41: {  	s11 =	simm.s32 $0x14200;
	s25 =	rddreg [dreg:$0xe]  }
0x42: {  	[tilespmem:s11], [sflag:$0x3] =	stream.linear.gather [hbm4b:s25+s24], $0x100, $0x38;
	[tilespmem:$0x1C400] =	vst v63  }
0x43: {  	_ =	swait.ge [sflag:s22], $0x100  }
0x44: {  	[sflag:s22] =	ssyncset.done $0x0  }
0x45: {  	[sflag:s22] =	ssyncadd.s32 $0xFFFFFF00  }
0x46: {  	[tilespmem:s17], [sflag:$0x5] =	stream.indirect.gather [hbm4b:s1+s23], $0x80, s9, s23, $0xb8;
	[tilespmem:$0x1C400] =	vst v63  }
0x47: {  	s8 =	simm.s32 $0x14040;
	s9 =	simm.s32 $0x16400  }
0x48: {  	[tilespmem:s9], [sflag:$0x7] =	stream.indirect.gather [hbm4b:s1+s23], $0x80, s8, s23, $0xb8;
	[tilespmem:$0x1C400] =	vst v63  }
0x49: {  	_ =	swait.ge [sflag:s26], $0x100  }
0x4a: {  	[sflag:s26] =	ssyncset.done $0x0  }
0x4b: {  	s11 =	rddreg [dreg:$0x6];
	[sflag:s26] =	ssyncadd.s32 $0xFFFFFF00  }
0x4c: {  	[tilespmem:s28], [sflag:$0x6] =	stream.indirect.gather [hbm4b:s1+s23], $0x80, s20, s23, $0xb8;
	[tilespmem:$0x1C400] =	vst v63  }
0x4d: {  	s12 =	rddreg [dreg:$0x5]  }
0x4e: {  	[tilespmem:s11], [sflag:$0x8] =	stream.indirect.gather [hbm4b:s1+s23], $0x80, s12, s23, $0xb8;
	[tilespmem:$0x1C400] =	vst v63  }
0x4f: {  	_ =	swait.ge [sflag:s29], $0x2000  }
0x50: {  	[sflag:s29] =	ssyncset.done $0x0  }
0x51: {  	[sflag:s29] =	ssyncadd.s32 $0xFFFFE000  }
0x52: {  	_ =	swait.ge [sflag:s30], $0x2000  }
0x53: {  	s14 =	sadd.s32 $0x0, s5;
	[sflag:s30] =	ssyncset.done $0x0  }
0x54: {  	s15 =	sadd.s32 $0x60, s14;
	s13 =	rddreg [dreg:$0x7];
	[sflag:s30] =	ssyncadd.s32 $0xFFFFE000  }
0x55: {  	[spmem:s3] =	stream.indirect.scatter.add.f32 [tilespmem:s17], [sflag:$0x9], $0x80, s13, s31, $0xb8;
	[tilespmem:$0x1C400] =	vst v63  }
0x56: {  	p0 =	sgt.u32 s15, $0x9C3;
	_ =	swait.ge [sflag:s18], $0x4000  }
0x57: {  	s9 =	simm.s32 @!p0 $0x0;
	[sflag:s18] =	ssyncset.done $0x0;
	s16 =	rddreg [dreg:$0x4]  }
0x58: {  	s11 =	simm.s32 @!p0 $0x14300;
	[sflag:s18] =	ssyncadd.s32 $0xFFFFC000;
	p1 =	sle.u32 s16, $0x0  }
0x59: {  	[tilespmem:s11], [sflag:$0x4] =	stream.linear.gather @!p0 [hbm4b:s0+s9], $0x100, $0x38;
	[tilespmem:$0x1C400] =	vst v63  }
0x5a: {  	s8 =	simm.s32 @!p1 $0x3  }
0x5b: {  	_ =	swait.ge @!p1 [sflag:s8], $0x100  }
0x5c: {  	s9 =	simm.s32 @!p1 $0x14400;
	[sflag:s8] =	ssyncset.done @!p1 $0x0  }
0x5d: {  	s12 =	simm.s32 @!p1 $0x40;
	s13 =	simm.s32 @!p1 $0x14200;
	[sflag:s8] =	ssyncadd.s32 @!p1 $0xFFFFFF00  }
0x5e: {  	[tilespmem:s9], [sflag:$0x5] =	stream.indirect.gather @!p1 [hbm4b:s1+s12], $0x80, s13, s12, $0xb8;
	[tilespmem:$0x1C400] =	vst v63  }
0x5f: {  	s8 =	simm.s32 @!p1 $0x14240;
	s13 =	simm.s32 @!p1 $0x16400  }
0x60: {  	[tilespmem:s13], [sflag:$0x7] =	stream.indirect.gather @!p1 [hbm4b:s1+s12], $0x80, s8, s12, $0xb8;
	[tilespmem:$0x1C400] =	vst v63  }
0x61: {  	_ =	swait.ge [sflag:s2], $0x2000  }
0x62: {  	[sflag:s2] =	ssyncset.done $0x0  }
0x63: {  	[sflag:s2] =	ssyncadd.s32 $0xFFFFE000  }
0x64: {  	_ =	swait.ge [sflag:s21], $0x2000  }
0x65: {  	[sflag:s21] =	ssyncset.done $0x0  }
0x66: {  	s24 =	sadd.s32 $0x80, s14;
	s19 =	rddreg [dreg:$0x8];
	[sflag:s21] =	ssyncadd.s32 $0xFFFFE000  }
0x67: {  	[spmem:s3] =	stream.indirect.scatter.add.f32 [tilespmem:s28], [sflag:$0x9], $0x80, s19, s31, $0xb8;
	[tilespmem:$0x1C400] =	vst v63  }
0x68: {  	p2 =	sgt.u32 s24, $0x9C3;
	_ =	swait.ge [sflag:s18], $0x4000  }
0x69: {  	s16 =	simm.s32 @!p0 $0x4;
	s8 =	sadd.s32 @!p2 $0x400, s0;
	[sflag:s18] =	ssyncset.done $0x0  }
0x6a: {  	s12 =	simm.s32 @!p2 $0x0;
	s13 =	simm.s32 @!p2 $0x14000;
	[sflag:s18] =	ssyncadd.s32 $0xFFFFC000  }
0x6b: {  	[tilespmem:s13], [sflag:$0x1] =	stream.linear.gather @!p2 [hbm4b:s8+s12], $0x100, $0x38;
	[tilespmem:$0x1C400] =	vst v63  }
0x6c: {  	_ =	swait.ge @!p0 [sflag:s16], $0x100  }
0x6d: {  	[sflag:s16] =	ssyncset.done @!p0 $0x0  }
0x6e: {  	s8 =	simm.s32 @!p0 $0x40;
	s12 =	simm.s32 @!p0 $0x18400;
	[sflag:s16] =	ssyncadd.s32 @!p0 $0xFFFFFF00  }
0x6f: {  	[tilespmem:s12], [sflag:$0x6] =	stream.indirect.gather @!p0 [hbm4b:s1+s8], $0x80, s11, s8, $0xb8;
	[tilespmem:$0x1C400] =	vst v63  }
0x70: {  	s16 =	simm.s32 @!p0 $0x1A400;
	s11 =	simm.s32 @!p0 $0x14340  }
0x71: {  	[tilespmem:s16], [sflag:$0x8] =	stream.indirect.gather @!p0 [hbm4b:s1+s8], $0x80, s11, s8, $0xb8;
	[tilespmem:$0x1C400] =	vst v63  }
0x72: {  	s8 =	simm.s32 @!p1 $0x5  }
0x73: {  	_ =	swait.ge @!p1 [sflag:s8], $0x2000  }
0x74: {  	[sflag:s8] =	ssyncset.done @!p1 $0x0  }
0x75: {  	s11 =	simm.s32 @!p1 $0x7;
	[sflag:s8] =	ssyncadd.s32 @!p1 $0xFFFFE000  }
0x76: {  	_ =	swait.ge @!p1 [sflag:s11], $0x2000  }
0x77: {  	[sflag:s11] =	ssyncset.done @!p1 $0x0  }
0x78: {  	s8 =	simm.s32 @!p1 $0x80;
	[sflag:s11] =	ssyncadd.s32 @!p1 $0xFFFFE000;
	s11 =	simm.s32 @!p1 $0x14280  }
0x79: {  	[spmem:s3] =	stream.indirect.scatter.add.f32 @!p1 [tilespmem:s9], [sflag:$0x9], $0x80, s11, s8, $0xb8;
	[tilespmem:$0x1C400] =	vst v63  }
0x7a: {  	s25 =	sadd.s32 $0xA0, s14;
	s9 =	simm.s32 @!p1 $0x9  }
0x7b: {  	p3 =	sgt.u32 s25, $0x9C3;
	_ =	swait.ge @!p1 [sflag:s9], $0x4000  }
0x7c: {  	s8 =	sadd.s32 @!p3 $0x800, s0;
	[sflag:s9] =	ssyncset.done @!p1 $0x0  }
0x7d: {  	s11 =	simm.s32 @!p3 $0x14100;
	[sflag:s9] =	ssyncadd.s32 @!p1 $0xFFFFC000;
	s9 =	simm.s32 @!p3 $0x0  }
0x7e: {  	[tilespmem:s11], [sflag:$0x2] =	stream.linear.gather @!p3 [hbm4b:s8+s9], $0x100, $0x38;
	[tilespmem:$0x1C400] =	vst v63  }
0x7f: {  	s8 =	simm.s32 @!p2 $0x1  }
0x80: {  	_ =	swait.ge @!p2 [sflag:s8], $0x100  }
0x81: {  	[sflag:s8] =	ssyncset.done @!p2 $0x0  }
0x82: {  	s9 =	simm.s32 @!p2 $0x40;
	[sflag:s8] =	ssyncadd.s32 @!p2 $0xFFFFFF00;
	s8 =	simm.s32 @!p2 $0x14400  }
0x83: {  	[tilespmem:s8], [sflag:$0x5] =	stream.indirect.gather @!p2 [hbm4b:s1+s9], $0x80, s13, s9, $0xb8;
	[tilespmem:$0x1C400] =	vst v63  }
0x84: {  	s11 =	simm.s32 @!p2 $0x16400;
	s8 =	simm.s32 @!p2 $0x14040  }
0x85: {  	[tilespmem:s11], [sflag:$0x7] =	stream.indirect.gather @!p2 [hbm4b:s1+s9], $0x80, s8, s9, $0xb8;
	[tilespmem:$0x1C400] =	vst v63  }
0x86: {  	s8 =	simm.s32 @!p0 $0x6  }
0x87: {  	_ =	swait.ge @!p0 [sflag:s8], $0x2000  }
0x88: {  	[sflag:s8] =	ssyncset.done @!p0 $0x0  }
0x89: {  	s9 =	simm.s32 @!p0 $0x8;
	[sflag:s8] =	ssyncadd.s32 @!p0 $0xFFFFE000  }
0x8a: {  	_ =	swait.ge @!p0 [sflag:s9], $0x2000  }
0x8b: {  	s7 =	sadd.s32 $0xC0, s14;
	[sflag:s9] =	ssyncset.done @!p0 $0x0  }
0x8c: {  	s8 =	simm.s32 @!p0 $0x80;
	[sflag:s9] =	ssyncadd.s32 @!p0 $0xFFFFE000;
	s9 =	simm.s32 @!p0 $0x14380  }
0x8d: {  	[spmem:s3] =	stream.indirect.scatter.add.f32 @!p0 [tilespmem:s12], [sflag:$0x9], $0x80, s9, s8, $0xb8;
	[tilespmem:$0x1C400] =	vst v63  }
0x8e: {  	s24 =	simm.s32 $0x80;
	s25 =	sadd.s32 $0x1000, s0;
	s8 =	simm.s32 @!p0 $0x9  }
0x8f: {  	s16 =	smov.u32 s0;
	p2 =	sgt.u32 s7, $0x9C3;
	_ =	swait.ge @!p0 [sflag:s8], $0x4000  }
.LBB2_4:
0x90: {  	[sflag:s8] =	ssyncset.done @!p0 $0x0;
	s7 =	sadd.s32 @!p2 $0xC00, s16  }
0x91: {  	s9 =	simm.s32 @!p2 $0x14200;
	[sflag:s8] =	ssyncadd.s32 @!p0 $0xFFFFC000;
	s8 =	simm.s32 @!p2 $0x0  }
0x92: {  	[tilespmem:s9], [sflag:$0x3] =	stream.linear.gather @!p2 [hbm4b:s7+s8], $0x100, $0x38;
	[tilespmem:$0x1C400] =	vst v63  }
0x93: {  	_ =	swait.ge [sflag:s26], $0x100  }
0x94: {  	[sflag:s26] =	ssyncset.done $0x0  }
0x95: {  	s12 =	rddreg [dreg:$0x6];
	[sflag:s26] =	ssyncadd.s32 $0xFFFFFF00  }
0x96: {  	[tilespmem:s28], [sflag:$0x6] =	stream.indirect.gather [hbm4b:s1+s23], $0x80, s20, s23, $0xb8;
	[tilespmem:$0x1C400] =	vst v63  }
0x97: {  	s13 =	rddreg [dreg:$0x5]  }
0x98: {  	[tilespmem:s12], [sflag:$0x8] =	stream.indirect.gather [hbm4b:s1+s23], $0x80, s13, s23, $0xb8;
	[tilespmem:$0x1C400] =	vst v63  }
0x99: {  	_ =	swait.ge [sflag:s29], $0x2000  }
0x9a: {  	[sflag:s29] =	ssyncset.done $0x0  }
0x9b: {  	[sflag:s29] =	ssyncadd.s32 $0xFFFFE000  }
0x9c: {  	s11 =	smov.u32 s24;
	_ =	swait.ge [sflag:s30], $0x2000  }
0x9d: {  	s9 =	sadd.s32 s11, s5;
	[sflag:s30] =	ssyncset.done $0x0  }
0x9e: {  	s15 =	sadd.s32 $0x60, s9;
	s14 =	rddreg [dreg:$0x7];
	[sflag:s30] =	ssyncadd.s32 $0xFFFFE000  }
0x9f: {  	[spmem:s3] =	stream.indirect.scatter.add.f32 [tilespmem:s17], [sflag:$0x9], $0x80, s14, s31, $0xb8;
	[tilespmem:$0x1C400] =	vst v63  }
0xa0: {  	p0 =	sgt.u32 s15, $0x9C3;
	_ =	swait.ge [sflag:s18], $0x4000  }
0xa1: {  	s19 =	simm.s32 @!p0 $0x0;
	[sflag:s18] =	ssyncset.done $0x0;
	s14 =	rddreg [dreg:$0x4]  }
0xa2: {  	s12 =	simm.s32 @!p0 $0x14300;
	[sflag:s18] =	ssyncadd.s32 $0xFFFFC000;
	p2 =	sge.u32 s11, s14  }
0xa3: {  	[tilespmem:s12], [sflag:$0x4] =	stream.linear.gather @!p0 [hbm4b:s25+s19], $0x100, $0x38;
	[tilespmem:$0x1C400] =	vst v63  }
0xa4: {  	s11 =	simm.s32 @!p2 $0x3  }
0xa5: {  	s8 =	sadd.s32 $0xA0, s9;
	s7 =	sadd.s32 $0xC0, s9;
	_ =	swait.ge @!p2 [sflag:s11], $0x100  }
0xa6: {  	s13 =	sadd.s32 $0x80, s9;
	s9 =	simm.s32 @!p2 $0x14400;
	[sflag:s11] =	ssyncset.done @!p2 $0x0  }
0xa7: {  	s14 =	simm.s32 @!p2 $0x40;
	s19 =	simm.s32 @!p2 $0x14200;
	[sflag:s11] =	ssyncadd.s32 @!p2 $0xFFFFFF00  }
0xa8: {  	[tilespmem:s9], [sflag:$0x5] =	stream.indirect.gather @!p2 [hbm4b:s1+s14], $0x80, s19, s14, $0xb8;
	[tilespmem:$0x1C400] =	vst v63  }
0xa9: {  	s15 =	simm.s32 @!p2 $0x16400;
	s11 =	simm.s32 @!p2 $0x14240  }
0xaa: {  	[tilespmem:s15], [sflag:$0x7] =	stream.indirect.gather @!p2 [hbm4b:s1+s14], $0x80, s11, s14, $0xb8;
	[tilespmem:$0x1C400] =	vst v63  }
0xab: {  	_ =	swait.ge [sflag:s2], $0x2000  }
0xac: {  	[sflag:s2] =	ssyncset.done $0x0  }
0xad: {  	[sflag:s2] =	ssyncadd.s32 $0xFFFFE000  }
0xae: {  	_ =	swait.ge [sflag:s21], $0x2000  }
0xaf: {  	[sflag:s21] =	ssyncset.done $0x0  }
0xb0: {  	s19 =	rddreg [dreg:$0x8];
	[sflag:s21] =	ssyncadd.s32 $0xFFFFE000  }
0xb1: {  	[spmem:s3] =	stream.indirect.scatter.add.f32 [tilespmem:s28], [sflag:$0x9], $0x80, s19, s31, $0xb8;
	[tilespmem:$0x1C400] =	vst v63  }
0xb2: {  	p3 =	sgt.u32 s13, $0x9C3;
	_ =	swait.ge [sflag:s18], $0x4000  }
0xb3: {  	s13 =	simm.s32 @!p3 $0x14000;
	s11 =	sadd.s32 @!p3 $0x400, s25;
	[sflag:s18] =	ssyncset.done $0x0  }
0xb4: {  	s14 =	simm.s32 @!p3 $0x0;
	s15 =	simm.s32 @!p0 $0x4;
	[sflag:s18] =	ssyncadd.s32 $0xFFFFC000  }
0xb5: {  	[tilespmem:s13], [sflag:$0x1] =	stream.linear.gather @!p3 [hbm4b:s11+s14], $0x100, $0x38;
	[tilespmem:$0x1C400] =	vst v63  }
0xb6: {  	_ =	swait.ge @!p0 [sflag:s15], $0x100  }
0xb7: {  	[sflag:s15] =	ssyncset.done @!p0 $0x0  }
0xb8: {  	s14 =	simm.s32 @!p0 $0x40;
	s11 =	simm.s32 @!p0 $0x18400;
	[sflag:s15] =	ssyncadd.s32 @!p0 $0xFFFFFF00  }
0xb9: {  	[tilespmem:s11], [sflag:$0x6] =	stream.indirect.gather @!p0 [hbm4b:s1+s14], $0x80, s12, s14, $0xb8;
	[tilespmem:$0x1C400] =	vst v63  }
0xba: {  	s19 =	simm.s32 @!p0 $0x1A400;
	s15 =	simm.s32 @!p0 $0x14340;
	s12 =	simm.s32 @!p2 $0x5  }
0xbb: {  	[tilespmem:s19], [sflag:$0x8] =	stream.indirect.gather @!p0 [hbm4b:s1+s14], $0x80, s15, s14, $0xb8;
	[tilespmem:$0x1C400] =	vst v63  }
0xbc: {  	_ =	swait.ge @!p2 [sflag:s12], $0x2000  }
0xbd: {  	[sflag:s12] =	ssyncset.done @!p2 $0x0  }
0xbe: {  	s14 =	simm.s32 @!p2 $0x7;
	[sflag:s12] =	ssyncadd.s32 @!p2 $0xFFFFE000  }
0xbf: {  	_ =	swait.ge @!p2 [sflag:s14], $0x2000  }
0xc0: {  	s15 =	simm.s32 @!p2 $0x14280;
	[sflag:s14] =	ssyncset.done @!p2 $0x0  }
0xc1: {  	s12 =	simm.s32 @!p2 $0x80;
	[sflag:s14] =	ssyncadd.s32 @!p2 $0xFFFFE000;
	s14 =	simm.s32 @!p2 $0x9  }
0xc2: {  	[spmem:s3] =	stream.indirect.scatter.add.f32 @!p2 [tilespmem:s9], [sflag:$0x9], $0x80, s15, s12, $0xb8;
	[tilespmem:$0x1C400] =	vst v63  }
0xc3: {  	p4 =	sgt.u32 s8, $0x9C3;
	_ =	swait.ge @!p2 [sflag:s14], $0x4000  }
0xc4: {  	s8 =	sadd.s32 @!p4 $0x800, s25;
	s9 =	simm.s32 @!p4 $0x14100;
	[sflag:s14] =	ssyncset.done @!p2 $0x0  }
0xc5: {  	s12 =	simm.s32 @!p4 $0x0;
	[sflag:s14] =	ssyncadd.s32 @!p2 $0xFFFFC000;
	s14 =	simm.s32 @!p3 $0x1  }
0xc6: {  	[tilespmem:s9], [sflag:$0x2] =	stream.linear.gather @!p4 [hbm4b:s8+s12], $0x100, $0x38;
	[tilespmem:$0x1C400] =	vst v63  }
0xc7: {  	_ =	swait.ge @!p3 [sflag:s14], $0x100  }
0xc8: {  	[sflag:s14] =	ssyncset.done @!p3 $0x0  }
0xc9: {  	s8 =	simm.s32 @!p3 $0x40;
	s9 =	simm.s32 @!p3 $0x14400;
	[sflag:s14] =	ssyncadd.s32 @!p3 $0xFFFFFF00  }
0xca: {  	[tilespmem:s9], [sflag:$0x5] =	stream.indirect.gather @!p3 [hbm4b:s1+s8], $0x80, s13, s8, $0xb8;
	[tilespmem:$0x1C400] =	vst v63  }
0xcb: {  	s12 =	simm.s32 @!p3 $0x14040;
	s14 =	simm.s32 @!p3 $0x16400;
	s9 =	simm.s32 @!p0 $0x6  }
0xcc: {  	[tilespmem:s14], [sflag:$0x7] =	stream.indirect.gather @!p3 [hbm4b:s1+s8], $0x80, s12, s8, $0xb8;
	[tilespmem:$0x1C400] =	vst v63  }
0xcd: {  	_ =	swait.ge @!p0 [sflag:s9], $0x2000  }
0xce: {  	s24 =	sadd.s32 $0x80, s24;
	[sflag:s9] =	ssyncset.done @!p0 $0x0  }
0xcf: {  	p1 =	sne.s32 s24, $0xA00;
	s8 =	simm.s32 @!p0 $0x8;
	[sflag:s9] =	ssyncadd.s32 @!p0 $0xFFFFE000  }
.Ltmp1:
0xd0: {  	_ =	swait.ge @!p0 [sflag:s8], $0x2000;
	(pc) =	sbr.rel @p1 .LBB2_4-.Ltmp1, $4  }
0xd1: {  	s16 =	smov.u32 s25;
	s12 =	simm.s32 @!p0 $0x14380;
	[sflag:s8] =	ssyncset.done @!p0 $0x0  }
0xd2: {  	s9 =	simm.s32 @!p0 $0x80;
	[sflag:s8] =	ssyncadd.s32 @!p0 $0xFFFFE000;
	s8 =	simm.s32 @!p0 $0x9  }
0xd3: {  	[spmem:s3] =	stream.indirect.scatter.add.f32 @!p0 [tilespmem:s11], [sflag:$0x9], $0x80, s12, s9, $0xb8;
	[tilespmem:$0x1C400] =	vst v63  }
0xd4: {  	s25 =	sadd.s32 $0x1000, s25;
	p2 =	sgt.u32 s7, $0x9C3;
	_ =	swait.ge @!p0 [sflag:s8], $0x4000  }
0xd5: {  	[sflag:s8] =	ssyncset.done @!p0 $0x0;
	s7 =	sadd.s32 @!p2 $0xC00, s16;
	s9 =	simm.s32 @!p2 $0x14200  }
0xd6: {  	s16 =	stileid.u32;
	[sflag:s8] =	ssyncadd.s32 @!p0 $0xFFFFC000;
	s8 =	simm.s32 @!p2 $0x0  }
0xd7: {  	[tilespmem:s9], [sflag:$0x3] =	stream.linear.gather @!p2 [hbm4b:s7+s8], $0x100, $0x38;
	[tilespmem:$0x1C400] =	vst v63  }
0xd8: {  	s7 =	sshll.u32 s16, $0x6;
	[bflag:$0x0] =	sbarrier.arrive $0xFFFF  }
0xd9: {  	s19 =	sshrl.u32 s6, $0x3;
	s7 =	sor.u32 $0x1C09, s7;
	s24 =	rddreg [dreg:$0xf]  }
0xda: {  	[hbm:s24], [sflag:s7] =	dma.local [spmem:s19], $0x2800  }
0xdb: {  	_ =	swait.ge [sflag:s18], $0x2800  }
0xdc: {  	s4 =	sadd.s32 $0x1, s4;
	s25 =	rddreg [dreg:$0x10]  }
0xdd: {  	p0 =	sne.s32 s4, s25  }
.Ltmp2:
0xde: {  	_ = 	snop;
	(pc) =	sbr.rel @p0 .LBB2_1-.Ltmp2, $3  }
0xdf: {  	_ =	sdelay $0x1  }
0xe0: {  	[sflag:s18] =	ssyncset.done $0x0  }
0xe1: {  	[sflag:s18] =	ssyncadd.s32 $0xFFFFD800  }
0xe2: {  	_ =	sfence.sel $0x180000  }
0xe3: {  	[bflag:$0x0] =	sbarrier.arrive $0xFFFF  }
0xe4: {  	_ =	strace $0x9000004A  }
0xe5: {  	s0 =	stileid.u32;
	[bflag:$0x2] =	sbarrier.arrive $0xFFFF  }
0xe6: {  	p0 =	sne.s32 s0, $0x0;
	s0 =	rddreg [dreg:$0x3]  }
0xe7: {  	s0 =	sadd.s32 @!p0 $0x100000, s0  }
0xe8: {  	[sflag:s0] =	ssyncadd.tile.s32 @!p0 $0x1;
	_ =	shalt  }
.Lfunc_end2:
_tile_overlayer_lowered:
.L_overlay_start_2:
0xe9: {  	(tag) =	ssettag $0x2  }
0xea: {  	s0 =	rddreg [dreg:$0x0];
	s2 =	stileid.u32  }
0xeb: {  	s1 =	rddreg [dreg:$0x1];
	p0 =	sne.s32 s2, $0x0  }
0xec: {  	s3 =	rddreg [dreg:$0x2];
	[bflag:$0x3] =	sbarrier.arrive $0xFFFF;
	s2 =	simm.s32 @!p0 $0x1C09  }
0xed: {  	[timem:s3], [sflag:s2] =	dma.local @!p0 [hbm:s0], s1  }
0xee: {  	s0 =	simm.s32 @!p0 $0x9  }
0xef: {  	_ =	swait.ge @!p0 [sflag:s0], s1  }
0xf0: {  	s1 =	ssub.s32 @!p0 $0x0, s1;
	[sflag:s0] =	ssyncset.done @!p0 $0x0  }
0xf1: {  	[sflag:s0] =	ssyncadd.s32 @!p0 s1  }
0xf2: {  	[bflag:$0x3] =	sbarrier.arrive $0xFFFF  }
0xf3: {  	_ =	shalt  }

</sc_bundles>
